<compile_context>
chip_gen: v7x
topology: tpu7x:2x2x1
jax: 0.10.2.dev20260603
libtpu: 0.0.44.dev20260713+nightly
codegen_flags: <defaults>
</compile_context>

<pallas_src>
import jax
import jax.numpy as jnp
from jax import lax
from jax.experimental import pallas as pl
from jax.experimental.pallas import tpu as pltpu
from jax.experimental.pallas import tpu_sc as plsc

N = 10000
D = 128
E = 320000
R = 4
NC = 2
NS = 16
CH = 128
NW = 40
NWA = 80
SLAB = 632
NPAD = NS * SLAB

PER_TILE_REL = E // R // NS
PER_TILE_ALL = E // (NC * NS)


def _mesh():
  return plsc.VectorSubcoreMesh(
      core_axis_name="c", subcore_axis_name="s", num_cores=NC, num_subcores=NS)


def _pipe(h_hbm, src_v, dst_v, nch, gbufs, acc, gsems, ssem):

  def one_iter(j, b, wait_sc_pred, issue_g_pred):
    bn = (b + 1) % 2

    def wait_sc():
      pltpu.make_async_copy(gbufs[bn], acc.at[dst_v.at[j - 1]], ssem).wait()
    if wait_sc_pred is True:
      wait_sc()
    elif wait_sc_pred is not False:
      pl.when(wait_sc_pred)(wait_sc)

    def issue_g():
      pltpu.make_async_copy(
          h_hbm.at[src_v.at[j + 1]], gbufs[bn], gsems[bn]).start()
    if issue_g_pred is True:
      issue_g()
    elif issue_g_pred is not False:
      pl.when(issue_g_pred)(issue_g)

    pltpu.make_async_copy(h_hbm.at[src_v.at[j]], gbufs[b], gsems[b]).wait()
    pltpu.make_async_copy(gbufs[b], acc.at[dst_v.at[j]], ssem).start(add=True)

  pltpu.make_async_copy(h_hbm.at[src_v.at[0]], gbufs[0], gsems[0]).start()

  npair = nch // 2

  def pair(p, carry):
    j0 = p * 2
    one_iter(j0 + 0, 0, p >= 1, True)
    one_iter(j0 + 1, 1, True, p < npair - 1)
    return carry

  lax.fori_loop(0, npair, pair, 0)

  pltpu.make_async_copy(
      gbufs[(nch - 1) % 2], acc.at[dst_v.at[nch - 1]], ssem).wait()


def _sc_seg_kernel(all_edges):
  n_out = NC if all_edges else R
  nwt = NWA if all_edges else NW
  out_type = jax.ShapeDtypeStruct((n_out, NPAD, D), jnp.float32)
  scratch = [
      pltpu.VMEM((NW, CH), jnp.int32),
      pltpu.VMEM((NW, CH), jnp.int32),
      pltpu.VMEM((2, CH, D), jnp.float32),
      pltpu.VMEM_SHARED((NPAD, D), jnp.float32),
      pltpu.SemaphoreType.DMA,
      pltpu.SemaphoreType.DMA,
      pltpu.SemaphoreType.DMA,
  ]

  def body(src_hbm, dst_hbm, h_hbm, zeros_hbm, s_out,
           src_v, dst_v, gbuf, acc, gsem0, gsem1, ssem):
    c = lax.axis_index("c")
    s = lax.axis_index("s")
    slab = pl.ds(s * SLAB, SLAB)
    gbufs = tuple(gbuf.at[k] for k in range(2))
    gsems = (gsem0, gsem1)
    n_phases = 1 if all_edges else 2
    for ph in range(n_phases):
      out_idx = c if all_edges else c * 2 + ph
      pltpu.sync_copy(zeros_hbm, acc.at[slab])
      plsc.subcore_barrier()
      for w in range(nwt // NW):
        win = pl.ds(w * NW, NW)
        pltpu.sync_copy(src_hbm.at[out_idx, s, win], src_v)
        pltpu.sync_copy(dst_hbm.at[out_idx, s, win], dst_v)
        _pipe(h_hbm, src_v, dst_v, NW, gbufs, acc, gsems, ssem)
      plsc.subcore_barrier()
      pltpu.sync_copy(acc.at[slab], s_out.at[out_idx, slab])
      plsc.subcore_barrier()

  return pl.kernel(body, out_type, mesh=_mesh(), scratch_types=scratch)


def _sc_deg_kernel():
  out_type = jax.ShapeDtypeStruct((R, NPAD, D), jnp.float32)
  scratch = [
      pltpu.VMEM((NW, CH), jnp.int32),
      pltpu.VMEM((CH, D), jnp.float32),
      pltpu.VMEM_SHARED((NPAD, D), jnp.float32),
      pltpu.SemaphoreType.DMA,
  ]

  def body(dst_hbm, zeros_hbm, ones_hbm, deg_out,
           dst_v, ones_v, dacc, dsem):
    c = lax.axis_index("c")
    s = lax.axis_index("s")
    slab = pl.ds(s * SLAB, SLAB)
    pltpu.sync_copy(ones_hbm, ones_v)
    for rr in range(R // NC):
      rel = c * (R // NC) + rr
      pltpu.sync_copy(zeros_hbm, dacc.at[slab])
      plsc.subcore_barrier()
      pltpu.sync_copy(dst_hbm.at[rel, s], dst_v)

      def step(j, carry):
        def wait_prev():
          pltpu.make_async_copy(ones_v, dacc.at[dst_v.at[j - 1]], dsem).wait()
        pl.when(j >= 1)(wait_prev)
        pltpu.make_async_copy(ones_v, dacc.at[dst_v.at[j]], dsem).start(
            add=True)
        return carry

      lax.fori_loop(0, NW, step, 0)
      pltpu.make_async_copy(ones_v, dacc.at[dst_v.at[NW - 1]], dsem).wait()
      plsc.subcore_barrier()
      pltpu.sync_copy(dacc.at[slab], deg_out.at[rel, slab])
      plsc.subcore_barrier()

  return pl.kernel(body, out_type, mesh=_mesh(), scratch_types=scratch)


def _proj_body(x_ref, w_ref, b_ref, o_ref):
  o_ref[...] = (jnp.dot(x_ref[...], w_ref[...],
                        preferred_element_type=jnp.float32) + b_ref[...])


def _proj(x, W, b2d):
  br = 1000
  return pl.pallas_call(
      _proj_body,
      grid=(N // br,),
      in_specs=[
          pl.BlockSpec((br, D), lambda i: (i, 0)),
          pl.BlockSpec((D, D), lambda i: (0, 0)),
          pl.BlockSpec((1, D), lambda i: (0, 0)),
      ],
      out_specs=pl.BlockSpec((br, D), lambda i: (i, 0)),
      out_shape=jax.ShapeDtypeStruct((N, D), jnp.float32),
  )(x, W, b2d)


def _make_combine_body(br, prompt):
  def body(coeff_ref, s_ref, deg_ref, basis_ref, bias_ref, pw_ref, o_ref):
    t0 = jnp.zeros((br, D), jnp.float32)
    t1 = jnp.zeros((br, D), jnp.float32)
    for r in range(R):
      dinv = 1.0 / jnp.maximum(deg_ref[r, :, 0:1], 1.0)
      u = s_ref[r] * dinv
      t0 = t0 + coeff_ref[r, 0] * u
      t1 = t1 + coeff_ref[r, 1] * u
    h = (jnp.dot(t0, basis_ref[0], preferred_element_type=jnp.float32,
                 precision=lax.Precision.HIGHEST)
         + jnp.dot(t1, basis_ref[1], preferred_element_type=jnp.float32,
                   precision=lax.Precision.HIGHEST)
         + bias_ref[...])
    h = jnp.maximum(h, 0.0)
    if prompt:
      z = h * pw_ref[...]
      h = jnp.where(z > 0.0, z, jnp.exp(z) - 1.0)
    o_ref[...] = h
  return body


def _combine(s, deg, basis, coeff, bias2d, prompt_w):
  br = 632
  prompt = prompt_w is not None
  if prompt_w is None:
    prompt_w = bias2d
  return pl.pallas_call(
      _make_combine_body(br, prompt),
      grid=(NPAD // br,),
      in_specs=[
          pl.BlockSpec(memory_space=pltpu.SMEM),
          pl.BlockSpec((R, br, D), lambda i: (0, i, 0)),
          pl.BlockSpec((R, br, D), lambda i: (0, i, 0)),
          pl.BlockSpec((2, D, D), lambda i: (0, 0, 0)),
          pl.BlockSpec((1, D), lambda i: (0, 0)),
          pl.BlockSpec((1, D), lambda i: (0, 0)),
      ],
      out_specs=pl.BlockSpec((br, D), lambda i: (i, 0)),
      out_shape=jax.ShapeDtypeStruct((NPAD, D), jnp.float32),
  )(coeff, s, deg, basis, bias2d, prompt_w)


def _sum_partials_body(p_ref, o_ref):
  o_ref[...] = p_ref[0] + p_ref[1]


def _sum_partials(p):
  br = 632
  return pl.pallas_call(
      _sum_partials_body,
      grid=(NPAD // br,),
      in_specs=[pl.BlockSpec((NC, br, D), lambda i: (0, i, 0))],
      out_specs=pl.BlockSpec((br, D), lambda i: (i, 0)),
      out_shape=jax.ShapeDtypeStruct((NPAD, D), jnp.float32),
  )(p)


def kernel(x, edge_index, W_proj, b_proj, basis1, coeff1, bias1,
           basis2, coeff2, bias2, prompt_w):
  ei = edge_index.astype(jnp.int32)

  pad_rel = NW * CH - PER_TILE_REL
  src_r = ei[0].reshape(R, NS, PER_TILE_REL)
  dst_r = ei[1].reshape(R, NS, PER_TILE_REL)
  src_rp = jnp.pad(src_r, ((0, 0), (0, 0), (0, pad_rel))
                   ).reshape(R, NS, NW, CH)
  dst_rp = jnp.pad(dst_r, ((0, 0), (0, 0), (0, pad_rel)),
                   constant_values=NPAD - 1).reshape(R, NS, NW, CH)

  pad_all = NWA * CH - PER_TILE_ALL
  src_a = ei[0].reshape(NC, NS, PER_TILE_ALL)
  dst_a = ei[1].reshape(NC, NS, PER_TILE_ALL)
  src_ap = jnp.pad(src_a, ((0, 0), (0, 0), (0, pad_all))
                   ).reshape(NC, NS, NWA, CH)
  dst_ap = jnp.pad(dst_a, ((0, 0), (0, 0), (0, pad_all)),
                   constant_values=NPAD - 1).reshape(NC, NS, NWA, CH)

  zeros = jnp.zeros((SLAB, D), jnp.float32)
  ones = jnp.ones((CH, D), jnp.float32)

  h0 = _proj(x, W_proj, b_proj.reshape(1, D))

  deg = _sc_deg_kernel()(dst_rp, zeros, ones)
  s1 = _sc_seg_kernel(False)(src_rp, dst_rp, h0, zeros)
  h1 = _combine(s1, deg, basis1, coeff1, bias1.reshape(1, D), None)

  s2 = _sc_seg_kernel(False)(src_rp, dst_rp, h1, zeros)
  hp = _combine(s2, deg, basis2, coeff2, bias2.reshape(1, D),
                prompt_w.reshape(1, D))

  part = _sc_seg_kernel(True)(src_ap, dst_ap, hp, zeros)
  out = _sum_partials(part)
  return out[:N]

# --- scband reference (transcript-rebuilt; emitter-appended) ---
"""Pipeline reference for scband-unified-gnn-17592186044976 (READ-ONLY COPY).

The authoritative reference and input builder live on the scoring server;
editing this copy changes nothing except your own understanding.
"""

import jax, jax.numpy as jnp
import numpy as np

N_NODES = 10000
D = 128
E = 320000
R = 4          # number of edge types (graph.etypes)
NUM_BASES = 2


def setup_inputs(seed: int = 0) -> dict:
    key = jax.random.key(seed)
    ks = jax.random.split(key, 12)
    x = jax.random.normal(ks[0], (N_NODES, D), dtype=jnp.float32)
    edge_index = jax.random.randint(ks[1], (2, E), 0, N_NODES)
    s = 1.0 / np.sqrt(D)
    # projection_layer for ntype 'node'
    W_proj = jax.random.normal(ks[2], (D, D), dtype=jnp.float32) * s
    b_proj = jnp.zeros((D,), dtype=jnp.float32)
    # RelGraphConvLayer 1 (basis decomposition: basis [B, in, out], coeff [R, B])
    basis1 = jax.random.normal(ks[3], (NUM_BASES, D, D), dtype=jnp.float32) * s
    coeff1 = jax.random.normal(ks[4], (R, NUM_BASES), dtype=jnp.float32) * (1.0 / np.sqrt(NUM_BASES))
    bias1 = jnp.zeros((D,), dtype=jnp.float32)
    # RelGraphConvLayer 2
    basis2 = jax.random.normal(ks[5], (NUM_BASES, D, D), dtype=jnp.float32) * s
    coeff2 = jax.random.normal(ks[6], (R, NUM_BASES), dtype=jnp.float32) * (1.0 / np.sqrt(NUM_BASES))
    bias2 = jnp.zeros((D,), dtype=jnp.float32)
    # UnifiedPromptLayer (mode='weighted_sum')
    prompt_w = jax.random.normal(ks[7], (1, D), dtype=jnp.float32) * s
    return {"x": x, "edge_index": edge_index, "W_proj": W_proj, "b_proj": b_proj,
            "basis1": basis1, "coeff1": coeff1, "bias1": bias1,
            "basis2": basis2, "coeff2": coeff2, "bias2": bias2,
            "prompt_w": prompt_w}


def _rel_graph_conv_layer(h, edge_index, basis, coeff, bias):
    # weight[r] = sum_b coeff[r,b] * basis[b]  (WeightBasis)
    N = h.shape[0]
    weight = jnp.einsum('rb,bio->rio', coeff, basis)
    n_edges = edge_index.shape[1]
    Er = n_edges // R
    out = jnp.zeros((N, weight.shape[2]), dtype=h.dtype)
    for r in range(R):
        src = edge_index[0, r * Er:(r + 1) * Er]
        dst = edge_index[1, r * Er:(r + 1) * Er]
        # GraphConv(norm='right', weight supplied externally): aggregate then divide by in-degree
        xw = h @ weight[r]
        m = jnp.take(xw, src, axis=0)
        s = jax.ops.segment_sum(m, dst, num_segments=N)
        deg = jax.ops.segment_sum(jnp.ones((Er,), dtype=h.dtype), dst, num_segments=N)
        deg = jnp.maximum(deg, 1.0)
        # HeteroGraphConv default aggregate='sum' across etypes
        out = out + s / deg[:, None]
    # h_bias + relu activation (dropout is identity in eval)
    return jax.nn.relu(out + bias)


def reference(x, edge_index, W_proj, b_proj, basis1, coeff1, bias1, basis2, coeff2, bias2, prompt_w):
    # projection layer
    h = x @ W_proj + b_proj
    # two RelGraphConvLayers
    h = _rel_graph_conv_layer(h, edge_index, basis1, coeff1, bias1)
    h = _rel_graph_conv_layer(h, edge_index, basis2, coeff2, bias2)
    # UnifiedPromptLayer, mode='weighted_sum': h = elu(h * w) then copy_u/sum message passing
    hp = jax.nn.elu(h * prompt_w)
    src = edge_index[0]
    dst = edge_index[1]
    out = jax.ops.segment_sum(jnp.take(hp, src, axis=0), dst, num_segments=h.shape[0])
    return out

if __name__ == "__main__":
    import jax
    _d = setup_inputs()
    print(jax.jit(kernel)(*tuple(_d.values())))

</pallas_src>

<mosaic_0001>
#map = affine_map<(d0, d1) -> (0, 0, 0, 0)>
#map1 = affine_map<(d0, d1) -> (0, 0)>
#map2 = affine_map<(d0, d1) -> (0, 0, 0)>
module attributes {stable_mosaic.version = 14 : i64} {
  func.func @body(%arg0: i32, %arg1: i32, %arg2: memref<4x16x40x128xi32, #tpu.memory_space<hbm>>, %arg3: memref<4x16x40x128xi32, #tpu.memory_space<hbm>>, %arg4: memref<10000x128xf32, #tpu.memory_space<hbm>>, %arg5: memref<632x128xf32, #tpu.memory_space<hbm>>, %arg6: memref<4x10112x128xf32, #tpu.memory_space<hbm>>, %arg7: memref<40x128xi32, #tpu.memory_space<vmem>>, %arg8: memref<40x128xi32, #tpu.memory_space<vmem>>, %arg9: memref<2x128x128xf32, #tpu.memory_space<vmem>>, %arg10: memref<10112x128xf32, #tpu.memory_space<vmem_shared>>, %arg11: memref<!tpu.dma_semaphore, #tpu.memory_space<semaphore_mem>>, %arg12: memref<!tpu.dma_semaphore, #tpu.memory_space<semaphore_mem>>, %arg13: memref<!tpu.dma_semaphore, #tpu.memory_space<semaphore_mem>>) attributes {dimension_semantics = [#tpu.dimension_semantics<core_parallel>, #tpu.dimension_semantics<subcore_parallel>], iteration_bounds = array<i64: 2, 16>, scalar_prefetch = 0 : i64, scratch_operands = 7 : i64, tpu.core_type = #tpu.core_type<sc_vector_subcore>, window_params = [{transform_indices = #map}, {transform_indices = #map}, {transform_indices = #map1}, {transform_indices = #map1}, {transform_indices = #map2}]} {
    %mul3A = arith.constant 632 : i32
    %mul3A_0 = arith.muli %arg1, %mul3A : i32
    %mul3A_1 = arith.constant 2 : i32
    %mul3A_2 = arith.muli %arg0, %mul3A_1 : i32
    %add3A = arith.constant 0 : i32
    %add3A_3 = arith.addi %mul3A_2, %add3A : i32
    "tpu.region"() ({
      %run_scoped3A = tpu.sem_alloc : memref<!tpu.dma_semaphore, #tpu.memory_space<semaphore_mem>>
      %dma_start3A_74 = arith.constant 0 : i32
      %dma_start3A_75 = tpu.memref_slice %arg10[%mul3A_0, %dma_start3A_74] : memref<10112x128xf32, #tpu.memory_space<vmem_shared>> -> memref<632x128xf32, #tpu.memory_space<vmem_shared>>
      tpu.enqueue_dma source(%arg5 : memref<632x128xf32, #tpu.memory_space<hbm>>) target(%dma_start3A_75 : memref<632x128xf32, #tpu.memory_space<vmem_shared>>) target_semaphore(%run_scoped3A : memref<!tpu.dma_semaphore, #tpu.memory_space<semaphore_mem>>)
      %dma_wait3A_76 = arith.constant 0 : i32
      %dma_wait3A_77 = tpu.memref_slice %arg10[%mul3A_0, %dma_wait3A_76] : memref<10112x128xf32, #tpu.memory_space<vmem_shared>> -> memref<632x128xf32, #tpu.memory_space<vmem_shared>>
      tpu.wait_dma2 semaphore(%run_scoped3A : memref<!tpu.dma_semaphore, #tpu.memory_space<semaphore_mem>>) src(%arg5 : memref<632x128xf32, #tpu.memory_space<hbm>>) dst(%dma_wait3A_77 : memref<632x128xf32, #tpu.memory_space<vmem_shared>>)
      tpu.yield
    }) : () -> ()
    %barrier3A = arith.constant 0 : index
    tpu.barrier barrier_id(%barrier3A)
    "tpu.region"() ({
      %run_scoped3A = tpu.sem_alloc : memref<!tpu.dma_semaphore, #tpu.memory_space<semaphore_mem>>
      %dma_start3A_74 = arith.constant 0 : i32
      %dma_start3A_75 = arith.constant 0 : i32
      %dma_start3A_76 = tpu.memref_slice %arg2[%add3A_3, %arg1, %dma_start3A_74, %dma_start3A_75] : memref<4x16x40x128xi32, #tpu.memory_space<hbm>> -> memref<1x1x40x128xi32, #tpu.memory_space<hbm>>
      %dma_start3A_77 = tpu.memref_squeeze %dma_start3A_76 : memref<1x1x40x128xi32, #tpu.memory_space<hbm>> -> memref<40x128xi32, #tpu.memory_space<hbm>>
      %dma_start3A_78 = arith.constant 0 : i32
      %dma_start3A_79 = arith.constant 0 : i32
      %dma_start3A_80 = tpu.memref_slice %arg2[%add3A_3, %arg1, %dma_start3A_78, %dma_start3A_79] : memref<4x16x40x128xi32, #tpu.memory_space<hbm>> -> memref<1x1x40x128xi32, #tpu.memory_space<hbm>>
      %dma_start3A_81 = tpu.memref_squeeze %dma_start3A_80 : memref<1x1x40x128xi32, #tpu.memory_space<hbm>> -> memref<40x128xi32, #tpu.memory_space<hbm>>
      tpu.enqueue_dma source(%dma_start3A_81 : memref<40x128xi32, #tpu.memory_space<hbm>>) target(%arg7 : memref<40x128xi32, #tpu.memory_space<vmem>>) target_semaphore(%run_scoped3A : memref<!tpu.dma_semaphore, #tpu.memory_space<semaphore_mem>>)
      %dma_wait3A_82 = arith.constant 0 : i32
      %dma_wait3A_83 = arith.constant 0 : i32
      %dma_wait3A_84 = tpu.memref_slice %arg2[%add3A_3, %arg1, %dma_wait3A_82, %dma_wait3A_83] : memref<4x16x40x128xi32, #tpu.memory_space<hbm>> -> memref<1x1x40x128xi32, #tpu.memory_space<hbm>>
      %dma_wait3A_85 = tpu.memref_squeeze %dma_wait3A_84 : memref<1x1x40x128xi32, #tpu.memory_space<hbm>> -> memref<40x128xi32, #tpu.memory_space<hbm>>
      %dma_wait3A_86 = arith.constant 0 : i32
      %dma_wait3A_87 = arith.constant 0 : i32
      %dma_wait3A_88 = tpu.memref_slice %arg2[%add3A_3, %arg1, %dma_wait3A_86, %dma_wait3A_87] : memref<4x16x40x128xi32, #tpu.memory_space<hbm>> -> memref<1x1x40x128xi32, #tpu.memory_space<hbm>>
      %dma_wait3A_89 = tpu.memref_squeeze %dma_wait3A_88 : memref<1x1x40x128xi32, #tpu.memory_space<hbm>> -> memref<40x128xi32, #tpu.memory_space<hbm>>
      tpu.wait_dma2 semaphore(%run_scoped3A : memref<!tpu.dma_semaphore, #tpu.memory_space<semaphore_mem>>) src(%dma_wait3A_89 : memref<40x128xi32, #tpu.memory_space<hbm>>) dst(%arg7 : memref<40x128xi32, #tpu.memory_space<vmem>>)
      tpu.yield
    }) : () -> ()
    "tpu.region"() ({
      %run_scoped3A = tpu.sem_alloc : memref<!tpu.dma_semaphore, #tpu.memory_space<semaphore_mem>>
      %dma_start3A_74 = arith.constant 0 : i32
      %dma_start3A_75 = arith.constant 0 : i32
      %dma_start3A_76 = tpu.memref_slice %arg3[%add3A_3, %arg1, %dma_start3A_74, %dma_start3A_75] : memref<4x16x40x128xi32, #tpu.memory_space<hbm>> -> memref<1x1x40x128xi32, #tpu.memory_space<hbm>>
      %dma_start3A_77 = tpu.memref_squeeze %dma_start3A_76 : memref<1x1x40x128xi32, #tpu.memory_space<hbm>> -> memref<40x128xi32, #tpu.memory_space<hbm>>
      %dma_start3A_78 = arith.constant 0 : i32
      %dma_start3A_79 = arith.constant 0 : i32
      %dma_start3A_80 = tpu.memref_slice %arg3[%add3A_3, %arg1, %dma_start3A_78, %dma_start3A_79] : memref<4x16x40x128xi32, #tpu.memory_space<hbm>> -> memref<1x1x40x128xi32, #tpu.memory_space<hbm>>
      %dma_start3A_81 = tpu.memref_squeeze %dma_start3A_80 : memref<1x1x40x128xi32, #tpu.memory_space<hbm>> -> memref<40x128xi32, #tpu.memory_space<hbm>>
      tpu.enqueue_dma source(%dma_start3A_81 : memref<40x128xi32, #tpu.memory_space<hbm>>) target(%arg8 : memref<40x128xi32, #tpu.memory_space<vmem>>) target_semaphore(%run_scoped3A : memref<!tpu.dma_semaphore, #tpu.memory_space<semaphore_mem>>)
      %dma_wait3A_82 = arith.constant 0 : i32
      %dma_wait3A_83 = arith.constant 0 : i32
      %dma_wait3A_84 = tpu.memref_slice %arg3[%add3A_3, %arg1, %dma_wait3A_82, %dma_wait3A_83] : memref<4x16x40x128xi32, #tpu.memory_space<hbm>> -> memref<1x1x40x128xi32, #tpu.memory_space<hbm>>
      %dma_wait3A_85 = tpu.memref_squeeze %dma_wait3A_84 : memref<1x1x40x128xi32, #tpu.memory_space<hbm>> -> memref<40x128xi32, #tpu.memory_space<hbm>>
      %dma_wait3A_86 = arith.constant 0 : i32
      %dma_wait3A_87 = arith.constant 0 : i32
      %dma_wait3A_88 = tpu.memref_slice %arg3[%add3A_3, %arg1, %dma_wait3A_86, %dma_wait3A_87] : memref<4x16x40x128xi32, #tpu.memory_space<hbm>> -> memref<1x1x40x128xi32, #tpu.memory_space<hbm>>
      %dma_wait3A_89 = tpu.memref_squeeze %dma_wait3A_88 : memref<1x1x40x128xi32, #tpu.memory_space<hbm>> -> memref<40x128xi32, #tpu.memory_space<hbm>>
      tpu.wait_dma2 semaphore(%run_scoped3A : memref<!tpu.dma_semaphore, #tpu.memory_space<semaphore_mem>>) src(%dma_wait3A_89 : memref<40x128xi32, #tpu.memory_space<hbm>>) dst(%arg8 : memref<40x128xi32, #tpu.memory_space<vmem>>)
      tpu.yield
    }) : () -> ()
    %dma_start3A = arith.constant 0 : i32
    %dma_start3A_4 = arith.constant 0 : i32
    %dma_start3A_5 = arith.constant 0 : i32
    %dma_start3A_6 = arith.constant 0 : i32
    %dma_start3A_7 = tpu.memref_slice %arg9[%dma_start3A_4, %dma_start3A_5, %dma_start3A_6] : memref<2x128x128xf32, #tpu.memory_space<vmem>> -> memref<1x128x128xf32, #tpu.memory_space<vmem>>
    %dma_start3A_8 = tpu.memref_squeeze %dma_start3A_7 : memref<1x128x128xf32, #tpu.memory_space<vmem>> -> memref<128x128xf32, #tpu.memory_space<vmem>>
    %dma_start3A_9 = arith.constant 0 : i32
    %dma_start3A_10 = tpu.memref_slice %arg7[%dma_start3A, %dma_start3A_9] : memref<40x128xi32, #tpu.memory_space<vmem>> -> memref<1x128xi32, #tpu.memory_space<vmem>>
    %dma_start3A_11 = tpu.memref_squeeze %dma_start3A_10 : memref<1x128xi32, #tpu.memory_space<vmem>> -> memref<128xi32, #tpu.memory_space<vmem>>
    %dma_start3A_12 = arith.constant 0 : i32
    %dma_start3A_13 = arith.constant 0 : i32
    %dma_start3A_14 = tpu.memref_slice %arg4[%dma_start3A_12, %dma_start3A_13] : memref<10000x128xf32, #tpu.memory_space<hbm>> -> memref<10000x128xf32, #tpu.memory_space<hbm>>
    tpu.enqueue_indirect_dma source(%dma_start3A_14 : memref<10000x128xf32, #tpu.memory_space<hbm>>) target(%dma_start3A_8 : memref<128x128xf32, #tpu.memory_space<vmem>>) offsets(%dma_start3A_11 : memref<128xi32, #tpu.memory_space<vmem>>) semaphore(%arg11 : memref<!tpu.dma_semaphore, #tpu.memory_space<semaphore_mem>>)
    %scan3A = arith.constant 0 : i32
    %scan3A_15 = arith.constant 1 : i32
    %scan3A_16 = arith.constant 0 : i32
    %scan3A_17 = arith.constant 0 : i32
    %scan3A_18 = arith.constant 20 : i32
    %scan3A_19 = arith.addi %scan3A_17, %scan3A_18 : i32
    %scan3A_20 = arith.constant 1 : i32
    scf.for %scan3A_74 = %scan3A_17 to %scan3A_19 step %scan3A_20  : i32 {
      %mul3A_75 = arith.constant 2 : i32
      %mul3A_76 = arith.muli %scan3A_74, %mul3A_75 : i32
      %add3A_77 = arith.constant 0 : i32
      %add3A_78 = arith.addi %mul3A_76, %add3A_77 : i32
      %ge3A = arith.constant 1 : i32
      %ge3A_79 = arith.cmpi sge, %scan3A_74, %ge3A : i32
      %convert_element_type3A = arith.extui %ge3A_79 : i1 to i32
      %cond3A = arith.constant 0 : i32
      %cond3A_80 = arith.cmpi ne, %convert_element_type3A, %cond3A : i32
      scf.if %cond3A_80 {
        %sub3A_150 = arith.constant 1 : i32
        %sub3A_151 = arith.subi %add3A_78, %sub3A_150 : i32
        %dma_wait3A_152 = arith.constant 0 : i32
        %dma_wait3A_153 = arith.constant 0 : i32
        %dma_wait3A_154 = tpu.memref_slice %arg9[%scan3A_15, %dma_wait3A_152, %dma_wait3A_153] : memref<2x128x128xf32, #tpu.memory_space<vmem>> -> memref<1x128x128xf32, #tpu.memory_space<vmem>>
        %dma_wait3A_155 = tpu.memref_squeeze %dma_wait3A_154 : memref<1x128x128xf32, #tpu.memory_space<vmem>> -> memref<128x128xf32, #tpu.memory_space<vmem>>
        %dma_wait3A_156 = arith.constant 0 : i32
        %dma_wait3A_157 = tpu.memref_slice %arg8[%sub3A_151, %dma_wait3A_156] : memref<40x128xi32, #tpu.memory_space<vmem>> -> memref<1x128xi32, #tpu.memory_space<vmem>>
        %dma_wait3A_158 = tpu.memref_squeeze %dma_wait3A_157 : memref<1x128xi32, #tpu.memory_space<vmem>> -> memref<128xi32, #tpu.memory_space<vmem>>
        %dma_wait3A_159 = arith.constant 0 : i32
        %dma_wait3A_160 = arith.constant 0 : i32
        %dma_wait3A_161 = tpu.memref_slice %arg10[%dma_wait3A_159, %dma_wait3A_160] : memref<10112x128xf32, #tpu.memory_space<vmem_shared>> -> memref<10112x128xf32, #tpu.memory_space<vmem_shared>>
        tpu.wait_indirect_dma semaphore(%arg13 : memref<!tpu.dma_semaphore, #tpu.memory_space<semaphore_mem>>) src(%dma_wait3A_155 : memref<128x128xf32, #tpu.memory_space<vmem>>) dst(%dma_wait3A_161 : memref<10112x128xf32, #tpu.memory_space<vmem_shared>>)
      } else {
      }
      %add3A_81 = arith.constant 1 : i32
      %add3A_82 = arith.addi %add3A_78, %add3A_81 : i32
      %dma_start3A_83 = arith.constant 0 : i32
      %dma_start3A_84 = arith.constant 0 : i32
      %dma_start3A_85 = tpu.memref_slice %arg9[%scan3A_15, %dma_start3A_83, %dma_start3A_84] : memref<2x128x128xf32, #tpu.memory_space<vmem>> -> memref<1x128x128xf32, #tpu.memory_space<vmem>>
      %dma_start3A_86 = tpu.memref_squeeze %dma_start3A_85 : memref<1x128x128xf32, #tpu.memory_space<vmem>> -> memref<128x128xf32, #tpu.memory_space<vmem>>
      %dma_start3A_87 = arith.constant 0 : i32
      %dma_start3A_88 = tpu.memref_slice %arg7[%add3A_82, %dma_start3A_87] : memref<40x128xi32, #tpu.memory_space<vmem>> -> memref<1x128xi32, #tpu.memory_space<vmem>>
      %dma_start3A_89 = tpu.memref_squeeze %dma_start3A_88 : memref<1x128xi32, #tpu.memory_space<vmem>> -> memref<128xi32, #tpu.memory_space<vmem>>
      %dma_start3A_90 = arith.constant 0 : i32
      %dma_start3A_91 = arith.constant 0 : i32
      %dma_start3A_92 = tpu.memref_slice %arg4[%dma_start3A_90, %dma_start3A_91] : memref<10000x128xf32, #tpu.memory_space<hbm>> -> memref<10000x128xf32, #tpu.memory_space<hbm>>
      tpu.enqueue_indirect_dma source(%dma_start3A_92 : memref<10000x128xf32, #tpu.memory_space<hbm>>) target(%dma_start3A_86 : memref<128x128xf32, #tpu.memory_space<vmem>>) offsets(%dma_start3A_89 : memref<128xi32, #tpu.memory_space<vmem>>) semaphore(%arg12 : memref<!tpu.dma_semaphore, #tpu.memory_space<semaphore_mem>>)
      %dma_wait3A_93 = arith.constant 0 : i32
      %dma_wait3A_94 = arith.constant 0 : i32
      %dma_wait3A_95 = tpu.memref_slice %arg9[%scan3A_16, %dma_wait3A_93, %dma_wait3A_94] : memref<2x128x128xf32, #tpu.memory_space<vmem>> -> memref<1x128x128xf32, #tpu.memory_space<vmem>>
      %dma_wait3A_96 = tpu.memref_squeeze %dma_wait3A_95 : memref<1x128x128xf32, #tpu.memory_space<vmem>> -> memref<128x128xf32, #tpu.memory_space<vmem>>
      %dma_wait3A_97 = arith.constant 0 : i32
      %dma_wait3A_98 = tpu.memref_slice %arg7[%add3A_78, %dma_wait3A_97] : memref<40x128xi32, #tpu.memory_space<vmem>> -> memref<1x128xi32, #tpu.memory_space<vmem>>
      %dma_wait3A_99 = tpu.memref_squeeze %dma_wait3A_98 : memref<1x128xi32, #tpu.memory_space<vmem>> -> memref<128xi32, #tpu.memory_space<vmem>>
      %dma_wait3A_100 = arith.constant 0 : i32
      %dma_wait3A_101 = arith.constant 0 : i32
      %dma_wait3A_102 = tpu.memref_slice %arg4[%dma_wait3A_100, %dma_wait3A_101] : memref<10000x128xf32, #tpu.memory_space<hbm>> -> memref<10000x128xf32, #tpu.memory_space<hbm>>
      tpu.wait_indirect_dma semaphore(%arg11 : memref<!tpu.dma_semaphore, #tpu.memory_space<semaphore_mem>>) src(%dma_wait3A_102 : memref<10000x128xf32, #tpu.memory_space<hbm>>) dst(%dma_wait3A_96 : memref<128x128xf32, #tpu.memory_space<vmem>>)
      %dma_start3A_103 = arith.constant 0 : i32
      %dma_start3A_104 = arith.constant 0 : i32
      %dma_start3A_105 = tpu.memref_slice %arg9[%scan3A_16, %dma_start3A_103, %dma_start3A_104] : memref<2x128x128xf32, #tpu.memory_space<vmem>> -> memref<1x128x128xf32, #tpu.memory_space<vmem>>
      %dma_start3A_106 = tpu.memref_squeeze %dma_start3A_105 : memref<1x128x128xf32, #tpu.memory_space<vmem>> -> memref<128x128xf32, #tpu.memory_space<vmem>>
      %dma_start3A_107 = arith.constant 0 : i32
      %dma_start3A_108 = tpu.memref_slice %arg8[%add3A_78, %dma_start3A_107] : memref<40x128xi32, #tpu.memory_space<vmem>> -> memref<1x128xi32, #tpu.memory_space<vmem>>
      %dma_start3A_109 = tpu.memref_squeeze %dma_start3A_108 : memref<1x128xi32, #tpu.memory_space<vmem>> -> memref<128xi32, #tpu.memory_space<vmem>>
      %dma_start3A_110 = arith.constant 0 : i32
      %dma_start3A_111 = arith.constant 0 : i32
      %dma_start3A_112 = tpu.memref_slice %arg10[%dma_start3A_110, %dma_start3A_111] : memref<10112x128xf32, #tpu.memory_space<vmem_shared>> -> memref<10112x128xf32, #tpu.memory_space<vmem_shared>>
      tpu.enqueue_indirect_dma source(%dma_start3A_106 : memref<128x128xf32, #tpu.memory_space<vmem>>) target(%dma_start3A_112 : memref<10112x128xf32, #tpu.memory_space<vmem_shared>>) offsets(%dma_start3A_109 : memref<128xi32, #tpu.memory_space<vmem>>) semaphore(%arg13 : memref<!tpu.dma_semaphore, #tpu.memory_space<semaphore_mem>>) {add = true}
      %add3A_113 = arith.constant 1 : i32
      %add3A_114 = arith.addi %mul3A_76, %add3A_113 : i32
      %lt3A = arith.constant 19 : i32
      %lt3A_115 = arith.cmpi slt, %scan3A_74, %lt3A : i32
      %sub3A = arith.constant 1 : i32
      %sub3A_116 = arith.subi %add3A_114, %sub3A : i32
      %dma_wait3A_117 = arith.constant 0 : i32
      %dma_wait3A_118 = arith.constant 0 : i32
      %dma_wait3A_119 = tpu.memref_slice %arg9[%scan3A_16, %dma_wait3A_117, %dma_wait3A_118] : memref<2x128x128xf32, #tpu.memory_space<vmem>> -> memref<1x128x128xf32, #tpu.memory_space<vmem>>
      %dma_wait3A_120 = tpu.memref_squeeze %dma_wait3A_119 : memref<1x128x128xf32, #tpu.memory_space<vmem>> -> memref<128x128xf32, #tpu.memory_space<vmem>>
      %dma_wait3A_121 = arith.constant 0 : i32
      %dma_wait3A_122 = tpu.memref_slice %arg8[%sub3A_116, %dma_wait3A_121] : memref<40x128xi32, #tpu.memory_space<vmem>> -> memref<1x128xi32, #tpu.memory_space<vmem>>
      %dma_wait3A_123 = tpu.memref_squeeze %dma_wait3A_122 : memref<1x128xi32, #tpu.memory_space<vmem>> -> memref<128xi32, #tpu.memory_space<vmem>>
      %dma_wait3A_124 = arith.constant 0 : i32
      %dma_wait3A_125 = arith.constant 0 : i32
      %dma_wait3A_126 = tpu.memref_slice %arg10[%dma_wait3A_124, %dma_wait3A_125] : memref<10112x128xf32, #tpu.memory_space<vmem_shared>> -> memref<10112x128xf32, #tpu.memory_space<vmem_shared>>
      tpu.wait_indirect_dma semaphore(%arg13 : memref<!tpu.dma_semaphore, #tpu.memory_space<semaphore_mem>>) src(%dma_wait3A_120 : memref<128x128xf32, #tpu.memory_space<vmem>>) dst(%dma_wait3A_126 : memref<10112x128xf32, #tpu.memory_space<vmem_shared>>)
      %convert_element_type3A_127 = arith.extui %lt3A_115 : i1 to i32
      %cond3A_128 = arith.constant 0 : i32
      %cond3A_129 = arith.cmpi ne, %convert_element_type3A_127, %cond3A_128 : i32
      scf.if %cond3A_129 {
        %add3A_150 = arith.constant 1 : i32
        %add3A_151 = arith.addi %add3A_114, %add3A_150 : i32
        %dma_start3A_152 = arith.constant 0 : i32
        %dma_start3A_153 = arith.constant 0 : i32
        %dma_start3A_154 = tpu.memref_slice %arg9[%scan3A_16, %dma_start3A_152, %dma_start3A_153] : memref<2x128x128xf32, #tpu.memory_space<vmem>> -> memref<1x128x128xf32, #tpu.memory_space<vmem>>
        %dma_start3A_155 = tpu.memref_squeeze %dma_start3A_154 : memref<1x128x128xf32, #tpu.memory_space<vmem>> -> memref<128x128xf32, #tpu.memory_space<vmem>>
        %dma_start3A_156 = arith.constant 0 : i32
        %dma_start3A_157 = tpu.memref_slice %arg7[%add3A_151, %dma_start3A_156] : memref<40x128xi32, #tpu.memory_space<vmem>> -> memref<1x128xi32, #tpu.memory_space<vmem>>
        %dma_start3A_158 = tpu.memref_squeeze %dma_start3A_157 : memref<1x128xi32, #tpu.memory_space<vmem>> -> memref<128xi32, #tpu.memory_space<vmem>>
        %dma_start3A_159 = arith.constant 0 : i32
        %dma_start3A_160 = arith.constant 0 : i32
        %dma_start3A_161 = tpu.memref_slice %arg4[%dma_start3A_159, %dma_start3A_160] : memref<10000x128xf32, #tpu.memory_space<hbm>> -> memref<10000x128xf32, #tpu.memory_space<hbm>>
        tpu.enqueue_indirect_dma source(%dma_start3A_161 : memref<10000x128xf32, #tpu.memory_space<hbm>>) target(%dma_start3A_155 : memref<128x128xf32, #tpu.memory_space<vmem>>) offsets(%dma_start3A_158 : memref<128xi32, #tpu.memory_space<vmem>>) semaphore(%arg11 : memref<!tpu.dma_semaphore, #tpu.memory_space<semaphore_mem>>)
      } else {
      }
      %dma_wait3A_130 = arith.constant 0 : i32
      %dma_wait3A_131 = arith.constant 0 : i32
      %dma_wait3A_132 = tpu.memref_slice %arg9[%scan3A_15, %dma_wait3A_130, %dma_wait3A_131] : memref<2x128x128xf32, #tpu.memory_space<vmem>> -> memref<1x128x128xf32, #tpu.memory_space<vmem>>
      %dma_wait3A_133 = tpu.memref_squeeze %dma_wait3A_132 : memref<1x128x128xf32, #tpu.memory_space<vmem>> -> memref<128x128xf32, #tpu.memory_space<vmem>>
      %dma_wait3A_134 = arith.constant 0 : i32
      %dma_wait3A_135 = tpu.memref_slice %arg7[%add3A_114, %dma_wait3A_134] : memref<40x128xi32, #tpu.memory_space<vmem>> -> memref<1x128xi32, #tpu.memory_space<vmem>>
      %dma_wait3A_136 = tpu.memref_squeeze %dma_wait3A_135 : memref<1x128xi32, #tpu.memory_space<vmem>> -> memref<128xi32, #tpu.memory_space<vmem>>
      %dma_wait3A_137 = arith.constant 0 : i32
      %dma_wait3A_138 = arith.constant 0 : i32
      %dma_wait3A_139 = tpu.memref_slice %arg4[%dma_wait3A_137, %dma_wait3A_138] : memref<10000x128xf32, #tpu.memory_space<hbm>> -> memref<10000x128xf32, #tpu.memory_space<hbm>>
      tpu.wait_indirect_dma semaphore(%arg12 : memref<!tpu.dma_semaphore, #tpu.memory_space<semaphore_mem>>) src(%dma_wait3A_139 : memref<10000x128xf32, #tpu.memory_space<hbm>>) dst(%dma_wait3A_133 : memref<128x128xf32, #tpu.memory_space<vmem>>)
      %dma_start3A_140 = arith.constant 0 : i32
      %dma_start3A_141 = arith.constant 0 : i32
      %dma_start3A_142 = tpu.memref_slice %arg9[%scan3A_15, %dma_start3A_140, %dma_start3A_141] : memref<2x128x128xf32, #tpu.memory_space<vmem>> -> memref<1x128x128xf32, #tpu.memory_space<vmem>>
      %dma_start3A_143 = tpu.memref_squeeze %dma_start3A_142 : memref<1x128x128xf32, #tpu.memory_space<vmem>> -> memref<128x128xf32, #tpu.memory_space<vmem>>
      %dma_start3A_144 = arith.constant 0 : i32
      %dma_start3A_145 = tpu.memref_slice %arg8[%add3A_114, %dma_start3A_144] : memref<40x128xi32, #tpu.memory_space<vmem>> -> memref<1x128xi32, #tpu.memory_space<vmem>>
      %dma_start3A_146 = tpu.memref_squeeze %dma_start3A_145 : memref<1x128xi32, #tpu.memory_space<vmem>> -> memref<128xi32, #tpu.memory_space<vmem>>
      %dma_start3A_147 = arith.constant 0 : i32
      %dma_start3A_148 = arith.constant 0 : i32
      %dma_start3A_149 = tpu.memref_slice %arg10[%dma_start3A_147, %dma_start3A_148] : memref<10112x128xf32, #tpu.memory_space<vmem_shared>> -> memref<10112x128xf32, #tpu.memory_space<vmem_shared>>
      tpu.enqueue_indirect_dma source(%dma_start3A_143 : memref<128x128xf32, #tpu.memory_space<vmem>>) target(%dma_start3A_149 : memref<10112x128xf32, #tpu.memory_space<vmem_shared>>) offsets(%dma_start3A_146 : memref<128xi32, #tpu.memory_space<vmem>>) semaphore(%arg13 : memref<!tpu.dma_semaphore, #tpu.memory_space<semaphore_mem>>) {add = true}
    }
    %scan3A_21 = arith.constant 20 : i32
    %dma_wait3A = arith.constant 1 : i32
    %dma_wait3A_22 = arith.constant 39 : i32
    %dma_wait3A_23 = arith.constant 0 : i32
    %dma_wait3A_24 = arith.constant 0 : i32
    %dma_wait3A_25 = tpu.memref_slice %arg9[%dma_wait3A, %dma_wait3A_23, %dma_wait3A_24] : memref<2x128x128xf32, #tpu.memory_space<vmem>> -> memref<1x128x128xf32, #tpu.memory_space<vmem>>
    %dma_wait3A_26 = tpu.memref_squeeze %dma_wait3A_25 : memref<1x128x128xf32, #tpu.memory_space<vmem>> -> memref<128x128xf32, #tpu.memory_space<vmem>>
    %dma_wait3A_27 = arith.constant 0 : i32
    %dma_wait3A_28 = tpu.memref_slice %arg8[%dma_wait3A_22, %dma_wait3A_27] : memref<40x128xi32, #tpu.memory_space<vmem>> -> memref<1x128xi32, #tpu.memory_space<vmem>>
    %dma_wait3A_29 = tpu.memref_squeeze %dma_wait3A_28 : memref<1x128xi32, #tpu.memory_space<vmem>> -> memref<128xi32, #tpu.memory_space<vmem>>
    %dma_wait3A_30 = arith.constant 0 : i32
    %dma_wait3A_31 = arith.constant 0 : i32
    %dma_wait3A_32 = tpu.memref_slice %arg10[%dma_wait3A_30, %dma_wait3A_31] : memref<10112x128xf32, #tpu.memory_space<vmem_shared>> -> memref<10112x128xf32, #tpu.memory_space<vmem_shared>>
    tpu.wait_indirect_dma semaphore(%arg13 : memref<!tpu.dma_semaphore, #tpu.memory_space<semaphore_mem>>) src(%dma_wait3A_26 : memref<128x128xf32, #tpu.memory_space<vmem>>) dst(%dma_wait3A_32 : memref<10112x128xf32, #tpu.memory_space<vmem_shared>>)
    %barrier3A_33 = arith.constant 0 : index
    tpu.barrier barrier_id(%barrier3A_33)
    "tpu.region"() ({
      %run_scoped3A = tpu.sem_alloc : memref<!tpu.dma_semaphore, #tpu.memory_space<semaphore_mem>>
      %dma_start3A_74 = arith.constant 0 : i32
      %dma_start3A_75 = tpu.memref_slice %arg6[%add3A_3, %mul3A_0, %dma_start3A_74] : memref<4x10112x128xf32, #tpu.memory_space<hbm>> -> memref<1x632x128xf32, #tpu.memory_space<hbm>>
      %dma_start3A_76 = tpu.memref_squeeze %dma_start3A_75 : memref<1x632x128xf32, #tpu.memory_space<hbm>> -> memref<632x128xf32, #tpu.memory_space<hbm>>
      %dma_start3A_77 = arith.constant 0 : i32
      %dma_start3A_78 = tpu.memref_slice %arg10[%mul3A_0, %dma_start3A_77] : memref<10112x128xf32, #tpu.memory_space<vmem_shared>> -> memref<632x128xf32, #tpu.memory_space<vmem_shared>>
      tpu.enqueue_dma source(%dma_start3A_78 : memref<632x128xf32, #tpu.memory_space<vmem_shared>>) target(%dma_start3A_76 : memref<632x128xf32, #tpu.memory_space<hbm>>) target_semaphore(%run_scoped3A : memref<!tpu.dma_semaphore, #tpu.memory_space<semaphore_mem>>)
      %dma_wait3A_79 = arith.constant 0 : i32
      %dma_wait3A_80 = tpu.memref_slice %arg6[%add3A_3, %mul3A_0, %dma_wait3A_79] : memref<4x10112x128xf32, #tpu.memory_space<hbm>> -> memref<1x632x128xf32, #tpu.memory_space<hbm>>
      %dma_wait3A_81 = tpu.memref_squeeze %dma_wait3A_80 : memref<1x632x128xf32, #tpu.memory_space<hbm>> -> memref<632x128xf32, #tpu.memory_space<hbm>>
      %dma_wait3A_82 = arith.constant 0 : i32
      %dma_wait3A_83 = tpu.memref_slice %arg10[%mul3A_0, %dma_wait3A_82] : memref<10112x128xf32, #tpu.memory_space<vmem_shared>> -> memref<632x128xf32, #tpu.memory_space<vmem_shared>>
      tpu.wait_dma2 semaphore(%run_scoped3A : memref<!tpu.dma_semaphore, #tpu.memory_space<semaphore_mem>>) src(%dma_wait3A_83 : memref<632x128xf32, #tpu.memory_space<vmem_shared>>) dst(%dma_wait3A_81 : memref<632x128xf32, #tpu.memory_space<hbm>>)
      tpu.yield
    }) : () -> ()
    %barrier3A_34 = arith.constant 0 : index
    tpu.barrier barrier_id(%barrier3A_34)
    %mul3A_35 = arith.constant 2 : i32
    %mul3A_36 = arith.muli %arg0, %mul3A_35 : i32
    %add3A_37 = arith.constant 1 : i32
    %add3A_38 = arith.addi %mul3A_36, %add3A_37 : i32
    "tpu.region"() ({
      %run_scoped3A = tpu.sem_alloc : memref<!tpu.dma_semaphore, #tpu.memory_space<semaphore_mem>>
      %dma_start3A_74 = arith.constant 0 : i32
      %dma_start3A_75 = tpu.memref_slice %arg10[%mul3A_0, %dma_start3A_74] : memref<10112x128xf32, #tpu.memory_space<vmem_shared>> -> memref<632x128xf32, #tpu.memory_space<vmem_shared>>
      tpu.enqueue_dma source(%arg5 : memref<632x128xf32, #tpu.memory_space<hbm>>) target(%dma_start3A_75 : memref<632x128xf32, #tpu.memory_space<vmem_shared>>) target_semaphore(%run_scoped3A : memref<!tpu.dma_semaphore, #tpu.memory_space<semaphore_mem>>)
      %dma_wait3A_76 = arith.constant 0 : i32
      %dma_wait3A_77 = tpu.memref_slice %arg10[%mul3A_0, %dma_wait3A_76] : memref<10112x128xf32, #tpu.memory_space<vmem_shared>> -> memref<632x128xf32, #tpu.memory_space<vmem_shared>>
      tpu.wait_dma2 semaphore(%run_scoped3A : memref<!tpu.dma_semaphore, #tpu.memory_space<semaphore_mem>>) src(%arg5 : memref<632x128xf32, #tpu.memory_space<hbm>>) dst(%dma_wait3A_77 : memref<632x128xf32, #tpu.memory_space<vmem_shared>>)
      tpu.yield
    }) : () -> ()
    %barrier3A_39 = arith.constant 0 : index
    tpu.barrier barrier_id(%barrier3A_39)
    "tpu.region"() ({
      %run_scoped3A = tpu.sem_alloc : memref<!tpu.dma_semaphore, #tpu.memory_space<semaphore_mem>>
      %dma_start3A_74 = arith.constant 0 : i32
      %dma_start3A_75 = arith.constant 0 : i32
      %dma_start3A_76 = tpu.memref_slice %arg2[%add3A_38, %arg1, %dma_start3A_74, %dma_start3A_75] : memref<4x16x40x128xi32, #tpu.memory_space<hbm>> -> memref<1x1x40x128xi32, #tpu.memory_space<hbm>>
      %dma_start3A_77 = tpu.memref_squeeze %dma_start3A_76 : memref<1x1x40x128xi32, #tpu.memory_space<hbm>> -> memref<40x128xi32, #tpu.memory_space<hbm>>
      %dma_start3A_78 = arith.constant 0 : i32
      %dma_start3A_79 = arith.constant 0 : i32
      %dma_start3A_80 = tpu.memref_slice %arg2[%add3A_38, %arg1, %dma_start3A_78, %dma_start3A_79] : memref<4x16x40x128xi32, #tpu.memory_space<hbm>> -> memref<1x1x40x128xi32, #tpu.memory_space<hbm>>
      %dma_start3A_81 = tpu.memref_squeeze %dma_start3A_80 : memref<1x1x40x128xi32, #tpu.memory_space<hbm>> -> memref<40x128xi32, #tpu.memory_space<hbm>>
      tpu.enqueue_dma source(%dma_start3A_81 : memref<40x128xi32, #tpu.memory_space<hbm>>) target(%arg7 : memref<40x128xi32, #tpu.memory_space<vmem>>) target_semaphore(%run_scoped3A : memref<!tpu.dma_semaphore, #tpu.memory_space<semaphore_mem>>)
      %dma_wait3A_82 = arith.constant 0 : i32
      %dma_wait3A_83 = arith.constant 0 : i32
      %dma_wait3A_84 = tpu.memref_slice %arg2[%add3A_38, %arg1, %dma_wait3A_82, %dma_wait3A_83] : memref<4x16x40x128xi32, #tpu.memory_space<hbm>> -> memref<1x1x40x128xi32, #tpu.memory_space<hbm>>
      %dma_wait3A_85 = tpu.memref_squeeze %dma_wait3A_84 : memref<1x1x40x128xi32, #tpu.memory_space<hbm>> -> memref<40x128xi32, #tpu.memory_space<hbm>>
      %dma_wait3A_86 = arith.constant 0 : i32
      %dma_wait3A_87 = arith.constant 0 : i32
      %dma_wait3A_88 = tpu.memref_slice %arg2[%add3A_38, %arg1, %dma_wait3A_86, %dma_wait3A_87] : memref<4x16x40x128xi32, #tpu.memory_space<hbm>> -> memref<1x1x40x128xi32, #tpu.memory_space<hbm>>
      %dma_wait3A_89 = tpu.memref_squeeze %dma_wait3A_88 : memref<1x1x40x128xi32, #tpu.memory_space<hbm>> -> memref<40x128xi32, #tpu.memory_space<hbm>>
      tpu.wait_dma2 semaphore(%run_scoped3A : memref<!tpu.dma_semaphore, #tpu.memory_space<semaphore_mem>>) src(%dma_wait3A_89 : memref<40x128xi32, #tpu.memory_space<hbm>>) dst(%arg7 : memref<40x128xi32, #tpu.memory_space<vmem>>)
      tpu.yield
    }) : () -> ()
    "tpu.region"() ({
      %run_scoped3A = tpu.sem_alloc : memref<!tpu.dma_semaphore, #tpu.memory_space<semaphore_mem>>
      %dma_start3A_74 = arith.constant 0 : i32
      %dma_start3A_75 = arith.constant 0 : i32
      %dma_start3A_76 = tpu.memref_slice %arg3[%add3A_38, %arg1, %dma_start3A_74, %dma_start3A_75] : memref<4x16x40x128xi32, #tpu.memory_space<hbm>> -> memref<1x1x40x128xi32, #tpu.memory_space<hbm>>
      %dma_start3A_77 = tpu.memref_squeeze %dma_start3A_76 : memref<1x1x40x128xi32, #tpu.memory_space<hbm>> -> memref<40x128xi32, #tpu.memory_space<hbm>>
      %dma_start3A_78 = arith.constant 0 : i32
      %dma_start3A_79 = arith.constant 0 : i32
      %dma_start3A_80 = tpu.memref_slice %arg3[%add3A_38, %arg1, %dma_start3A_78, %dma_start3A_79] : memref<4x16x40x128xi32, #tpu.memory_space<hbm>> -> memref<1x1x40x128xi32, #tpu.memory_space<hbm>>
      %dma_start3A_81 = tpu.memref_squeeze %dma_start3A_80 : memref<1x1x40x128xi32, #tpu.memory_space<hbm>> -> memref<40x128xi32, #tpu.memory_space<hbm>>
      tpu.enqueue_dma source(%dma_start3A_81 : memref<40x128xi32, #tpu.memory_space<hbm>>) target(%arg8 : memref<40x128xi32, #tpu.memory_space<vmem>>) target_semaphore(%run_scoped3A : memref<!tpu.dma_semaphore, #tpu.memory_space<semaphore_mem>>)
      %dma_wait3A_82 = arith.constant 0 : i32
      %dma_wait3A_83 = arith.constant 0 : i32
      %dma_wait3A_84 = tpu.memref_slice %arg3[%add3A_38, %arg1, %dma_wait3A_82, %dma_wait3A_83] : memref<4x16x40x128xi32, #tpu.memory_space<hbm>> -> memref<1x1x40x128xi32, #tpu.memory_space<hbm>>
      %dma_wait3A_85 = tpu.memref_squeeze %dma_wait3A_84 : memref<1x1x40x128xi32, #tpu.memory_space<hbm>> -> memref<40x128xi32, #tpu.memory_space<hbm>>
      %dma_wait3A_86 = arith.constant 0 : i32
      %dma_wait3A_87 = arith.constant 0 : i32
      %dma_wait3A_88 = tpu.memref_slice %arg3[%add3A_38, %arg1, %dma_wait3A_86, %dma_wait3A_87] : memref<4x16x40x128xi32, #tpu.memory_space<hbm>> -> memref<1x1x40x128xi32, #tpu.memory_space<hbm>>
      %dma_wait3A_89 = tpu.memref_squeeze %dma_wait3A_88 : memref<1x1x40x128xi32, #tpu.memory_space<hbm>> -> memref<40x128xi32, #tpu.memory_space<hbm>>
      tpu.wait_dma2 semaphore(%run_scoped3A : memref<!tpu.dma_semaphore, #tpu.memory_space<semaphore_mem>>) src(%dma_wait3A_89 : memref<40x128xi32, #tpu.memory_space<hbm>>) dst(%arg8 : memref<40x128xi32, #tpu.memory_space<vmem>>)
      tpu.yield
    }) : () -> ()
    %dma_start3A_40 = arith.constant 0 : i32
    %dma_start3A_41 = arith.constant 0 : i32
    %dma_start3A_42 = arith.constant 0 : i32
    %dma_start3A_43 = arith.constant 0 : i32
    %dma_start3A_44 = tpu.memref_slice %arg9[%dma_start3A_41, %dma_start3A_42, %dma_start3A_43] : memref<2x128x128xf32, #tpu.memory_space<vmem>> -> memref<1x128x128xf32, #tpu.memory_space<vmem>>
    %dma_start3A_45 = tpu.memref_squeeze %dma_start3A_44 : memref<1x128x128xf32, #tpu.memory_space<vmem>> -> memref<128x128xf32, #tpu.memory_space<vmem>>
    %dma_start3A_46 = arith.constant 0 : i32
    %dma_start3A_47 = tpu.memref_slice %arg7[%dma_start3A_40, %dma_start3A_46] : memref<40x128xi32, #tpu.memory_space<vmem>> -> memref<1x128xi32, #tpu.memory_space<vmem>>
    %dma_start3A_48 = tpu.memref_squeeze %dma_start3A_47 : memref<1x128xi32, #tpu.memory_space<vmem>> -> memref<128xi32, #tpu.memory_space<vmem>>
    %dma_start3A_49 = arith.constant 0 : i32
    %dma_start3A_50 = arith.constant 0 : i32
    %dma_start3A_51 = tpu.memref_slice %arg4[%dma_start3A_49, %dma_start3A_50] : memref<10000x128xf32, #tpu.memory_space<hbm>> -> memref<10000x128xf32, #tpu.memory_space<hbm>>
    tpu.enqueue_indirect_dma source(%dma_start3A_51 : memref<10000x128xf32, #tpu.memory_space<hbm>>) target(%dma_start3A_45 : memref<128x128xf32, #tpu.memory_space<vmem>>) offsets(%dma_start3A_48 : memref<128xi32, #tpu.memory_space<vmem>>) semaphore(%arg11 : memref<!tpu.dma_semaphore, #tpu.memory_space<semaphore_mem>>)
    %scan3A_52 = arith.constant 0 : i32
    %scan3A_53 = arith.constant 1 : i32
    %scan3A_54 = arith.constant 0 : i32
    %scan3A_55 = arith.constant 0 : i32
    %scan3A_56 = arith.constant 20 : i32
    %scan3A_57 = arith.addi %scan3A_55, %scan3A_56 : i32
    %scan3A_58 = arith.constant 1 : i32
    scf.for %scan3A_74 = %scan3A_55 to %scan3A_57 step %scan3A_58  : i32 {
      %mul3A_75 = arith.constant 2 : i32
      %mul3A_76 = arith.muli %scan3A_74, %mul3A_75 : i32
      %add3A_77 = arith.constant 0 : i32
      %add3A_78 = arith.addi %mul3A_76, %add3A_77 : i32
      %ge3A = arith.constant 1 : i32
      %ge3A_79 = arith.cmpi sge, %scan3A_74, %ge3A : i32
      %convert_element_type3A = arith.extui %ge3A_79 : i1 to i32
      %cond3A = arith.constant 0 : i32
      %cond3A_80 = arith.cmpi ne, %convert_element_type3A, %cond3A : i32
      scf.if %cond3A_80 {
        %sub3A_150 = arith.constant 1 : i32
        %sub3A_151 = arith.subi %add3A_78, %sub3A_150 : i32
        %dma_wait3A_152 = arith.constant 0 : i32
        %dma_wait3A_153 = arith.constant 0 : i32
        %dma_wait3A_154 = tpu.memref_slice %arg9[%scan3A_53, %dma_wait3A_152, %dma_wait3A_153] : memref<2x128x128xf32, #tpu.memory_space<vmem>> -> memref<1x128x128xf32, #tpu.memory_space<vmem>>
        %dma_wait3A_155 = tpu.memref_squeeze %dma_wait3A_154 : memref<1x128x128xf32, #tpu.memory_space<vmem>> -> memref<128x128xf32, #tpu.memory_space<vmem>>
        %dma_wait3A_156 = arith.constant 0 : i32
        %dma_wait3A_157 = tpu.memref_slice %arg8[%sub3A_151, %dma_wait3A_156] : memref<40x128xi32, #tpu.memory_space<vmem>> -> memref<1x128xi32, #tpu.memory_space<vmem>>
        %dma_wait3A_158 = tpu.memref_squeeze %dma_wait3A_157 : memref<1x128xi32, #tpu.memory_space<vmem>> -> memref<128xi32, #tpu.memory_space<vmem>>
        %dma_wait3A_159 = arith.constant 0 : i32
        %dma_wait3A_160 = arith.constant 0 : i32
        %dma_wait3A_161 = tpu.memref_slice %arg10[%dma_wait3A_159, %dma_wait3A_160] : memref<10112x128xf32, #tpu.memory_space<vmem_shared>> -> memref<10112x128xf32, #tpu.memory_space<vmem_shared>>
        tpu.wait_indirect_dma semaphore(%arg13 : memref<!tpu.dma_semaphore, #tpu.memory_space<semaphore_mem>>) src(%dma_wait3A_155 : memref<128x128xf32, #tpu.memory_space<vmem>>) dst(%dma_wait3A_161 : memref<10112x128xf32, #tpu.memory_space<vmem_shared>>)
      } else {
      }
      %add3A_81 = arith.constant 1 : i32
      %add3A_82 = arith.addi %add3A_78, %add3A_81 : i32
      %dma_start3A_83 = arith.constant 0 : i32
      %dma_start3A_84 = arith.constant 0 : i32
      %dma_start3A_85 = tpu.memref_slice %arg9[%scan3A_53, %dma_start3A_83, %dma_start3A_84] : memref<2x128x128xf32, #tpu.memory_space<vmem>> -> memref<1x128x128xf32, #tpu.memory_space<vmem>>
      %dma_start3A_86 = tpu.memref_squeeze %dma_start3A_85 : memref<1x128x128xf32, #tpu.memory_space<vmem>> -> memref<128x128xf32, #tpu.memory_space<vmem>>
      %dma_start3A_87 = arith.constant 0 : i32
      %dma_start3A_88 = tpu.memref_slice %arg7[%add3A_82, %dma_start3A_87] : memref<40x128xi32, #tpu.memory_space<vmem>> -> memref<1x128xi32, #tpu.memory_space<vmem>>
      %dma_start3A_89 = tpu.memref_squeeze %dma_start3A_88 : memref<1x128xi32, #tpu.memory_space<vmem>> -> memref<128xi32, #tpu.memory_space<vmem>>
      %dma_start3A_90 = arith.constant 0 : i32
      %dma_start3A_91 = arith.constant 0 : i32
      %dma_start3A_92 = tpu.memref_slice %arg4[%dma_start3A_90, %dma_start3A_91] : memref<10000x128xf32, #tpu.memory_space<hbm>> -> memref<10000x128xf32, #tpu.memory_space<hbm>>
      tpu.enqueue_indirect_dma source(%dma_start3A_92 : memref<10000x128xf32, #tpu.memory_space<hbm>>) target(%dma_start3A_86 : memref<128x128xf32, #tpu.memory_space<vmem>>) offsets(%dma_start3A_89 : memref<128xi32, #tpu.memory_space<vmem>>) semaphore(%arg12 : memref<!tpu.dma_semaphore, #tpu.memory_space<semaphore_mem>>)
      %dma_wait3A_93 = arith.constant 0 : i32
      %dma_wait3A_94 = arith.constant 0 : i32
      %dma_wait3A_95 = tpu.memref_slice %arg9[%scan3A_54, %dma_wait3A_93, %dma_wait3A_94] : memref<2x128x128xf32, #tpu.memory_space<vmem>> -> memref<1x128x128xf32, #tpu.memory_space<vmem>>
      %dma_wait3A_96 = tpu.memref_squeeze %dma_wait3A_95 : memref<1x128x128xf32, #tpu.memory_space<vmem>> -> memref<128x128xf32, #tpu.memory_space<vmem>>
      %dma_wait3A_97 = arith.constant 0 : i32
      %dma_wait3A_98 = tpu.memref_slice %arg7[%add3A_78, %dma_wait3A_97] : memref<40x128xi32, #tpu.memory_space<vmem>> -> memref<1x128xi32, #tpu.memory_space<vmem>>
      %dma_wait3A_99 = tpu.memref_squeeze %dma_wait3A_98 : memref<1x128xi32, #tpu.memory_space<vmem>> -> memref<128xi32, #tpu.memory_space<vmem>>
      %dma_wait3A_100 = arith.constant 0 : i32
      %dma_wait3A_101 = arith.constant 0 : i32
      %dma_wait3A_102 = tpu.memref_slice %arg4[%dma_wait3A_100, %dma_wait3A_101] : memref<10000x128xf32, #tpu.memory_space<hbm>> -> memref<10000x128xf32, #tpu.memory_space<hbm>>
      tpu.wait_indirect_dma semaphore(%arg11 : memref<!tpu.dma_semaphore, #tpu.memory_space<semaphore_mem>>) src(%dma_wait3A_102 : memref<10000x128xf32, #tpu.memory_space<hbm>>) dst(%dma_wait3A_96 : memref<128x128xf32, #tpu.memory_space<vmem>>)
      %dma_start3A_103 = arith.constant 0 : i32
      %dma_start3A_104 = arith.constant 0 : i32
      %dma_start3A_105 = tpu.memref_slice %arg9[%scan3A_54, %dma_start3A_103, %dma_start3A_104] : memref<2x128x128xf32, #tpu.memory_space<vmem>> -> memref<1x128x128xf32, #tpu.memory_space<vmem>>
      %dma_start3A_106 = tpu.memref_squeeze %dma_start3A_105 : memref<1x128x128xf32, #tpu.memory_space<vmem>> -> memref<128x128xf32, #tpu.memory_space<vmem>>
      %dma_start3A_107 = arith.constant 0 : i32
      %dma_start3A_108 = tpu.memref_slice %arg8[%add3A_78, %dma_start3A_107] : memref<40x128xi32, #tpu.memory_space<vmem>> -> memref<1x128xi32, #tpu.memory_space<vmem>>
      %dma_start3A_109 = tpu.memref_squeeze %dma_start3A_108 : memref<1x128xi32, #tpu.memory_space<vmem>> -> memref<128xi32, #tpu.memory_space<vmem>>
      %dma_start3A_110 = arith.constant 0 : i32
      %dma_start3A_111 = arith.constant 0 : i32
      %dma_start3A_112 = tpu.memref_slice %arg10[%dma_start3A_110, %dma_start3A_111] : memref<10112x128xf32, #tpu.memory_space<vmem_shared>> -> memref<10112x128xf32, #tpu.memory_space<vmem_shared>>
      tpu.enqueue_indirect_dma source(%dma_start3A_106 : memref<128x128xf32, #tpu.memory_space<vmem>>) target(%dma_start3A_112 : memref<10112x128xf32, #tpu.memory_space<vmem_shared>>) offsets(%dma_start3A_109 : memref<128xi32, #tpu.memory_space<vmem>>) semaphore(%arg13 : memref<!tpu.dma_semaphore, #tpu.memory_space<semaphore_mem>>) {add = true}
      %add3A_113 = arith.constant 1 : i32
      %add3A_114 = arith.addi %mul3A_76, %add3A_113 : i32
      %lt3A = arith.constant 19 : i32
      %lt3A_115 = arith.cmpi slt, %scan3A_74, %lt3A : i32
      %sub3A = arith.constant 1 : i32
      %sub3A_116 = arith.subi %add3A_114, %sub3A : i32
      %dma_wait3A_117 = arith.constant 0 : i32
      %dma_wait3A_118 = arith.constant 0 : i32
      %dma_wait3A_119 = tpu.memref_slice %arg9[%scan3A_54, %dma_wait3A_117, %dma_wait3A_118] : memref<2x128x128xf32, #tpu.memory_space<vmem>> -> memref<1x128x128xf32, #tpu.memory_space<vmem>>
      %dma_wait3A_120 = tpu.memref_squeeze %dma_wait3A_119 : memref<1x128x128xf32, #tpu.memory_space<vmem>> -> memref<128x128xf32, #tpu.memory_space<vmem>>
      %dma_wait3A_121 = arith.constant 0 : i32
      %dma_wait3A_122 = tpu.memref_slice %arg8[%sub3A_116, %dma_wait3A_121] : memref<40x128xi32, #tpu.memory_space<vmem>> -> memref<1x128xi32, #tpu.memory_space<vmem>>
      %dma_wait3A_123 = tpu.memref_squeeze %dma_wait3A_122 : memref<1x128xi32, #tpu.memory_space<vmem>> -> memref<128xi32, #tpu.memory_space<vmem>>
      %dma_wait3A_124 = arith.constant 0 : i32
      %dma_wait3A_125 = arith.constant 0 : i32
      %dma_wait3A_126 = tpu.memref_slice %arg10[%dma_wait3A_124, %dma_wait3A_125] : memref<10112x128xf32, #tpu.memory_space<vmem_shared>> -> memref<10112x128xf32, #tpu.memory_space<vmem_shared>>
      tpu.wait_indirect_dma semaphore(%arg13 : memref<!tpu.dma_semaphore, #tpu.memory_space<semaphore_mem>>) src(%dma_wait3A_120 : memref<128x128xf32, #tpu.memory_space<vmem>>) dst(%dma_wait3A_126 : memref<10112x128xf32, #tpu.memory_space<vmem_shared>>)
      %convert_element_type3A_127 = arith.extui %lt3A_115 : i1 to i32
      %cond3A_128 = arith.constant 0 : i32
      %cond3A_129 = arith.cmpi ne, %convert_element_type3A_127, %cond3A_128 : i32
      scf.if %cond3A_129 {
        %add3A_150 = arith.constant 1 : i32
        %add3A_151 = arith.addi %add3A_114, %add3A_150 : i32
        %dma_start3A_152 = arith.constant 0 : i32
        %dma_start3A_153 = arith.constant 0 : i32
        %dma_start3A_154 = tpu.memref_slice %arg9[%scan3A_54, %dma_start3A_152, %dma_start3A_153] : memref<2x128x128xf32, #tpu.memory_space<vmem>> -> memref<1x128x128xf32, #tpu.memory_space<vmem>>
        %dma_start3A_155 = tpu.memref_squeeze %dma_start3A_154 : memref<1x128x128xf32, #tpu.memory_space<vmem>> -> memref<128x128xf32, #tpu.memory_space<vmem>>
        %dma_start3A_156 = arith.constant 0 : i32
        %dma_start3A_157 = tpu.memref_slice %arg7[%add3A_151, %dma_start3A_156] : memref<40x128xi32, #tpu.memory_space<vmem>> -> memref<1x128xi32, #tpu.memory_space<vmem>>
        %dma_start3A_158 = tpu.memref_squeeze %dma_start3A_157 : memref<1x128xi32, #tpu.memory_space<vmem>> -> memref<128xi32, #tpu.memory_space<vmem>>
        %dma_start3A_159 = arith.constant 0 : i32
        %dma_start3A_160 = arith.constant 0 : i32
        %dma_start3A_161 = tpu.memref_slice %arg4[%dma_start3A_159, %dma_start3A_160] : memref<10000x128xf32, #tpu.memory_space<hbm>> -> memref<10000x128xf32, #tpu.memory_space<hbm>>
        tpu.enqueue_indirect_dma source(%dma_start3A_161 : memref<10000x128xf32, #tpu.memory_space<hbm>>) target(%dma_start3A_155 : memref<128x128xf32, #tpu.memory_space<vmem>>) offsets(%dma_start3A_158 : memref<128xi32, #tpu.memory_space<vmem>>) semaphore(%arg11 : memref<!tpu.dma_semaphore, #tpu.memory_space<semaphore_mem>>)
      } else {
      }
      %dma_wait3A_130 = arith.constant 0 : i32
      %dma_wait3A_131 = arith.constant 0 : i32
      %dma_wait3A_132 = tpu.memref_slice %arg9[%scan3A_53, %dma_wait3A_130, %dma_wait3A_131] : memref<2x128x128xf32, #tpu.memory_space<vmem>> -> memref<1x128x128xf32, #tpu.memory_space<vmem>>
      %dma_wait3A_133 = tpu.memref_squeeze %dma_wait3A_132 : memref<1x128x128xf32, #tpu.memory_space<vmem>> -> memref<128x128xf32, #tpu.memory_space<vmem>>
      %dma_wait3A_134 = arith.constant 0 : i32
      %dma_wait3A_135 = tpu.memref_slice %arg7[%add3A_114, %dma_wait3A_134] : memref<40x128xi32, #tpu.memory_space<vmem>> -> memref<1x128xi32, #tpu.memory_space<vmem>>
      %dma_wait3A_136 = tpu.memref_squeeze %dma_wait3A_135 : memref<1x128xi32, #tpu.memory_space<vmem>> -> memref<128xi32, #tpu.memory_space<vmem>>
      %dma_wait3A_137 = arith.constant 0 : i32
      %dma_wait3A_138 = arith.constant 0 : i32
      %dma_wait3A_139 = tpu.memref_slice %arg4[%dma_wait3A_137, %dma_wait3A_138] : memref<10000x128xf32, #tpu.memory_space<hbm>> -> memref<10000x128xf32, #tpu.memory_space<hbm>>
      tpu.wait_indirect_dma semaphore(%arg12 : memref<!tpu.dma_semaphore, #tpu.memory_space<semaphore_mem>>) src(%dma_wait3A_139 : memref<10000x128xf32, #tpu.memory_space<hbm>>) dst(%dma_wait3A_133 : memref<128x128xf32, #tpu.memory_space<vmem>>)
      %dma_start3A_140 = arith.constant 0 : i32
      %dma_start3A_141 = arith.constant 0 : i32
      %dma_start3A_142 = tpu.memref_slice %arg9[%scan3A_53, %dma_start3A_140, %dma_start3A_141] : memref<2x128x128xf32, #tpu.memory_space<vmem>> -> memref<1x128x128xf32, #tpu.memory_space<vmem>>
      %dma_start3A_143 = tpu.memref_squeeze %dma_start3A_142 : memref<1x128x128xf32, #tpu.memory_space<vmem>> -> memref<128x128xf32, #tpu.memory_space<vmem>>
      %dma_start3A_144 = arith.constant 0 : i32
      %dma_start3A_145 = tpu.memref_slice %arg8[%add3A_114, %dma_start3A_144] : memref<40x128xi32, #tpu.memory_space<vmem>> -> memref<1x128xi32, #tpu.memory_space<vmem>>
      %dma_start3A_146 = tpu.memref_squeeze %dma_start3A_145 : memref<1x128xi32, #tpu.memory_space<vmem>> -> memref<128xi32, #tpu.memory_space<vmem>>
      %dma_start3A_147 = arith.constant 0 : i32
      %dma_start3A_148 = arith.constant 0 : i32
      %dma_start3A_149 = tpu.memref_slice %arg10[%dma_start3A_147, %dma_start3A_148] : memref<10112x128xf32, #tpu.memory_space<vmem_shared>> -> memref<10112x128xf32, #tpu.memory_space<vmem_shared>>
      tpu.enqueue_indirect_dma source(%dma_start3A_143 : memref<128x128xf32, #tpu.memory_space<vmem>>) target(%dma_start3A_149 : memref<10112x128xf32, #tpu.memory_space<vmem_shared>>) offsets(%dma_start3A_146 : memref<128xi32, #tpu.memory_space<vmem>>) semaphore(%arg13 : memref<!tpu.dma_semaphore, #tpu.memory_space<semaphore_mem>>) {add = true}
    }
    %scan3A_59 = arith.constant 20 : i32
    %dma_wait3A_60 = arith.constant 1 : i32
    %dma_wait3A_61 = arith.constant 39 : i32
    %dma_wait3A_62 = arith.constant 0 : i32
    %dma_wait3A_63 = arith.constant 0 : i32
    %dma_wait3A_64 = tpu.memref_slice %arg9[%dma_wait3A_60, %dma_wait3A_62, %dma_wait3A_63] : memref<2x128x128xf32, #tpu.memory_space<vmem>> -> memref<1x128x128xf32, #tpu.memory_space<vmem>>
    %dma_wait3A_65 = tpu.memref_squeeze %dma_wait3A_64 : memref<1x128x128xf32, #tpu.memory_space<vmem>> -> memref<128x128xf32, #tpu.memory_space<vmem>>
    %dma_wait3A_66 = arith.constant 0 : i32
    %dma_wait3A_67 = tpu.memref_slice %arg8[%dma_wait3A_61, %dma_wait3A_66] : memref<40x128xi32, #tpu.memory_space<vmem>> -> memref<1x128xi32, #tpu.memory_space<vmem>>
    %dma_wait3A_68 = tpu.memref_squeeze %dma_wait3A_67 : memref<1x128xi32, #tpu.memory_space<vmem>> -> memref<128xi32, #tpu.memory_space<vmem>>
    %dma_wait3A_69 = arith.constant 0 : i32
    %dma_wait3A_70 = arith.constant 0 : i32
    %dma_wait3A_71 = tpu.memref_slice %arg10[%dma_wait3A_69, %dma_wait3A_70] : memref<10112x128xf32, #tpu.memory_space<vmem_shared>> -> memref<10112x128xf32, #tpu.memory_space<vmem_shared>>
    tpu.wait_indirect_dma semaphore(%arg13 : memref<!tpu.dma_semaphore, #tpu.memory_space<semaphore_mem>>) src(%dma_wait3A_65 : memref<128x128xf32, #tpu.memory_space<vmem>>) dst(%dma_wait3A_71 : memref<10112x128xf32, #tpu.memory_space<vmem_shared>>)
    %barrier3A_72 = arith.constant 0 : index
    tpu.barrier barrier_id(%barrier3A_72)
    "tpu.region"() ({
      %run_scoped3A = tpu.sem_alloc : memref<!tpu.dma_semaphore, #tpu.memory_space<semaphore_mem>>
      %dma_start3A_74 = arith.constant 0 : i32
      %dma_start3A_75 = tpu.memref_slice %arg6[%add3A_38, %mul3A_0, %dma_start3A_74] : memref<4x10112x128xf32, #tpu.memory_space<hbm>> -> memref<1x632x128xf32, #tpu.memory_space<hbm>>
      %dma_start3A_76 = tpu.memref_squeeze %dma_start3A_75 : memref<1x632x128xf32, #tpu.memory_space<hbm>> -> memref<632x128xf32, #tpu.memory_space<hbm>>
      %dma_start3A_77 = arith.constant 0 : i32
      %dma_start3A_78 = tpu.memref_slice %arg10[%mul3A_0, %dma_start3A_77] : memref<10112x128xf32, #tpu.memory_space<vmem_shared>> -> memref<632x128xf32, #tpu.memory_space<vmem_shared>>
      tpu.enqueue_dma source(%dma_start3A_78 : memref<632x128xf32, #tpu.memory_space<vmem_shared>>) target(%dma_start3A_76 : memref<632x128xf32, #tpu.memory_space<hbm>>) target_semaphore(%run_scoped3A : memref<!tpu.dma_semaphore, #tpu.memory_space<semaphore_mem>>)
      %dma_wait3A_79 = arith.constant 0 : i32
      %dma_wait3A_80 = tpu.memref_slice %arg6[%add3A_38, %mul3A_0, %dma_wait3A_79] : memref<4x10112x128xf32, #tpu.memory_space<hbm>> -> memref<1x632x128xf32, #tpu.memory_space<hbm>>
      %dma_wait3A_81 = tpu.memref_squeeze %dma_wait3A_80 : memref<1x632x128xf32, #tpu.memory_space<hbm>> -> memref<632x128xf32, #tpu.memory_space<hbm>>
      %dma_wait3A_82 = arith.constant 0 : i32
      %dma_wait3A_83 = tpu.memref_slice %arg10[%mul3A_0, %dma_wait3A_82] : memref<10112x128xf32, #tpu.memory_space<vmem_shared>> -> memref<632x128xf32, #tpu.memory_space<vmem_shared>>
      tpu.wait_dma2 semaphore(%run_scoped3A : memref<!tpu.dma_semaphore, #tpu.memory_space<semaphore_mem>>) src(%dma_wait3A_83 : memref<632x128xf32, #tpu.memory_space<vmem_shared>>) dst(%dma_wait3A_81 : memref<632x128xf32, #tpu.memory_space<hbm>>)
      tpu.yield
    }) : () -> ()
    %barrier3A_73 = arith.constant 0 : index
    tpu.barrier barrier_id(%barrier3A_73)
    return
  }
}

#map = affine_map<(d0, d1) -> (0, 0, 0, 0)>
#map1 = affine_map<(d0, d1) -> (0, 0)>
#map2 = affine_map<(d0, d1) -> (0, 0, 0)>
module attributes {stable_mosaic.version = 14 : i64} {
  func.func @body(%arg0: i32, %arg1: i32, %arg2: memref<2x16x80x128xi32, #tpu.memory_space<hbm>>, %arg3: memref<2x16x80x128xi32, #tpu.memory_space<hbm>>, %arg4: memref<10112x128xf32, #tpu.memory_space<hbm>>, %arg5: memref<632x128xf32, #tpu.memory_space<hbm>>, %arg6: memref<2x10112x128xf32, #tpu.memory_space<hbm>>, %arg7: memref<40x128xi32, #tpu.memory_space<vmem>>, %arg8: memref<40x128xi32, #tpu.memory_space<vmem>>, %arg9: memref<2x128x128xf32, #tpu.memory_space<vmem>>, %arg10: memref<10112x128xf32, #tpu.memory_space<vmem_shared>>, %arg11: memref<!tpu.dma_semaphore, #tpu.memory_space<semaphore_mem>>, %arg12: memref<!tpu.dma_semaphore, #tpu.memory_space<semaphore_mem>>, %arg13: memref<!tpu.dma_semaphore, #tpu.memory_space<semaphore_mem>>) attributes {dimension_semantics = [#tpu.dimension_semantics<core_parallel>, #tpu.dimension_semantics<subcore_parallel>], iteration_bounds = array<i64: 2, 16>, scalar_prefetch = 0 : i64, scratch_operands = 7 : i64, tpu.core_type = #tpu.core_type<sc_vector_subcore>, window_params = [{transform_indices = #map}, {transform_indices = #map}, {transform_indices = #map1}, {transform_indices = #map1}, {transform_indices = #map2}]} {
    %mul3A = arith.constant 632 : i32
    %mul3A_0 = arith.muli %arg1, %mul3A : i32
    "tpu.region"() ({
      %run_scoped3A = tpu.sem_alloc : memref<!tpu.dma_semaphore, #tpu.memory_space<semaphore_mem>>
      %dma_start3A_64 = arith.constant 0 : i32
      %dma_start3A_65 = tpu.memref_slice %arg10[%mul3A_0, %dma_start3A_64] : memref<10112x128xf32, #tpu.memory_space<vmem_shared>> -> memref<632x128xf32, #tpu.memory_space<vmem_shared>>
      tpu.enqueue_dma source(%arg5 : memref<632x128xf32, #tpu.memory_space<hbm>>) target(%dma_start3A_65 : memref<632x128xf32, #tpu.memory_space<vmem_shared>>) target_semaphore(%run_scoped3A : memref<!tpu.dma_semaphore, #tpu.memory_space<semaphore_mem>>)
      %dma_wait3A_66 = arith.constant 0 : i32
      %dma_wait3A_67 = tpu.memref_slice %arg10[%mul3A_0, %dma_wait3A_66] : memref<10112x128xf32, #tpu.memory_space<vmem_shared>> -> memref<632x128xf32, #tpu.memory_space<vmem_shared>>
      tpu.wait_dma2 semaphore(%run_scoped3A : memref<!tpu.dma_semaphore, #tpu.memory_space<semaphore_mem>>) src(%arg5 : memref<632x128xf32, #tpu.memory_space<hbm>>) dst(%dma_wait3A_67 : memref<632x128xf32, #tpu.memory_space<vmem_shared>>)
      tpu.yield
    }) : () -> ()
    %barrier3A = arith.constant 0 : index
    tpu.barrier barrier_id(%barrier3A)
    "tpu.region"() ({
      %run_scoped3A = tpu.sem_alloc : memref<!tpu.dma_semaphore, #tpu.memory_space<semaphore_mem>>
      %dma_start3A_64 = arith.constant 0 : i32
      %dma_start3A_65 = arith.constant 0 : i32
      %dma_start3A_66 = tpu.memref_slice %arg2[%arg0, %arg1, %dma_start3A_64, %dma_start3A_65] : memref<2x16x80x128xi32, #tpu.memory_space<hbm>> -> memref<1x1x40x128xi32, #tpu.memory_space<hbm>>
      %dma_start3A_67 = tpu.memref_squeeze %dma_start3A_66 : memref<1x1x40x128xi32, #tpu.memory_space<hbm>> -> memref<40x128xi32, #tpu.memory_space<hbm>>
      %dma_start3A_68 = arith.constant 0 : i32
      %dma_start3A_69 = arith.constant 0 : i32
      %dma_start3A_70 = tpu.memref_slice %arg2[%arg0, %arg1, %dma_start3A_68, %dma_start3A_69] : memref<2x16x80x128xi32, #tpu.memory_space<hbm>> -> memref<1x1x40x128xi32, #tpu.memory_space<hbm>>
      %dma_start3A_71 = tpu.memref_squeeze %dma_start3A_70 : memref<1x1x40x128xi32, #tpu.memory_space<hbm>> -> memref<40x128xi32, #tpu.memory_space<hbm>>
      tpu.enqueue_dma source(%dma_start3A_71 : memref<40x128xi32, #tpu.memory_space<hbm>>) target(%arg7 : memref<40x128xi32, #tpu.memory_space<vmem>>) target_semaphore(%run_scoped3A : memref<!tpu.dma_semaphore, #tpu.memory_space<semaphore_mem>>)
      %dma_wait3A_72 = arith.constant 0 : i32
      %dma_wait3A_73 = arith.constant 0 : i32
      %dma_wait3A_74 = tpu.memref_slice %arg2[%arg0, %arg1, %dma_wait3A_72, %dma_wait3A_73] : memref<2x16x80x128xi32, #tpu.memory_space<hbm>> -> memref<1x1x40x128xi32, #tpu.memory_space<hbm>>
      %dma_wait3A_75 = tpu.memref_squeeze %dma_wait3A_74 : memref<1x1x40x128xi32, #tpu.memory_space<hbm>> -> memref<40x128xi32, #tpu.memory_space<hbm>>
      %dma_wait3A_76 = arith.constant 0 : i32
      %dma_wait3A_77 = arith.constant 0 : i32
      %dma_wait3A_78 = tpu.memref_slice %arg2[%arg0, %arg1, %dma_wait3A_76, %dma_wait3A_77] : memref<2x16x80x128xi32, #tpu.memory_space<hbm>> -> memref<1x1x40x128xi32, #tpu.memory_space<hbm>>
      %dma_wait3A_79 = tpu.memref_squeeze %dma_wait3A_78 : memref<1x1x40x128xi32, #tpu.memory_space<hbm>> -> memref<40x128xi32, #tpu.memory_space<hbm>>
      tpu.wait_dma2 semaphore(%run_scoped3A : memref<!tpu.dma_semaphore, #tpu.memory_space<semaphore_mem>>) src(%dma_wait3A_79 : memref<40x128xi32, #tpu.memory_space<hbm>>) dst(%arg7 : memref<40x128xi32, #tpu.memory_space<vmem>>)
      tpu.yield
    }) : () -> ()
    "tpu.region"() ({
      %run_scoped3A = tpu.sem_alloc : memref<!tpu.dma_semaphore, #tpu.memory_space<semaphore_mem>>
      %dma_start3A_64 = arith.constant 0 : i32
      %dma_start3A_65 = arith.constant 0 : i32
      %dma_start3A_66 = tpu.memref_slice %arg3[%arg0, %arg1, %dma_start3A_64, %dma_start3A_65] : memref<2x16x80x128xi32, #tpu.memory_space<hbm>> -> memref<1x1x40x128xi32, #tpu.memory_space<hbm>>
      %dma_start3A_67 = tpu.memref_squeeze %dma_start3A_66 : memref<1x1x40x128xi32, #tpu.memory_space<hbm>> -> memref<40x128xi32, #tpu.memory_space<hbm>>
      %dma_start3A_68 = arith.constant 0 : i32
      %dma_start3A_69 = arith.constant 0 : i32
      %dma_start3A_70 = tpu.memref_slice %arg3[%arg0, %arg1, %dma_start3A_68, %dma_start3A_69] : memref<2x16x80x128xi32, #tpu.memory_space<hbm>> -> memref<1x1x40x128xi32, #tpu.memory_space<hbm>>
      %dma_start3A_71 = tpu.memref_squeeze %dma_start3A_70 : memref<1x1x40x128xi32, #tpu.memory_space<hbm>> -> memref<40x128xi32, #tpu.memory_space<hbm>>
      tpu.enqueue_dma source(%dma_start3A_71 : memref<40x128xi32, #tpu.memory_space<hbm>>) target(%arg8 : memref<40x128xi32, #tpu.memory_space<vmem>>) target_semaphore(%run_scoped3A : memref<!tpu.dma_semaphore, #tpu.memory_space<semaphore_mem>>)
      %dma_wait3A_72 = arith.constant 0 : i32
      %dma_wait3A_73 = arith.constant 0 : i32
      %dma_wait3A_74 = tpu.memref_slice %arg3[%arg0, %arg1, %dma_wait3A_72, %dma_wait3A_73] : memref<2x16x80x128xi32, #tpu.memory_space<hbm>> -> memref<1x1x40x128xi32, #tpu.memory_space<hbm>>
      %dma_wait3A_75 = tpu.memref_squeeze %dma_wait3A_74 : memref<1x1x40x128xi32, #tpu.memory_space<hbm>> -> memref<40x128xi32, #tpu.memory_space<hbm>>
      %dma_wait3A_76 = arith.constant 0 : i32
      %dma_wait3A_77 = arith.constant 0 : i32
      %dma_wait3A_78 = tpu.memref_slice %arg3[%arg0, %arg1, %dma_wait3A_76, %dma_wait3A_77] : memref<2x16x80x128xi32, #tpu.memory_space<hbm>> -> memref<1x1x40x128xi32, #tpu.memory_space<hbm>>
      %dma_wait3A_79 = tpu.memref_squeeze %dma_wait3A_78 : memref<1x1x40x128xi32, #tpu.memory_space<hbm>> -> memref<40x128xi32, #tpu.memory_space<hbm>>
      tpu.wait_dma2 semaphore(%run_scoped3A : memref<!tpu.dma_semaphore, #tpu.memory_space<semaphore_mem>>) src(%dma_wait3A_79 : memref<40x128xi32, #tpu.memory_space<hbm>>) dst(%arg8 : memref<40x128xi32, #tpu.memory_space<vmem>>)
      tpu.yield
    }) : () -> ()
    %dma_start3A = arith.constant 0 : i32
    %dma_start3A_1 = arith.constant 0 : i32
    %dma_start3A_2 = arith.constant 0 : i32
    %dma_start3A_3 = arith.constant 0 : i32
    %dma_start3A_4 = tpu.memref_slice %arg9[%dma_start3A_1, %dma_start3A_2, %dma_start3A_3] : memref<2x128x128xf32, #tpu.memory_space<vmem>> -> memref<1x128x128xf32, #tpu.memory_space<vmem>>
    %dma_start3A_5 = tpu.memref_squeeze %dma_start3A_4 : memref<1x128x128xf32, #tpu.memory_space<vmem>> -> memref<128x128xf32, #tpu.memory_space<vmem>>
    %dma_start3A_6 = arith.constant 0 : i32
    %dma_start3A_7 = tpu.memref_slice %arg7[%dma_start3A, %dma_start3A_6] : memref<40x128xi32, #tpu.memory_space<vmem>> -> memref<1x128xi32, #tpu.memory_space<vmem>>
    %dma_start3A_8 = tpu.memref_squeeze %dma_start3A_7 : memref<1x128xi32, #tpu.memory_space<vmem>> -> memref<128xi32, #tpu.memory_space<vmem>>
    %dma_start3A_9 = arith.constant 0 : i32
    %dma_start3A_10 = arith.constant 0 : i32
    %dma_start3A_11 = tpu.memref_slice %arg4[%dma_start3A_9, %dma_start3A_10] : memref<10112x128xf32, #tpu.memory_space<hbm>> -> memref<10112x128xf32, #tpu.memory_space<hbm>>
    tpu.enqueue_indirect_dma source(%dma_start3A_11 : memref<10112x128xf32, #tpu.memory_space<hbm>>) target(%dma_start3A_5 : memref<128x128xf32, #tpu.memory_space<vmem>>) offsets(%dma_start3A_8 : memref<128xi32, #tpu.memory_space<vmem>>) semaphore(%arg11 : memref<!tpu.dma_semaphore, #tpu.memory_space<semaphore_mem>>)
    %scan3A = arith.constant 0 : i32
    %scan3A_12 = arith.constant 1 : i32
    %scan3A_13 = arith.constant 0 : i32
    %scan3A_14 = arith.constant 0 : i32
    %scan3A_15 = arith.constant 20 : i32
    %scan3A_16 = arith.addi %scan3A_14, %scan3A_15 : i32
    %scan3A_17 = arith.constant 1 : i32
    scf.for %scan3A_64 = %scan3A_14 to %scan3A_16 step %scan3A_17  : i32 {
      %mul3A_65 = arith.constant 2 : i32
      %mul3A_66 = arith.muli %scan3A_64, %mul3A_65 : i32
      %add3A = arith.constant 0 : i32
      %add3A_67 = arith.addi %mul3A_66, %add3A : i32
      %ge3A = arith.constant 1 : i32
      %ge3A_68 = arith.cmpi sge, %scan3A_64, %ge3A : i32
      %convert_element_type3A = arith.extui %ge3A_68 : i1 to i32
      %cond3A = arith.constant 0 : i32
      %cond3A_69 = arith.cmpi ne, %convert_element_type3A, %cond3A : i32
      scf.if %cond3A_69 {
        %sub3A_139 = arith.constant 1 : i32
        %sub3A_140 = arith.subi %add3A_67, %sub3A_139 : i32
        %dma_wait3A_141 = arith.constant 0 : i32
        %dma_wait3A_142 = arith.constant 0 : i32
        %dma_wait3A_143 = tpu.memref_slice %arg9[%scan3A_12, %dma_wait3A_141, %dma_wait3A_142] : memref<2x128x128xf32, #tpu.memory_space<vmem>> -> memref<1x128x128xf32, #tpu.memory_space<vmem>>
        %dma_wait3A_144 = tpu.memref_squeeze %dma_wait3A_143 : memref<1x128x128xf32, #tpu.memory_space<vmem>> -> memref<128x128xf32, #tpu.memory_space<vmem>>
        %dma_wait3A_145 = arith.constant 0 : i32
        %dma_wait3A_146 = tpu.memref_slice %arg8[%sub3A_140, %dma_wait3A_145] : memref<40x128xi32, #tpu.memory_space<vmem>> -> memref<1x128xi32, #tpu.memory_space<vmem>>
        %dma_wait3A_147 = tpu.memref_squeeze %dma_wait3A_146 : memref<1x128xi32, #tpu.memory_space<vmem>> -> memref<128xi32, #tpu.memory_space<vmem>>
        %dma_wait3A_148 = arith.constant 0 : i32
        %dma_wait3A_149 = arith.constant 0 : i32
        %dma_wait3A_150 = tpu.memref_slice %arg10[%dma_wait3A_148, %dma_wait3A_149] : memref<10112x128xf32, #tpu.memory_space<vmem_shared>> -> memref<10112x128xf32, #tpu.memory_space<vmem_shared>>
        tpu.wait_indirect_dma semaphore(%arg13 : memref<!tpu.dma_semaphore, #tpu.memory_space<semaphore_mem>>) src(%dma_wait3A_144 : memref<128x128xf32, #tpu.memory_space<vmem>>) dst(%dma_wait3A_150 : memref<10112x128xf32, #tpu.memory_space<vmem_shared>>)
      } else {
      }
      %add3A_70 = arith.constant 1 : i32
      %add3A_71 = arith.addi %add3A_67, %add3A_70 : i32
      %dma_start3A_72 = arith.constant 0 : i32
      %dma_start3A_73 = arith.constant 0 : i32
      %dma_start3A_74 = tpu.memref_slice %arg9[%scan3A_12, %dma_start3A_72, %dma_start3A_73] : memref<2x128x128xf32, #tpu.memory_space<vmem>> -> memref<1x128x128xf32, #tpu.memory_space<vmem>>
      %dma_start3A_75 = tpu.memref_squeeze %dma_start3A_74 : memref<1x128x128xf32, #tpu.memory_space<vmem>> -> memref<128x128xf32, #tpu.memory_space<vmem>>
      %dma_start3A_76 = arith.constant 0 : i32
      %dma_start3A_77 = tpu.memref_slice %arg7[%add3A_71, %dma_start3A_76] : memref<40x128xi32, #tpu.memory_space<vmem>> -> memref<1x128xi32, #tpu.memory_space<vmem>>
      %dma_start3A_78 = tpu.memref_squeeze %dma_start3A_77 : memref<1x128xi32, #tpu.memory_space<vmem>> -> memref<128xi32, #tpu.memory_space<vmem>>
      %dma_start3A_79 = arith.constant 0 : i32
      %dma_start3A_80 = arith.constant 0 : i32
      %dma_start3A_81 = tpu.memref_slice %arg4[%dma_start3A_79, %dma_start3A_80] : memref<10112x128xf32, #tpu.memory_space<hbm>> -> memref<10112x128xf32, #tpu.memory_space<hbm>>
      tpu.enqueue_indirect_dma source(%dma_start3A_81 : memref<10112x128xf32, #tpu.memory_space<hbm>>) target(%dma_start3A_75 : memref<128x128xf32, #tpu.memory_space<vmem>>) offsets(%dma_start3A_78 : memref<128xi32, #tpu.memory_space<vmem>>) semaphore(%arg12 : memref<!tpu.dma_semaphore, #tpu.memory_space<semaphore_mem>>)
      %dma_wait3A_82 = arith.constant 0 : i32
      %dma_wait3A_83 = arith.constant 0 : i32
      %dma_wait3A_84 = tpu.memref_slice %arg9[%scan3A_13, %dma_wait3A_82, %dma_wait3A_83] : memref<2x128x128xf32, #tpu.memory_space<vmem>> -> memref<1x128x128xf32, #tpu.memory_space<vmem>>
      %dma_wait3A_85 = tpu.memref_squeeze %dma_wait3A_84 : memref<1x128x128xf32, #tpu.memory_space<vmem>> -> memref<128x128xf32, #tpu.memory_space<vmem>>
      %dma_wait3A_86 = arith.constant 0 : i32
      %dma_wait3A_87 = tpu.memref_slice %arg7[%add3A_67, %dma_wait3A_86] : memref<40x128xi32, #tpu.memory_space<vmem>> -> memref<1x128xi32, #tpu.memory_space<vmem>>
      %dma_wait3A_88 = tpu.memref_squeeze %dma_wait3A_87 : memref<1x128xi32, #tpu.memory_space<vmem>> -> memref<128xi32, #tpu.memory_space<vmem>>
      %dma_wait3A_89 = arith.constant 0 : i32
      %dma_wait3A_90 = arith.constant 0 : i32
      %dma_wait3A_91 = tpu.memref_slice %arg4[%dma_wait3A_89, %dma_wait3A_90] : memref<10112x128xf32, #tpu.memory_space<hbm>> -> memref<10112x128xf32, #tpu.memory_space<hbm>>
      tpu.wait_indirect_dma semaphore(%arg11 : memref<!tpu.dma_semaphore, #tpu.memory_space<semaphore_mem>>) src(%dma_wait3A_91 : memref<10112x128xf32, #tpu.memory_space<hbm>>) dst(%dma_wait3A_85 : memref<128x128xf32, #tpu.memory_space<vmem>>)
      %dma_start3A_92 = arith.constant 0 : i32
      %dma_start3A_93 = arith.constant 0 : i32
      %dma_start3A_94 = tpu.memref_slice %arg9[%scan3A_13, %dma_start3A_92, %dma_start3A_93] : memref<2x128x128xf32, #tpu.memory_space<vmem>> -> memref<1x128x128xf32, #tpu.memory_space<vmem>>
      %dma_start3A_95 = tpu.memref_squeeze %dma_start3A_94 : memref<1x128x128xf32, #tpu.memory_space<vmem>> -> memref<128x128xf32, #tpu.memory_space<vmem>>
      %dma_start3A_96 = arith.constant 0 : i32
      %dma_start3A_97 = tpu.memref_slice %arg8[%add3A_67, %dma_start3A_96] : memref<40x128xi32, #tpu.memory_space<vmem>> -> memref<1x128xi32, #tpu.memory_space<vmem>>
      %dma_start3A_98 = tpu.memref_squeeze %dma_start3A_97 : memref<1x128xi32, #tpu.memory_space<vmem>> -> memref<128xi32, #tpu.memory_space<vmem>>
      %dma_start3A_99 = arith.constant 0 : i32
      %dma_start3A_100 = arith.constant 0 : i32
      %dma_start3A_101 = tpu.memref_slice %arg10[%dma_start3A_99, %dma_start3A_100] : memref<10112x128xf32, #tpu.memory_space<vmem_shared>> -> memref<10112x128xf32, #tpu.memory_space<vmem_shared>>
      tpu.enqueue_indirect_dma source(%dma_start3A_95 : memref<128x128xf32, #tpu.memory_space<vmem>>) target(%dma_start3A_101 : memref<10112x128xf32, #tpu.memory_space<vmem_shared>>) offsets(%dma_start3A_98 : memref<128xi32, #tpu.memory_space<vmem>>) semaphore(%arg13 : memref<!tpu.dma_semaphore, #tpu.memory_space<semaphore_mem>>) {add = true}
      %add3A_102 = arith.constant 1 : i32
      %add3A_103 = arith.addi %mul3A_66, %add3A_102 : i32
      %lt3A = arith.constant 19 : i32
      %lt3A_104 = arith.cmpi slt, %scan3A_64, %lt3A : i32
      %sub3A = arith.constant 1 : i32
      %sub3A_105 = arith.subi %add3A_103, %sub3A : i32
      %dma_wait3A_106 = arith.constant 0 : i32
      %dma_wait3A_107 = arith.constant 0 : i32
      %dma_wait3A_108 = tpu.memref_slice %arg9[%scan3A_13, %dma_wait3A_106, %dma_wait3A_107] : memref<2x128x128xf32, #tpu.memory_space<vmem>> -> memref<1x128x128xf32, #tpu.memory_space<vmem>>
      %dma_wait3A_109 = tpu.memref_squeeze %dma_wait3A_108 : memref<1x128x128xf32, #tpu.memory_space<vmem>> -> memref<128x128xf32, #tpu.memory_space<vmem>>
      %dma_wait3A_110 = arith.constant 0 : i32
      %dma_wait3A_111 = tpu.memref_slice %arg8[%sub3A_105, %dma_wait3A_110] : memref<40x128xi32, #tpu.memory_space<vmem>> -> memref<1x128xi32, #tpu.memory_space<vmem>>
      %dma_wait3A_112 = tpu.memref_squeeze %dma_wait3A_111 : memref<1x128xi32, #tpu.memory_space<vmem>> -> memref<128xi32, #tpu.memory_space<vmem>>
      %dma_wait3A_113 = arith.constant 0 : i32
      %dma_wait3A_114 = arith.constant 0 : i32
      %dma_wait3A_115 = tpu.memref_slice %arg10[%dma_wait3A_113, %dma_wait3A_114] : memref<10112x128xf32, #tpu.memory_space<vmem_shared>> -> memref<10112x128xf32, #tpu.memory_space<vmem_shared>>
      tpu.wait_indirect_dma semaphore(%arg13 : memref<!tpu.dma_semaphore, #tpu.memory_space<semaphore_mem>>) src(%dma_wait3A_109 : memref<128x128xf32, #tpu.memory_space<vmem>>) dst(%dma_wait3A_115 : memref<10112x128xf32, #tpu.memory_space<vmem_shared>>)
      %convert_element_type3A_116 = arith.extui %lt3A_104 : i1 to i32
      %cond3A_117 = arith.constant 0 : i32
      %cond3A_118 = arith.cmpi ne, %convert_element_type3A_116, %cond3A_117 : i32
      scf.if %cond3A_118 {
        %add3A_139 = arith.constant 1 : i32
        %add3A_140 = arith.addi %add3A_103, %add3A_139 : i32
        %dma_start3A_141 = arith.constant 0 : i32
        %dma_start3A_142 = arith.constant 0 : i32
        %dma_start3A_143 = tpu.memref_slice %arg9[%scan3A_13, %dma_start3A_141, %dma_start3A_142] : memref<2x128x128xf32, #tpu.memory_space<vmem>> -> memref<1x128x128xf32, #tpu.memory_space<vmem>>
        %dma_start3A_144 = tpu.memref_squeeze %dma_start3A_143 : memref<1x128x128xf32, #tpu.memory_space<vmem>> -> memref<128x128xf32, #tpu.memory_space<vmem>>
        %dma_start3A_145 = arith.constant 0 : i32
        %dma_start3A_146 = tpu.memref_slice %arg7[%add3A_140, %dma_start3A_145] : memref<40x128xi32, #tpu.memory_space<vmem>> -> memref<1x128xi32, #tpu.memory_space<vmem>>
        %dma_start3A_147 = tpu.memref_squeeze %dma_start3A_146 : memref<1x128xi32, #tpu.memory_space<vmem>> -> memref<128xi32, #tpu.memory_space<vmem>>
        %dma_start3A_148 = arith.constant 0 : i32
        %dma_start3A_149 = arith.constant 0 : i32
        %dma_start3A_150 = tpu.memref_slice %arg4[%dma_start3A_148, %dma_start3A_149] : memref<10112x128xf32, #tpu.memory_space<hbm>> -> memref<10112x128xf32, #tpu.memory_space<hbm>>
        tpu.enqueue_indirect_dma source(%dma_start3A_150 : memref<10112x128xf32, #tpu.memory_space<hbm>>) target(%dma_start3A_144 : memref<128x128xf32, #tpu.memory_space<vmem>>) offsets(%dma_start3A_147 : memref<128xi32, #tpu.memory_space<vmem>>) semaphore(%arg11 : memref<!tpu.dma_semaphore, #tpu.memory_space<semaphore_mem>>)
      } else {
      }
      %dma_wait3A_119 = arith.constant 0 : i32
      %dma_wait3A_120 = arith.constant 0 : i32
      %dma_wait3A_121 = tpu.memref_slice %arg9[%scan3A_12, %dma_wait3A_119, %dma_wait3A_120] : memref<2x128x128xf32, #tpu.memory_space<vmem>> -> memref<1x128x128xf32, #tpu.memory_space<vmem>>
      %dma_wait3A_122 = tpu.memref_squeeze %dma_wait3A_121 : memref<1x128x128xf32, #tpu.memory_space<vmem>> -> memref<128x128xf32, #tpu.memory_space<vmem>>
      %dma_wait3A_123 = arith.constant 0 : i32
      %dma_wait3A_124 = tpu.memref_slice %arg7[%add3A_103, %dma_wait3A_123] : memref<40x128xi32, #tpu.memory_space<vmem>> -> memref<1x128xi32, #tpu.memory_space<vmem>>
      %dma_wait3A_125 = tpu.memref_squeeze %dma_wait3A_124 : memref<1x128xi32, #tpu.memory_space<vmem>> -> memref<128xi32, #tpu.memory_space<vmem>>
      %dma_wait3A_126 = arith.constant 0 : i32
      %dma_wait3A_127 = arith.constant 0 : i32
      %dma_wait3A_128 = tpu.memref_slice %arg4[%dma_wait3A_126, %dma_wait3A_127] : memref<10112x128xf32, #tpu.memory_space<hbm>> -> memref<10112x128xf32, #tpu.memory_space<hbm>>
      tpu.wait_indirect_dma semaphore(%arg12 : memref<!tpu.dma_semaphore, #tpu.memory_space<semaphore_mem>>) src(%dma_wait3A_128 : memref<10112x128xf32, #tpu.memory_space<hbm>>) dst(%dma_wait3A_122 : memref<128x128xf32, #tpu.memory_space<vmem>>)
      %dma_start3A_129 = arith.constant 0 : i32
      %dma_start3A_130 = arith.constant 0 : i32
      %dma_start3A_131 = tpu.memref_slice %arg9[%scan3A_12, %dma_start3A_129, %dma_start3A_130] : memref<2x128x128xf32, #tpu.memory_space<vmem>> -> memref<1x128x128xf32, #tpu.memory_space<vmem>>
      %dma_start3A_132 = tpu.memref_squeeze %dma_start3A_131 : memref<1x128x128xf32, #tpu.memory_space<vmem>> -> memref<128x128xf32, #tpu.memory_space<vmem>>
      %dma_start3A_133 = arith.constant 0 : i32
      %dma_start3A_134 = tpu.memref_slice %arg8[%add3A_103, %dma_start3A_133] : memref<40x128xi32, #tpu.memory_space<vmem>> -> memref<1x128xi32, #tpu.memory_space<vmem>>
      %dma_start3A_135 = tpu.memref_squeeze %dma_start3A_134 : memref<1x128xi32, #tpu.memory_space<vmem>> -> memref<128xi32, #tpu.memory_space<vmem>>
      %dma_start3A_136 = arith.constant 0 : i32
      %dma_start3A_137 = arith.constant 0 : i32
      %dma_start3A_138 = tpu.memref_slice %arg10[%dma_start3A_136, %dma_start3A_137] : memref<10112x128xf32, #tpu.memory_space<vmem_shared>> -> memref<10112x128xf32, #tpu.memory_space<vmem_shared>>
      tpu.enqueue_indirect_dma source(%dma_start3A_132 : memref<128x128xf32, #tpu.memory_space<vmem>>) target(%dma_start3A_138 : memref<10112x128xf32, #tpu.memory_space<vmem_shared>>) offsets(%dma_start3A_135 : memref<128xi32, #tpu.memory_space<vmem>>) semaphore(%arg13 : memref<!tpu.dma_semaphore, #tpu.memory_space<semaphore_mem>>) {add = true}
    }
    %scan3A_18 = arith.constant 20 : i32
    %dma_wait3A = arith.constant 1 : i32
    %dma_wait3A_19 = arith.constant 39 : i32
    %dma_wait3A_20 = arith.constant 0 : i32
    %dma_wait3A_21 = arith.constant 0 : i32
    %dma_wait3A_22 = tpu.memref_slice %arg9[%dma_wait3A, %dma_wait3A_20, %dma_wait3A_21] : memref<2x128x128xf32, #tpu.memory_space<vmem>> -> memref<1x128x128xf32, #tpu.memory_space<vmem>>
    %dma_wait3A_23 = tpu.memref_squeeze %dma_wait3A_22 : memref<1x128x128xf32, #tpu.memory_space<vmem>> -> memref<128x128xf32, #tpu.memory_space<vmem>>
    %dma_wait3A_24 = arith.constant 0 : i32
    %dma_wait3A_25 = tpu.memref_slice %arg8[%dma_wait3A_19, %dma_wait3A_24] : memref<40x128xi32, #tpu.memory_space<vmem>> -> memref<1x128xi32, #tpu.memory_space<vmem>>
    %dma_wait3A_26 = tpu.memref_squeeze %dma_wait3A_25 : memref<1x128xi32, #tpu.memory_space<vmem>> -> memref<128xi32, #tpu.memory_space<vmem>>
    %dma_wait3A_27 = arith.constant 0 : i32
    %dma_wait3A_28 = arith.constant 0 : i32
    %dma_wait3A_29 = tpu.memref_slice %arg10[%dma_wait3A_27, %dma_wait3A_28] : memref<10112x128xf32, #tpu.memory_space<vmem_shared>> -> memref<10112x128xf32, #tpu.memory_space<vmem_shared>>
    tpu.wait_indirect_dma semaphore(%arg13 : memref<!tpu.dma_semaphore, #tpu.memory_space<semaphore_mem>>) src(%dma_wait3A_23 : memref<128x128xf32, #tpu.memory_space<vmem>>) dst(%dma_wait3A_29 : memref<10112x128xf32, #tpu.memory_space<vmem_shared>>)
    "tpu.region"() ({
      %run_scoped3A = tpu.sem_alloc : memref<!tpu.dma_semaphore, #tpu.memory_space<semaphore_mem>>
      %dma_start3A_64 = arith.constant 40 : i32
      %dma_start3A_65 = arith.constant 0 : i32
      %dma_start3A_66 = tpu.memref_slice %arg2[%arg0, %arg1, %dma_start3A_64, %dma_start3A_65] : memref<2x16x80x128xi32, #tpu.memory_space<hbm>> -> memref<1x1x40x128xi32, #tpu.memory_space<hbm>>
      %dma_start3A_67 = tpu.memref_squeeze %dma_start3A_66 : memref<1x1x40x128xi32, #tpu.memory_space<hbm>> -> memref<40x128xi32, #tpu.memory_space<hbm>>
      %dma_start3A_68 = arith.constant 40 : i32
      %dma_start3A_69 = arith.constant 0 : i32
      %dma_start3A_70 = tpu.memref_slice %arg2[%arg0, %arg1, %dma_start3A_68, %dma_start3A_69] : memref<2x16x80x128xi32, #tpu.memory_space<hbm>> -> memref<1x1x40x128xi32, #tpu.memory_space<hbm>>
      %dma_start3A_71 = tpu.memref_squeeze %dma_start3A_70 : memref<1x1x40x128xi32, #tpu.memory_space<hbm>> -> memref<40x128xi32, #tpu.memory_space<hbm>>
      tpu.enqueue_dma source(%dma_start3A_71 : memref<40x128xi32, #tpu.memory_space<hbm>>) target(%arg7 : memref<40x128xi32, #tpu.memory_space<vmem>>) target_semaphore(%run_scoped3A : memref<!tpu.dma_semaphore, #tpu.memory_space<semaphore_mem>>)
      %dma_wait3A_72 = arith.constant 40 : i32
      %dma_wait3A_73 = arith.constant 0 : i32
      %dma_wait3A_74 = tpu.memref_slice %arg2[%arg0, %arg1, %dma_wait3A_72, %dma_wait3A_73] : memref<2x16x80x128xi32, #tpu.memory_space<hbm>> -> memref<1x1x40x128xi32, #tpu.memory_space<hbm>>
      %dma_wait3A_75 = tpu.memref_squeeze %dma_wait3A_74 : memref<1x1x40x128xi32, #tpu.memory_space<hbm>> -> memref<40x128xi32, #tpu.memory_space<hbm>>
      %dma_wait3A_76 = arith.constant 40 : i32
      %dma_wait3A_77 = arith.constant 0 : i32
      %dma_wait3A_78 = tpu.memref_slice %arg2[%arg0, %arg1, %dma_wait3A_76, %dma_wait3A_77] : memref<2x16x80x128xi32, #tpu.memory_space<hbm>> -> memref<1x1x40x128xi32, #tpu.memory_space<hbm>>
      %dma_wait3A_79 = tpu.memref_squeeze %dma_wait3A_78 : memref<1x1x40x128xi32, #tpu.memory_space<hbm>> -> memref<40x128xi32, #tpu.memory_space<hbm>>
      tpu.wait_dma2 semaphore(%run_scoped3A : memref<!tpu.dma_semaphore, #tpu.memory_space<semaphore_mem>>) src(%dma_wait3A_79 : memref<40x128xi32, #tpu.memory_space<hbm>>) dst(%arg7 : memref<40x128xi32, #tpu.memory_space<vmem>>)
      tpu.yield
    }) : () -> ()
    "tpu.region"() ({
      %run_scoped3A = tpu.sem_alloc : memref<!tpu.dma_semaphore, #tpu.memory_space<semaphore_mem>>
      %dma_start3A_64 = arith.constant 40 : i32
      %dma_start3A_65 = arith.constant 0 : i32
      %dma_start3A_66 = tpu.memref_slice %arg3[%arg0, %arg1, %dma_start3A_64, %dma_start3A_65] : memref<2x16x80x128xi32, #tpu.memory_space<hbm>> -> memref<1x1x40x128xi32, #tpu.memory_space<hbm>>
      %dma_start3A_67 = tpu.memref_squeeze %dma_start3A_66 : memref<1x1x40x128xi32, #tpu.memory_space<hbm>> -> memref<40x128xi32, #tpu.memory_space<hbm>>
      %dma_start3A_68 = arith.constant 40 : i32
      %dma_start3A_69 = arith.constant 0 : i32
      %dma_start3A_70 = tpu.memref_slice %arg3[%arg0, %arg1, %dma_start3A_68, %dma_start3A_69] : memref<2x16x80x128xi32, #tpu.memory_space<hbm>> -> memref<1x1x40x128xi32, #tpu.memory_space<hbm>>
      %dma_start3A_71 = tpu.memref_squeeze %dma_start3A_70 : memref<1x1x40x128xi32, #tpu.memory_space<hbm>> -> memref<40x128xi32, #tpu.memory_space<hbm>>
      tpu.enqueue_dma source(%dma_start3A_71 : memref<40x128xi32, #tpu.memory_space<hbm>>) target(%arg8 : memref<40x128xi32, #tpu.memory_space<vmem>>) target_semaphore(%run_scoped3A : memref<!tpu.dma_semaphore, #tpu.memory_space<semaphore_mem>>)
      %dma_wait3A_72 = arith.constant 40 : i32
      %dma_wait3A_73 = arith.constant 0 : i32
      %dma_wait3A_74 = tpu.memref_slice %arg3[%arg0, %arg1, %dma_wait3A_72, %dma_wait3A_73] : memref<2x16x80x128xi32, #tpu.memory_space<hbm>> -> memref<1x1x40x128xi32, #tpu.memory_space<hbm>>
      %dma_wait3A_75 = tpu.memref_squeeze %dma_wait3A_74 : memref<1x1x40x128xi32, #tpu.memory_space<hbm>> -> memref<40x128xi32, #tpu.memory_space<hbm>>
      %dma_wait3A_76 = arith.constant 40 : i32
      %dma_wait3A_77 = arith.constant 0 : i32
      %dma_wait3A_78 = tpu.memref_slice %arg3[%arg0, %arg1, %dma_wait3A_76, %dma_wait3A_77] : memref<2x16x80x128xi32, #tpu.memory_space<hbm>> -> memref<1x1x40x128xi32, #tpu.memory_space<hbm>>
      %dma_wait3A_79 = tpu.memref_squeeze %dma_wait3A_78 : memref<1x1x40x128xi32, #tpu.memory_space<hbm>> -> memref<40x128xi32, #tpu.memory_space<hbm>>
      tpu.wait_dma2 semaphore(%run_scoped3A : memref<!tpu.dma_semaphore, #tpu.memory_space<semaphore_mem>>) src(%dma_wait3A_79 : memref<40x128xi32, #tpu.memory_space<hbm>>) dst(%arg8 : memref<40x128xi32, #tpu.memory_space<vmem>>)
      tpu.yield
    }) : () -> ()
    %dma_start3A_30 = arith.constant 0 : i32
    %dma_start3A_31 = arith.constant 0 : i32
    %dma_start3A_32 = arith.constant 0 : i32
    %dma_start3A_33 = arith.constant 0 : i32
    %dma_start3A_34 = tpu.memref_slice %arg9[%dma_start3A_31, %dma_start3A_32, %dma_start3A_33] : memref<2x128x128xf32, #tpu.memory_space<vmem>> -> memref<1x128x128xf32, #tpu.memory_space<vmem>>
    %dma_start3A_35 = tpu.memref_squeeze %dma_start3A_34 : memref<1x128x128xf32, #tpu.memory_space<vmem>> -> memref<128x128xf32, #tpu.memory_space<vmem>>
    %dma_start3A_36 = arith.constant 0 : i32
    %dma_start3A_37 = tpu.memref_slice %arg7[%dma_start3A_30, %dma_start3A_36] : memref<40x128xi32, #tpu.memory_space<vmem>> -> memref<1x128xi32, #tpu.memory_space<vmem>>
    %dma_start3A_38 = tpu.memref_squeeze %dma_start3A_37 : memref<1x128xi32, #tpu.memory_space<vmem>> -> memref<128xi32, #tpu.memory_space<vmem>>
    %dma_start3A_39 = arith.constant 0 : i32
    %dma_start3A_40 = arith.constant 0 : i32
    %dma_start3A_41 = tpu.memref_slice %arg4[%dma_start3A_39, %dma_start3A_40] : memref<10112x128xf32, #tpu.memory_space<hbm>> -> memref<10112x128xf32, #tpu.memory_space<hbm>>
    tpu.enqueue_indirect_dma source(%dma_start3A_41 : memref<10112x128xf32, #tpu.memory_space<hbm>>) target(%dma_start3A_35 : memref<128x128xf32, #tpu.memory_space<vmem>>) offsets(%dma_start3A_38 : memref<128xi32, #tpu.memory_space<vmem>>) semaphore(%arg11 : memref<!tpu.dma_semaphore, #tpu.memory_space<semaphore_mem>>)
    %scan3A_42 = arith.constant 0 : i32
    %scan3A_43 = arith.constant 1 : i32
    %scan3A_44 = arith.constant 0 : i32
    %scan3A_45 = arith.constant 0 : i32
    %scan3A_46 = arith.constant 20 : i32
    %scan3A_47 = arith.addi %scan3A_45, %scan3A_46 : i32
    %scan3A_48 = arith.constant 1 : i32
    scf.for %scan3A_64 = %scan3A_45 to %scan3A_47 step %scan3A_48  : i32 {
      %mul3A_65 = arith.constant 2 : i32
      %mul3A_66 = arith.muli %scan3A_64, %mul3A_65 : i32
      %add3A = arith.constant 0 : i32
      %add3A_67 = arith.addi %mul3A_66, %add3A : i32
      %ge3A = arith.constant 1 : i32
      %ge3A_68 = arith.cmpi sge, %scan3A_64, %ge3A : i32
      %convert_element_type3A = arith.extui %ge3A_68 : i1 to i32
      %cond3A = arith.constant 0 : i32
      %cond3A_69 = arith.cmpi ne, %convert_element_type3A, %cond3A : i32
      scf.if %cond3A_69 {
        %sub3A_139 = arith.constant 1 : i32
        %sub3A_140 = arith.subi %add3A_67, %sub3A_139 : i32
        %dma_wait3A_141 = arith.constant 0 : i32
        %dma_wait3A_142 = arith.constant 0 : i32
        %dma_wait3A_143 = tpu.memref_slice %arg9[%scan3A_43, %dma_wait3A_141, %dma_wait3A_142] : memref<2x128x128xf32, #tpu.memory_space<vmem>> -> memref<1x128x128xf32, #tpu.memory_space<vmem>>
        %dma_wait3A_144 = tpu.memref_squeeze %dma_wait3A_143 : memref<1x128x128xf32, #tpu.memory_space<vmem>> -> memref<128x128xf32, #tpu.memory_space<vmem>>
        %dma_wait3A_145 = arith.constant 0 : i32
        %dma_wait3A_146 = tpu.memref_slice %arg8[%sub3A_140, %dma_wait3A_145] : memref<40x128xi32, #tpu.memory_space<vmem>> -> memref<1x128xi32, #tpu.memory_space<vmem>>
        %dma_wait3A_147 = tpu.memref_squeeze %dma_wait3A_146 : memref<1x128xi32, #tpu.memory_space<vmem>> -> memref<128xi32, #tpu.memory_space<vmem>>
        %dma_wait3A_148 = arith.constant 0 : i32
        %dma_wait3A_149 = arith.constant 0 : i32
        %dma_wait3A_150 = tpu.memref_slice %arg10[%dma_wait3A_148, %dma_wait3A_149] : memref<10112x128xf32, #tpu.memory_space<vmem_shared>> -> memref<10112x128xf32, #tpu.memory_space<vmem_shared>>
        tpu.wait_indirect_dma semaphore(%arg13 : memref<!tpu.dma_semaphore, #tpu.memory_space<semaphore_mem>>) src(%dma_wait3A_144 : memref<128x128xf32, #tpu.memory_space<vmem>>) dst(%dma_wait3A_150 : memref<10112x128xf32, #tpu.memory_space<vmem_shared>>)
      } else {
      }
      %add3A_70 = arith.constant 1 : i32
      %add3A_71 = arith.addi %add3A_67, %add3A_70 : i32
      %dma_start3A_72 = arith.constant 0 : i32
      %dma_start3A_73 = arith.constant 0 : i32
      %dma_start3A_74 = tpu.memref_slice %arg9[%scan3A_43, %dma_start3A_72, %dma_start3A_73] : memref<2x128x128xf32, #tpu.memory_space<vmem>> -> memref<1x128x128xf32, #tpu.memory_space<vmem>>
      %dma_start3A_75 = tpu.memref_squeeze %dma_start3A_74 : memref<1x128x128xf32, #tpu.memory_space<vmem>> -> memref<128x128xf32, #tpu.memory_space<vmem>>
      %dma_start3A_76 = arith.constant 0 : i32
      %dma_start3A_77 = tpu.memref_slice %arg7[%add3A_71, %dma_start3A_76] : memref<40x128xi32, #tpu.memory_space<vmem>> -> memref<1x128xi32, #tpu.memory_space<vmem>>
      %dma_start3A_78 = tpu.memref_squeeze %dma_start3A_77 : memref<1x128xi32, #tpu.memory_space<vmem>> -> memref<128xi32, #tpu.memory_space<vmem>>
      %dma_start3A_79 = arith.constant 0 : i32
      %dma_start3A_80 = arith.constant 0 : i32
      %dma_start3A_81 = tpu.memref_slice %arg4[%dma_start3A_79, %dma_start3A_80] : memref<10112x128xf32, #tpu.memory_space<hbm>> -> memref<10112x128xf32, #tpu.memory_space<hbm>>
      tpu.enqueue_indirect_dma source(%dma_start3A_81 : memref<10112x128xf32, #tpu.memory_space<hbm>>) target(%dma_start3A_75 : memref<128x128xf32, #tpu.memory_space<vmem>>) offsets(%dma_start3A_78 : memref<128xi32, #tpu.memory_space<vmem>>) semaphore(%arg12 : memref<!tpu.dma_semaphore, #tpu.memory_space<semaphore_mem>>)
      %dma_wait3A_82 = arith.constant 0 : i32
      %dma_wait3A_83 = arith.constant 0 : i32
      %dma_wait3A_84 = tpu.memref_slice %arg9[%scan3A_44, %dma_wait3A_82, %dma_wait3A_83] : memref<2x128x128xf32, #tpu.memory_space<vmem>> -> memref<1x128x128xf32, #tpu.memory_space<vmem>>
      %dma_wait3A_85 = tpu.memref_squeeze %dma_wait3A_84 : memref<1x128x128xf32, #tpu.memory_space<vmem>> -> memref<128x128xf32, #tpu.memory_space<vmem>>
      %dma_wait3A_86 = arith.constant 0 : i32
      %dma_wait3A_87 = tpu.memref_slice %arg7[%add3A_67, %dma_wait3A_86] : memref<40x128xi32, #tpu.memory_space<vmem>> -> memref<1x128xi32, #tpu.memory_space<vmem>>
      %dma_wait3A_88 = tpu.memref_squeeze %dma_wait3A_87 : memref<1x128xi32, #tpu.memory_space<vmem>> -> memref<128xi32, #tpu.memory_space<vmem>>
      %dma_wait3A_89 = arith.constant 0 : i32
      %dma_wait3A_90 = arith.constant 0 : i32
      %dma_wait3A_91 = tpu.memref_slice %arg4[%dma_wait3A_89, %dma_wait3A_90] : memref<10112x128xf32, #tpu.memory_space<hbm>> -> memref<10112x128xf32, #tpu.memory_space<hbm>>
      tpu.wait_indirect_dma semaphore(%arg11 : memref<!tpu.dma_semaphore, #tpu.memory_space<semaphore_mem>>) src(%dma_wait3A_91 : memref<10112x128xf32, #tpu.memory_space<hbm>>) dst(%dma_wait3A_85 : memref<128x128xf32, #tpu.memory_space<vmem>>)
      %dma_start3A_92 = arith.constant 0 : i32
      %dma_start3A_93 = arith.constant 0 : i32
      %dma_start3A_94 = tpu.memref_slice %arg9[%scan3A_44, %dma_start3A_92, %dma_start3A_93] : memref<2x128x128xf32, #tpu.memory_space<vmem>> -> memref<1x128x128xf32, #tpu.memory_space<vmem>>
      %dma_start3A_95 = tpu.memref_squeeze %dma_start3A_94 : memref<1x128x128xf32, #tpu.memory_space<vmem>> -> memref<128x128xf32, #tpu.memory_space<vmem>>
      %dma_start3A_96 = arith.constant 0 : i32
      %dma_start3A_97 = tpu.memref_slice %arg8[%add3A_67, %dma_start3A_96] : memref<40x128xi32, #tpu.memory_space<vmem>> -> memref<1x128xi32, #tpu.memory_space<vmem>>
      %dma_start3A_98 = tpu.memref_squeeze %dma_start3A_97 : memref<1x128xi32, #tpu.memory_space<vmem>> -> memref<128xi32, #tpu.memory_space<vmem>>
      %dma_start3A_99 = arith.constant 0 : i32
      %dma_start3A_100 = arith.constant 0 : i32
      %dma_start3A_101 = tpu.memref_slice %arg10[%dma_start3A_99, %dma_start3A_100] : memref<10112x128xf32, #tpu.memory_space<vmem_shared>> -> memref<10112x128xf32, #tpu.memory_space<vmem_shared>>
      tpu.enqueue_indirect_dma source(%dma_start3A_95 : memref<128x128xf32, #tpu.memory_space<vmem>>) target(%dma_start3A_101 : memref<10112x128xf32, #tpu.memory_space<vmem_shared>>) offsets(%dma_start3A_98 : memref<128xi32, #tpu.memory_space<vmem>>) semaphore(%arg13 : memref<!tpu.dma_semaphore, #tpu.memory_space<semaphore_mem>>) {add = true}
      %add3A_102 = arith.constant 1 : i32
      %add3A_103 = arith.addi %mul3A_66, %add3A_102 : i32
      %lt3A = arith.constant 19 : i32
      %lt3A_104 = arith.cmpi slt, %scan3A_64, %lt3A : i32
      %sub3A = arith.constant 1 : i32
      %sub3A_105 = arith.subi %add3A_103, %sub3A : i32
      %dma_wait3A_106 = arith.constant 0 : i32
      %dma_wait3A_107 = arith.constant 0 : i32
      %dma_wait3A_108 = tpu.memref_slice %arg9[%scan3A_44, %dma_wait3A_106, %dma_wait3A_107] : memref<2x128x128xf32, #tpu.memory_space<vmem>> -> memref<1x128x128xf32, #tpu.memory_space<vmem>>
      %dma_wait3A_109 = tpu.memref_squeeze %dma_wait3A_108 : memref<1x128x128xf32, #tpu.memory_space<vmem>> -> memref<128x128xf32, #tpu.memory_space<vmem>>
      %dma_wait3A_110 = arith.constant 0 : i32
      %dma_wait3A_111 = tpu.memref_slice %arg8[%sub3A_105, %dma_wait3A_110] : memref<40x128xi32, #tpu.memory_space<vmem>> -> memref<1x128xi32, #tpu.memory_space<vmem>>
      %dma_wait3A_112 = tpu.memref_squeeze %dma_wait3A_111 : memref<1x128xi32, #tpu.memory_space<vmem>> -> memref<128xi32, #tpu.memory_space<vmem>>
      %dma_wait3A_113 = arith.constant 0 : i32
      %dma_wait3A_114 = arith.constant 0 : i32
      %dma_wait3A_115 = tpu.memref_slice %arg10[%dma_wait3A_113, %dma_wait3A_114] : memref<10112x128xf32, #tpu.memory_space<vmem_shared>> -> memref<10112x128xf32, #tpu.memory_space<vmem_shared>>
      tpu.wait_indirect_dma semaphore(%arg13 : memref<!tpu.dma_semaphore, #tpu.memory_space<semaphore_mem>>) src(%dma_wait3A_109 : memref<128x128xf32, #tpu.memory_space<vmem>>) dst(%dma_wait3A_115 : memref<10112x128xf32, #tpu.memory_space<vmem_shared>>)
      %convert_element_type3A_116 = arith.extui %lt3A_104 : i1 to i32
      %cond3A_117 = arith.constant 0 : i32
      %cond3A_118 = arith.cmpi ne, %convert_element_type3A_116, %cond3A_117 : i32
      scf.if %cond3A_118 {
        %add3A_139 = arith.constant 1 : i32
        %add3A_140 = arith.addi %add3A_103, %add3A_139 : i32
        %dma_start3A_141 = arith.constant 0 : i32
        %dma_start3A_142 = arith.constant 0 : i32
        %dma_start3A_143 = tpu.memref_slice %arg9[%scan3A_44, %dma_start3A_141, %dma_start3A_142] : memref<2x128x128xf32, #tpu.memory_space<vmem>> -> memref<1x128x128xf32, #tpu.memory_space<vmem>>
        %dma_start3A_144 = tpu.memref_squeeze %dma_start3A_143 : memref<1x128x128xf32, #tpu.memory_space<vmem>> -> memref<128x128xf32, #tpu.memory_space<vmem>>
        %dma_start3A_145 = arith.constant 0 : i32
        %dma_start3A_146 = tpu.memref_slice %arg7[%add3A_140, %dma_start3A_145] : memref<40x128xi32, #tpu.memory_space<vmem>> -> memref<1x128xi32, #tpu.memory_space<vmem>>
        %dma_start3A_147 = tpu.memref_squeeze %dma_start3A_146 : memref<1x128xi32, #tpu.memory_space<vmem>> -> memref<128xi32, #tpu.memory_space<vmem>>
        %dma_start3A_148 = arith.constant 0 : i32
        %dma_start3A_149 = arith.constant 0 : i32
        %dma_start3A_150 = tpu.memref_slice %arg4[%dma_start3A_148, %dma_start3A_149] : memref<10112x128xf32, #tpu.memory_space<hbm>> -> memref<10112x128xf32, #tpu.memory_space<hbm>>
        tpu.enqueue_indirect_dma source(%dma_start3A_150 : memref<10112x128xf32, #tpu.memory_space<hbm>>) target(%dma_start3A_144 : memref<128x128xf32, #tpu.memory_space<vmem>>) offsets(%dma_start3A_147 : memref<128xi32, #tpu.memory_space<vmem>>) semaphore(%arg11 : memref<!tpu.dma_semaphore, #tpu.memory_space<semaphore_mem>>)
      } else {
      }
      %dma_wait3A_119 = arith.constant 0 : i32
      %dma_wait3A_120 = arith.constant 0 : i32
      %dma_wait3A_121 = tpu.memref_slice %arg9[%scan3A_43, %dma_wait3A_119, %dma_wait3A_120] : memref<2x128x128xf32, #tpu.memory_space<vmem>> -> memref<1x128x128xf32, #tpu.memory_space<vmem>>
      %dma_wait3A_122 = tpu.memref_squeeze %dma_wait3A_121 : memref<1x128x128xf32, #tpu.memory_space<vmem>> -> memref<128x128xf32, #tpu.memory_space<vmem>>
      %dma_wait3A_123 = arith.constant 0 : i32
      %dma_wait3A_124 = tpu.memref_slice %arg7[%add3A_103, %dma_wait3A_123] : memref<40x128xi32, #tpu.memory_space<vmem>> -> memref<1x128xi32, #tpu.memory_space<vmem>>
      %dma_wait3A_125 = tpu.memref_squeeze %dma_wait3A_124 : memref<1x128xi32, #tpu.memory_space<vmem>> -> memref<128xi32, #tpu.memory_space<vmem>>
      %dma_wait3A_126 = arith.constant 0 : i32
      %dma_wait3A_127 = arith.constant 0 : i32
      %dma_wait3A_128 = tpu.memref_slice %arg4[%dma_wait3A_126, %dma_wait3A_127] : memref<10112x128xf32, #tpu.memory_space<hbm>> -> memref<10112x128xf32, #tpu.memory_space<hbm>>
      tpu.wait_indirect_dma semaphore(%arg12 : memref<!tpu.dma_semaphore, #tpu.memory_space<semaphore_mem>>) src(%dma_wait3A_128 : memref<10112x128xf32, #tpu.memory_space<hbm>>) dst(%dma_wait3A_122 : memref<128x128xf32, #tpu.memory_space<vmem>>)
      %dma_start3A_129 = arith.constant 0 : i32
      %dma_start3A_130 = arith.constant 0 : i32
      %dma_start3A_131 = tpu.memref_slice %arg9[%scan3A_43, %dma_start3A_129, %dma_start3A_130] : memref<2x128x128xf32, #tpu.memory_space<vmem>> -> memref<1x128x128xf32, #tpu.memory_space<vmem>>
      %dma_start3A_132 = tpu.memref_squeeze %dma_start3A_131 : memref<1x128x128xf32, #tpu.memory_space<vmem>> -> memref<128x128xf32, #tpu.memory_space<vmem>>
      %dma_start3A_133 = arith.constant 0 : i32
      %dma_start3A_134 = tpu.memref_slice %arg8[%add3A_103, %dma_start3A_133] : memref<40x128xi32, #tpu.memory_space<vmem>> -> memref<1x128xi32, #tpu.memory_space<vmem>>
      %dma_start3A_135 = tpu.memref_squeeze %dma_start3A_134 : memref<1x128xi32, #tpu.memory_space<vmem>> -> memref<128xi32, #tpu.memory_space<vmem>>
      %dma_start3A_136 = arith.constant 0 : i32
      %dma_start3A_137 = arith.constant 0 : i32
      %dma_start3A_138 = tpu.memref_slice %arg10[%dma_start3A_136, %dma_start3A_137] : memref<10112x128xf32, #tpu.memory_space<vmem_shared>> -> memref<10112x128xf32, #tpu.memory_space<vmem_shared>>
      tpu.enqueue_indirect_dma source(%dma_start3A_132 : memref<128x128xf32, #tpu.memory_space<vmem>>) target(%dma_start3A_138 : memref<10112x128xf32, #tpu.memory_space<vmem_shared>>) offsets(%dma_start3A_135 : memref<128xi32, #tpu.memory_space<vmem>>) semaphore(%arg13 : memref<!tpu.dma_semaphore, #tpu.memory_space<semaphore_mem>>) {add = true}
    }
    %scan3A_49 = arith.constant 20 : i32
    %dma_wait3A_50 = arith.constant 1 : i32
    %dma_wait3A_51 = arith.constant 39 : i32
    %dma_wait3A_52 = arith.constant 0 : i32
    %dma_wait3A_53 = arith.constant 0 : i32
    %dma_wait3A_54 = tpu.memref_slice %arg9[%dma_wait3A_50, %dma_wait3A_52, %dma_wait3A_53] : memref<2x128x128xf32, #tpu.memory_space<vmem>> -> memref<1x128x128xf32, #tpu.memory_space<vmem>>
    %dma_wait3A_55 = tpu.memref_squeeze %dma_wait3A_54 : memref<1x128x128xf32, #tpu.memory_space<vmem>> -> memref<128x128xf32, #tpu.memory_space<vmem>>
    %dma_wait3A_56 = arith.constant 0 : i32
    %dma_wait3A_57 = tpu.memref_slice %arg8[%dma_wait3A_51, %dma_wait3A_56] : memref<40x128xi32, #tpu.memory_space<vmem>> -> memref<1x128xi32, #tpu.memory_space<vmem>>
    %dma_wait3A_58 = tpu.memref_squeeze %dma_wait3A_57 : memref<1x128xi32, #tpu.memory_space<vmem>> -> memref<128xi32, #tpu.memory_space<vmem>>
    %dma_wait3A_59 = arith.constant 0 : i32
    %dma_wait3A_60 = arith.constant 0 : i32
    %dma_wait3A_61 = tpu.memref_slice %arg10[%dma_wait3A_59, %dma_wait3A_60] : memref<10112x128xf32, #tpu.memory_space<vmem_shared>> -> memref<10112x128xf32, #tpu.memory_space<vmem_shared>>
    tpu.wait_indirect_dma semaphore(%arg13 : memref<!tpu.dma_semaphore, #tpu.memory_space<semaphore_mem>>) src(%dma_wait3A_55 : memref<128x128xf32, #tpu.memory_space<vmem>>) dst(%dma_wait3A_61 : memref<10112x128xf32, #tpu.memory_space<vmem_shared>>)
    %barrier3A_62 = arith.constant 0 : index
    tpu.barrier barrier_id(%barrier3A_62)
    "tpu.region"() ({
      %run_scoped3A = tpu.sem_alloc : memref<!tpu.dma_semaphore, #tpu.memory_space<semaphore_mem>>
      %dma_start3A_64 = arith.constant 0 : i32
      %dma_start3A_65 = tpu.memref_slice %arg6[%arg0, %mul3A_0, %dma_start3A_64] : memref<2x10112x128xf32, #tpu.memory_space<hbm>> -> memref<1x632x128xf32, #tpu.memory_space<hbm>>
      %dma_start3A_66 = tpu.memref_squeeze %dma_start3A_65 : memref<1x632x128xf32, #tpu.memory_space<hbm>> -> memref<632x128xf32, #tpu.memory_space<hbm>>
      %dma_start3A_67 = arith.constant 0 : i32
      %dma_start3A_68 = tpu.memref_slice %arg10[%mul3A_0, %dma_start3A_67] : memref<10112x128xf32, #tpu.memory_space<vmem_shared>> -> memref<632x128xf32, #tpu.memory_space<vmem_shared>>
      tpu.enqueue_dma source(%dma_start3A_68 : memref<632x128xf32, #tpu.memory_space<vmem_shared>>) target(%dma_start3A_66 : memref<632x128xf32, #tpu.memory_space<hbm>>) target_semaphore(%run_scoped3A : memref<!tpu.dma_semaphore, #tpu.memory_space<semaphore_mem>>)
      %dma_wait3A_69 = arith.constant 0 : i32
      %dma_wait3A_70 = tpu.memref_slice %arg6[%arg0, %mul3A_0, %dma_wait3A_69] : memref<2x10112x128xf32, #tpu.memory_space<hbm>> -> memref<1x632x128xf32, #tpu.memory_space<hbm>>
      %dma_wait3A_71 = tpu.memref_squeeze %dma_wait3A_70 : memref<1x632x128xf32, #tpu.memory_space<hbm>> -> memref<632x128xf32, #tpu.memory_space<hbm>>
      %dma_wait3A_72 = arith.constant 0 : i32
      %dma_wait3A_73 = tpu.memref_slice %arg10[%mul3A_0, %dma_wait3A_72] : memref<10112x128xf32, #tpu.memory_space<vmem_shared>> -> memref<632x128xf32, #tpu.memory_space<vmem_shared>>
      tpu.wait_dma2 semaphore(%run_scoped3A : memref<!tpu.dma_semaphore, #tpu.memory_space<semaphore_mem>>) src(%dma_wait3A_73 : memref<632x128xf32, #tpu.memory_space<vmem_shared>>) dst(%dma_wait3A_71 : memref<632x128xf32, #tpu.memory_space<hbm>>)
      tpu.yield
    }) : () -> ()
    %barrier3A_63 = arith.constant 0 : index
    tpu.barrier barrier_id(%barrier3A_63)
    return
  }
}

#map = affine_map<(d0, d1) -> (0, 0, 0, 0)>
#map1 = affine_map<(d0, d1) -> (0, 0)>
#map2 = affine_map<(d0, d1) -> (0, 0, 0)>
module attributes {stable_mosaic.version = 14 : i64} {
  func.func @body(%arg0: i32, %arg1: i32, %arg2: memref<4x16x40x128xi32, #tpu.memory_space<hbm>>, %arg3: memref<632x128xf32, #tpu.memory_space<hbm>>, %arg4: memref<128x128xf32, #tpu.memory_space<hbm>>, %arg5: memref<4x10112x128xf32, #tpu.memory_space<hbm>>, %arg6: memref<40x128xi32, #tpu.memory_space<vmem>>, %arg7: memref<128x128xf32, #tpu.memory_space<vmem>>, %arg8: memref<10112x128xf32, #tpu.memory_space<vmem_shared>>, %arg9: memref<!tpu.dma_semaphore, #tpu.memory_space<semaphore_mem>>) attributes {dimension_semantics = [#tpu.dimension_semantics<core_parallel>, #tpu.dimension_semantics<subcore_parallel>], iteration_bounds = array<i64: 2, 16>, scalar_prefetch = 0 : i64, scratch_operands = 4 : i64, tpu.core_type = #tpu.core_type<sc_vector_subcore>, window_params = [{transform_indices = #map}, {transform_indices = #map1}, {transform_indices = #map1}, {transform_indices = #map2}]} {
    %mul3A = arith.constant 632 : i32
    %mul3A_0 = arith.muli %arg1, %mul3A : i32
    "tpu.region"() ({
      %run_scoped3A = tpu.sem_alloc : memref<!tpu.dma_semaphore, #tpu.memory_space<semaphore_mem>>
      tpu.enqueue_dma source(%arg4 : memref<128x128xf32, #tpu.memory_space<hbm>>) target(%arg7 : memref<128x128xf32, #tpu.memory_space<vmem>>) target_semaphore(%run_scoped3A : memref<!tpu.dma_semaphore, #tpu.memory_space<semaphore_mem>>)
      tpu.wait_dma2 semaphore(%run_scoped3A : memref<!tpu.dma_semaphore, #tpu.memory_space<semaphore_mem>>) src(%arg4 : memref<128x128xf32, #tpu.memory_space<hbm>>) dst(%arg7 : memref<128x128xf32, #tpu.memory_space<vmem>>)
      tpu.yield
    }) : () -> ()
    %mul3A_1 = arith.constant 2 : i32
    %mul3A_2 = arith.muli %arg0, %mul3A_1 : i32
    %add3A = arith.constant 0 : i32
    %add3A_3 = arith.addi %mul3A_2, %add3A : i32
    "tpu.region"() ({
      %run_scoped3A = tpu.sem_alloc : memref<!tpu.dma_semaphore, #tpu.memory_space<semaphore_mem>>
      %dma_start3A = arith.constant 0 : i32
      %dma_start3A_37 = tpu.memref_slice %arg8[%mul3A_0, %dma_start3A] : memref<10112x128xf32, #tpu.memory_space<vmem_shared>> -> memref<632x128xf32, #tpu.memory_space<vmem_shared>>
      tpu.enqueue_dma source(%arg3 : memref<632x128xf32, #tpu.memory_space<hbm>>) target(%dma_start3A_37 : memref<632x128xf32, #tpu.memory_space<vmem_shared>>) target_semaphore(%run_scoped3A : memref<!tpu.dma_semaphore, #tpu.memory_space<semaphore_mem>>)
      %dma_wait3A_38 = arith.constant 0 : i32
      %dma_wait3A_39 = tpu.memref_slice %arg8[%mul3A_0, %dma_wait3A_38] : memref<10112x128xf32, #tpu.memory_space<vmem_shared>> -> memref<632x128xf32, #tpu.memory_space<vmem_shared>>
      tpu.wait_dma2 semaphore(%run_scoped3A : memref<!tpu.dma_semaphore, #tpu.memory_space<semaphore_mem>>) src(%arg3 : memref<632x128xf32, #tpu.memory_space<hbm>>) dst(%dma_wait3A_39 : memref<632x128xf32, #tpu.memory_space<vmem_shared>>)
      tpu.yield
    }) : () -> ()
    %barrier3A = arith.constant 0 : index
    tpu.barrier barrier_id(%barrier3A)
    "tpu.region"() ({
      %run_scoped3A = tpu.sem_alloc : memref<!tpu.dma_semaphore, #tpu.memory_space<semaphore_mem>>
      %dma_start3A = arith.constant 0 : i32
      %dma_start3A_37 = arith.constant 0 : i32
      %dma_start3A_38 = tpu.memref_slice %arg2[%add3A_3, %arg1, %dma_start3A, %dma_start3A_37] : memref<4x16x40x128xi32, #tpu.memory_space<hbm>> -> memref<1x1x40x128xi32, #tpu.memory_space<hbm>>
      %dma_start3A_39 = tpu.memref_squeeze %dma_start3A_38 : memref<1x1x40x128xi32, #tpu.memory_space<hbm>> -> memref<40x128xi32, #tpu.memory_space<hbm>>
      %dma_start3A_40 = arith.constant 0 : i32
      %dma_start3A_41 = arith.constant 0 : i32
      %dma_start3A_42 = tpu.memref_slice %arg2[%add3A_3, %arg1, %dma_start3A_40, %dma_start3A_41] : memref<4x16x40x128xi32, #tpu.memory_space<hbm>> -> memref<1x1x40x128xi32, #tpu.memory_space<hbm>>
      %dma_start3A_43 = tpu.memref_squeeze %dma_start3A_42 : memref<1x1x40x128xi32, #tpu.memory_space<hbm>> -> memref<40x128xi32, #tpu.memory_space<hbm>>
      tpu.enqueue_dma source(%dma_start3A_43 : memref<40x128xi32, #tpu.memory_space<hbm>>) target(%arg6 : memref<40x128xi32, #tpu.memory_space<vmem>>) target_semaphore(%run_scoped3A : memref<!tpu.dma_semaphore, #tpu.memory_space<semaphore_mem>>)
      %dma_wait3A_44 = arith.constant 0 : i32
      %dma_wait3A_45 = arith.constant 0 : i32
      %dma_wait3A_46 = tpu.memref_slice %arg2[%add3A_3, %arg1, %dma_wait3A_44, %dma_wait3A_45] : memref<4x16x40x128xi32, #tpu.memory_space<hbm>> -> memref<1x1x40x128xi32, #tpu.memory_space<hbm>>
      %dma_wait3A_47 = tpu.memref_squeeze %dma_wait3A_46 : memref<1x1x40x128xi32, #tpu.memory_space<hbm>> -> memref<40x128xi32, #tpu.memory_space<hbm>>
      %dma_wait3A_48 = arith.constant 0 : i32
      %dma_wait3A_49 = arith.constant 0 : i32
      %dma_wait3A_50 = tpu.memref_slice %arg2[%add3A_3, %arg1, %dma_wait3A_48, %dma_wait3A_49] : memref<4x16x40x128xi32, #tpu.memory_space<hbm>> -> memref<1x1x40x128xi32, #tpu.memory_space<hbm>>
      %dma_wait3A_51 = tpu.memref_squeeze %dma_wait3A_50 : memref<1x1x40x128xi32, #tpu.memory_space<hbm>> -> memref<40x128xi32, #tpu.memory_space<hbm>>
      tpu.wait_dma2 semaphore(%run_scoped3A : memref<!tpu.dma_semaphore, #tpu.memory_space<semaphore_mem>>) src(%dma_wait3A_51 : memref<40x128xi32, #tpu.memory_space<hbm>>) dst(%arg6 : memref<40x128xi32, #tpu.memory_space<vmem>>)
      tpu.yield
    }) : () -> ()
    %scan3A = arith.constant 0 : i32
    %scan3A_4 = arith.constant 0 : i32
    %scan3A_5 = arith.constant 40 : i32
    %scan3A_6 = arith.addi %scan3A_4, %scan3A_5 : i32
    %scan3A_7 = arith.constant 1 : i32
    scf.for %scan3A_37 = %scan3A_4 to %scan3A_6 step %scan3A_7  : i32 {
      %ge3A = arith.constant 1 : i32
      %ge3A_38 = arith.cmpi sge, %scan3A_37, %ge3A : i32
      %convert_element_type3A = arith.extui %ge3A_38 : i1 to i32
      %cond3A = arith.constant 0 : i32
      %cond3A_39 = arith.cmpi ne, %convert_element_type3A, %cond3A : i32
      scf.if %cond3A_39 {
        %sub3A = arith.constant 1 : i32
        %sub3A_45 = arith.subi %scan3A_37, %sub3A : i32
        %dma_wait3A_46 = arith.constant 0 : i32
        %dma_wait3A_47 = tpu.memref_slice %arg6[%sub3A_45, %dma_wait3A_46] : memref<40x128xi32, #tpu.memory_space<vmem>> -> memref<1x128xi32, #tpu.memory_space<vmem>>
        %dma_wait3A_48 = tpu.memref_squeeze %dma_wait3A_47 : memref<1x128xi32, #tpu.memory_space<vmem>> -> memref<128xi32, #tpu.memory_space<vmem>>
        %dma_wait3A_49 = arith.constant 0 : i32
        %dma_wait3A_50 = arith.constant 0 : i32
        %dma_wait3A_51 = tpu.memref_slice %arg8[%dma_wait3A_49, %dma_wait3A_50] : memref<10112x128xf32, #tpu.memory_space<vmem_shared>> -> memref<10112x128xf32, #tpu.memory_space<vmem_shared>>
        tpu.wait_indirect_dma semaphore(%arg9 : memref<!tpu.dma_semaphore, #tpu.memory_space<semaphore_mem>>) src(%arg7 : memref<128x128xf32, #tpu.memory_space<vmem>>) dst(%dma_wait3A_51 : memref<10112x128xf32, #tpu.memory_space<vmem_shared>>)
      } else {
      }
      %dma_start3A = arith.constant 0 : i32
      %dma_start3A_40 = tpu.memref_slice %arg6[%scan3A_37, %dma_start3A] : memref<40x128xi32, #tpu.memory_space<vmem>> -> memref<1x128xi32, #tpu.memory_space<vmem>>
      %dma_start3A_41 = tpu.memref_squeeze %dma_start3A_40 : memref<1x128xi32, #tpu.memory_space<vmem>> -> memref<128xi32, #tpu.memory_space<vmem>>
      %dma_start3A_42 = arith.constant 0 : i32
      %dma_start3A_43 = arith.constant 0 : i32
      %dma_start3A_44 = tpu.memref_slice %arg8[%dma_start3A_42, %dma_start3A_43] : memref<10112x128xf32, #tpu.memory_space<vmem_shared>> -> memref<10112x128xf32, #tpu.memory_space<vmem_shared>>
      tpu.enqueue_indirect_dma source(%arg7 : memref<128x128xf32, #tpu.memory_space<vmem>>) target(%dma_start3A_44 : memref<10112x128xf32, #tpu.memory_space<vmem_shared>>) offsets(%dma_start3A_41 : memref<128xi32, #tpu.memory_space<vmem>>) semaphore(%arg9 : memref<!tpu.dma_semaphore, #tpu.memory_space<semaphore_mem>>) {add = true}
    }
    %scan3A_8 = arith.constant 40 : i32
    %dma_wait3A = arith.constant 39 : i32
    %dma_wait3A_9 = arith.constant 0 : i32
    %dma_wait3A_10 = tpu.memref_slice %arg6[%dma_wait3A, %dma_wait3A_9] : memref<40x128xi32, #tpu.memory_space<vmem>> -> memref<1x128xi32, #tpu.memory_space<vmem>>
    %dma_wait3A_11 = tpu.memref_squeeze %dma_wait3A_10 : memref<1x128xi32, #tpu.memory_space<vmem>> -> memref<128xi32, #tpu.memory_space<vmem>>
    %dma_wait3A_12 = arith.constant 0 : i32
    %dma_wait3A_13 = arith.constant 0 : i32
    %dma_wait3A_14 = tpu.memref_slice %arg8[%dma_wait3A_12, %dma_wait3A_13] : memref<10112x128xf32, #tpu.memory_space<vmem_shared>> -> memref<10112x128xf32, #tpu.memory_space<vmem_shared>>
    tpu.wait_indirect_dma semaphore(%arg9 : memref<!tpu.dma_semaphore, #tpu.memory_space<semaphore_mem>>) src(%arg7 : memref<128x128xf32, #tpu.memory_space<vmem>>) dst(%dma_wait3A_14 : memref<10112x128xf32, #tpu.memory_space<vmem_shared>>)
    %barrier3A_15 = arith.constant 0 : index
    tpu.barrier barrier_id(%barrier3A_15)
    "tpu.region"() ({
      %run_scoped3A = tpu.sem_alloc : memref<!tpu.dma_semaphore, #tpu.memory_space<semaphore_mem>>
      %dma_start3A = arith.constant 0 : i32
      %dma_start3A_37 = tpu.memref_slice %arg5[%add3A_3, %mul3A_0, %dma_start3A] : memref<4x10112x128xf32, #tpu.memory_space<hbm>> -> memref<1x632x128xf32, #tpu.memory_space<hbm>>
      %dma_start3A_38 = tpu.memref_squeeze %dma_start3A_37 : memref<1x632x128xf32, #tpu.memory_space<hbm>> -> memref<632x128xf32, #tpu.memory_space<hbm>>
      %dma_start3A_39 = arith.constant 0 : i32
      %dma_start3A_40 = tpu.memref_slice %arg8[%mul3A_0, %dma_start3A_39] : memref<10112x128xf32, #tpu.memory_space<vmem_shared>> -> memref<632x128xf32, #tpu.memory_space<vmem_shared>>
      tpu.enqueue_dma source(%dma_start3A_40 : memref<632x128xf32, #tpu.memory_space<vmem_shared>>) target(%dma_start3A_38 : memref<632x128xf32, #tpu.memory_space<hbm>>) target_semaphore(%run_scoped3A : memref<!tpu.dma_semaphore, #tpu.memory_space<semaphore_mem>>)
      %dma_wait3A_41 = arith.constant 0 : i32
      %dma_wait3A_42 = tpu.memref_slice %arg5[%add3A_3, %mul3A_0, %dma_wait3A_41] : memref<4x10112x128xf32, #tpu.memory_space<hbm>> -> memref<1x632x128xf32, #tpu.memory_space<hbm>>
      %dma_wait3A_43 = tpu.memref_squeeze %dma_wait3A_42 : memref<1x632x128xf32, #tpu.memory_space<hbm>> -> memref<632x128xf32, #tpu.memory_space<hbm>>
      %dma_wait3A_44 = arith.constant 0 : i32
      %dma_wait3A_45 = tpu.memref_slice %arg8[%mul3A_0, %dma_wait3A_44] : memref<10112x128xf32, #tpu.memory_space<vmem_shared>> -> memref<632x128xf32, #tpu.memory_space<vmem_shared>>
      tpu.wait_dma2 semaphore(%run_scoped3A : memref<!tpu.dma_semaphore, #tpu.memory_space<semaphore_mem>>) src(%dma_wait3A_45 : memref<632x128xf32, #tpu.memory_space<vmem_shared>>) dst(%dma_wait3A_43 : memref<632x128xf32, #tpu.memory_space<hbm>>)
      tpu.yield
    }) : () -> ()
    %barrier3A_16 = arith.constant 0 : index
    tpu.barrier barrier_id(%barrier3A_16)
    %mul3A_17 = arith.constant 2 : i32
    %mul3A_18 = arith.muli %arg0, %mul3A_17 : i32
    %add3A_19 = arith.constant 1 : i32
    %add3A_20 = arith.addi %mul3A_18, %add3A_19 : i32
    "tpu.region"() ({
      %run_scoped3A = tpu.sem_alloc : memref<!tpu.dma_semaphore, #tpu.memory_space<semaphore_mem>>
      %dma_start3A = arith.constant 0 : i32
      %dma_start3A_37 = tpu.memref_slice %arg8[%mul3A_0, %dma_start3A] : memref<10112x128xf32, #tpu.memory_space<vmem_shared>> -> memref<632x128xf32, #tpu.memory_space<vmem_shared>>
      tpu.enqueue_dma source(%arg3 : memref<632x128xf32, #tpu.memory_space<hbm>>) target(%dma_start3A_37 : memref<632x128xf32, #tpu.memory_space<vmem_shared>>) target_semaphore(%run_scoped3A : memref<!tpu.dma_semaphore, #tpu.memory_space<semaphore_mem>>)
      %dma_wait3A_38 = arith.constant 0 : i32
      %dma_wait3A_39 = tpu.memref_slice %arg8[%mul3A_0, %dma_wait3A_38] : memref<10112x128xf32, #tpu.memory_space<vmem_shared>> -> memref<632x128xf32, #tpu.memory_space<vmem_shared>>
      tpu.wait_dma2 semaphore(%run_scoped3A : memref<!tpu.dma_semaphore, #tpu.memory_space<semaphore_mem>>) src(%arg3 : memref<632x128xf32, #tpu.memory_space<hbm>>) dst(%dma_wait3A_39 : memref<632x128xf32, #tpu.memory_space<vmem_shared>>)
      tpu.yield
    }) : () -> ()
    %barrier3A_21 = arith.constant 0 : index
    tpu.barrier barrier_id(%barrier3A_21)
    "tpu.region"() ({
      %run_scoped3A = tpu.sem_alloc : memref<!tpu.dma_semaphore, #tpu.memory_space<semaphore_mem>>
      %dma_start3A = arith.constant 0 : i32
      %dma_start3A_37 = arith.constant 0 : i32
      %dma_start3A_38 = tpu.memref_slice %arg2[%add3A_20, %arg1, %dma_start3A, %dma_start3A_37] : memref<4x16x40x128xi32, #tpu.memory_space<hbm>> -> memref<1x1x40x128xi32, #tpu.memory_space<hbm>>
      %dma_start3A_39 = tpu.memref_squeeze %dma_start3A_38 : memref<1x1x40x128xi32, #tpu.memory_space<hbm>> -> memref<40x128xi32, #tpu.memory_space<hbm>>
      %dma_start3A_40 = arith.constant 0 : i32
      %dma_start3A_41 = arith.constant 0 : i32
      %dma_start3A_42 = tpu.memref_slice %arg2[%add3A_20, %arg1, %dma_start3A_40, %dma_start3A_41] : memref<4x16x40x128xi32, #tpu.memory_space<hbm>> -> memref<1x1x40x128xi32, #tpu.memory_space<hbm>>
      %dma_start3A_43 = tpu.memref_squeeze %dma_start3A_42 : memref<1x1x40x128xi32, #tpu.memory_space<hbm>> -> memref<40x128xi32, #tpu.memory_space<hbm>>
      tpu.enqueue_dma source(%dma_start3A_43 : memref<40x128xi32, #tpu.memory_space<hbm>>) target(%arg6 : memref<40x128xi32, #tpu.memory_space<vmem>>) target_semaphore(%run_scoped3A : memref<!tpu.dma_semaphore, #tpu.memory_space<semaphore_mem>>)
      %dma_wait3A_44 = arith.constant 0 : i32
      %dma_wait3A_45 = arith.constant 0 : i32
      %dma_wait3A_46 = tpu.memref_slice %arg2[%add3A_20, %arg1, %dma_wait3A_44, %dma_wait3A_45] : memref<4x16x40x128xi32, #tpu.memory_space<hbm>> -> memref<1x1x40x128xi32, #tpu.memory_space<hbm>>
      %dma_wait3A_47 = tpu.memref_squeeze %dma_wait3A_46 : memref<1x1x40x128xi32, #tpu.memory_space<hbm>> -> memref<40x128xi32, #tpu.memory_space<hbm>>
      %dma_wait3A_48 = arith.constant 0 : i32
      %dma_wait3A_49 = arith.constant 0 : i32
      %dma_wait3A_50 = tpu.memref_slice %arg2[%add3A_20, %arg1, %dma_wait3A_48, %dma_wait3A_49] : memref<4x16x40x128xi32, #tpu.memory_space<hbm>> -> memref<1x1x40x128xi32, #tpu.memory_space<hbm>>
      %dma_wait3A_51 = tpu.memref_squeeze %dma_wait3A_50 : memref<1x1x40x128xi32, #tpu.memory_space<hbm>> -> memref<40x128xi32, #tpu.memory_space<hbm>>
      tpu.wait_dma2 semaphore(%run_scoped3A : memref<!tpu.dma_semaphore, #tpu.memory_space<semaphore_mem>>) src(%dma_wait3A_51 : memref<40x128xi32, #tpu.memory_space<hbm>>) dst(%arg6 : memref<40x128xi32, #tpu.memory_space<vmem>>)
      tpu.yield
    }) : () -> ()
    %scan3A_22 = arith.constant 0 : i32
    %scan3A_23 = arith.constant 0 : i32
    %scan3A_24 = arith.constant 40 : i32
    %scan3A_25 = arith.addi %scan3A_23, %scan3A_24 : i32
    %scan3A_26 = arith.constant 1 : i32
    scf.for %scan3A_37 = %scan3A_23 to %scan3A_25 step %scan3A_26  : i32 {
      %ge3A = arith.constant 1 : i32
      %ge3A_38 = arith.cmpi sge, %scan3A_37, %ge3A : i32
      %convert_element_type3A = arith.extui %ge3A_38 : i1 to i32
      %cond3A = arith.constant 0 : i32
      %cond3A_39 = arith.cmpi ne, %convert_element_type3A, %cond3A : i32
      scf.if %cond3A_39 {
        %sub3A = arith.constant 1 : i32
        %sub3A_45 = arith.subi %scan3A_37, %sub3A : i32
        %dma_wait3A_46 = arith.constant 0 : i32
        %dma_wait3A_47 = tpu.memref_slice %arg6[%sub3A_45, %dma_wait3A_46] : memref<40x128xi32, #tpu.memory_space<vmem>> -> memref<1x128xi32, #tpu.memory_space<vmem>>
        %dma_wait3A_48 = tpu.memref_squeeze %dma_wait3A_47 : memref<1x128xi32, #tpu.memory_space<vmem>> -> memref<128xi32, #tpu.memory_space<vmem>>
        %dma_wait3A_49 = arith.constant 0 : i32
        %dma_wait3A_50 = arith.constant 0 : i32
        %dma_wait3A_51 = tpu.memref_slice %arg8[%dma_wait3A_49, %dma_wait3A_50] : memref<10112x128xf32, #tpu.memory_space<vmem_shared>> -> memref<10112x128xf32, #tpu.memory_space<vmem_shared>>
        tpu.wait_indirect_dma semaphore(%arg9 : memref<!tpu.dma_semaphore, #tpu.memory_space<semaphore_mem>>) src(%arg7 : memref<128x128xf32, #tpu.memory_space<vmem>>) dst(%dma_wait3A_51 : memref<10112x128xf32, #tpu.memory_space<vmem_shared>>)
      } else {
      }
      %dma_start3A = arith.constant 0 : i32
      %dma_start3A_40 = tpu.memref_slice %arg6[%scan3A_37, %dma_start3A] : memref<40x128xi32, #tpu.memory_space<vmem>> -> memref<1x128xi32, #tpu.memory_space<vmem>>
      %dma_start3A_41 = tpu.memref_squeeze %dma_start3A_40 : memref<1x128xi32, #tpu.memory_space<vmem>> -> memref<128xi32, #tpu.memory_space<vmem>>
      %dma_start3A_42 = arith.constant 0 : i32
      %dma_start3A_43 = arith.constant 0 : i32
      %dma_start3A_44 = tpu.memref_slice %arg8[%dma_start3A_42, %dma_start3A_43] : memref<10112x128xf32, #tpu.memory_space<vmem_shared>> -> memref<10112x128xf32, #tpu.memory_space<vmem_shared>>
      tpu.enqueue_indirect_dma source(%arg7 : memref<128x128xf32, #tpu.memory_space<vmem>>) target(%dma_start3A_44 : memref<10112x128xf32, #tpu.memory_space<vmem_shared>>) offsets(%dma_start3A_41 : memref<128xi32, #tpu.memory_space<vmem>>) semaphore(%arg9 : memref<!tpu.dma_semaphore, #tpu.memory_space<semaphore_mem>>) {add = true}
    }
    %scan3A_27 = arith.constant 40 : i32
    %dma_wait3A_28 = arith.constant 39 : i32
    %dma_wait3A_29 = arith.constant 0 : i32
    %dma_wait3A_30 = tpu.memref_slice %arg6[%dma_wait3A_28, %dma_wait3A_29] : memref<40x128xi32, #tpu.memory_space<vmem>> -> memref<1x128xi32, #tpu.memory_space<vmem>>
    %dma_wait3A_31 = tpu.memref_squeeze %dma_wait3A_30 : memref<1x128xi32, #tpu.memory_space<vmem>> -> memref<128xi32, #tpu.memory_space<vmem>>
    %dma_wait3A_32 = arith.constant 0 : i32
    %dma_wait3A_33 = arith.constant 0 : i32
    %dma_wait3A_34 = tpu.memref_slice %arg8[%dma_wait3A_32, %dma_wait3A_33] : memref<10112x128xf32, #tpu.memory_space<vmem_shared>> -> memref<10112x128xf32, #tpu.memory_space<vmem_shared>>
    tpu.wait_indirect_dma semaphore(%arg9 : memref<!tpu.dma_semaphore, #tpu.memory_space<semaphore_mem>>) src(%arg7 : memref<128x128xf32, #tpu.memory_space<vmem>>) dst(%dma_wait3A_34 : memref<10112x128xf32, #tpu.memory_space<vmem_shared>>)
    %barrier3A_35 = arith.constant 0 : index
    tpu.barrier barrier_id(%barrier3A_35)
    "tpu.region"() ({
      %run_scoped3A = tpu.sem_alloc : memref<!tpu.dma_semaphore, #tpu.memory_space<semaphore_mem>>
      %dma_start3A = arith.constant 0 : i32
      %dma_start3A_37 = tpu.memref_slice %arg5[%add3A_20, %mul3A_0, %dma_start3A] : memref<4x10112x128xf32, #tpu.memory_space<hbm>> -> memref<1x632x128xf32, #tpu.memory_space<hbm>>
      %dma_start3A_38 = tpu.memref_squeeze %dma_start3A_37 : memref<1x632x128xf32, #tpu.memory_space<hbm>> -> memref<632x128xf32, #tpu.memory_space<hbm>>
      %dma_start3A_39 = arith.constant 0 : i32
      %dma_start3A_40 = tpu.memref_slice %arg8[%mul3A_0, %dma_start3A_39] : memref<10112x128xf32, #tpu.memory_space<vmem_shared>> -> memref<632x128xf32, #tpu.memory_space<vmem_shared>>
      tpu.enqueue_dma source(%dma_start3A_40 : memref<632x128xf32, #tpu.memory_space<vmem_shared>>) target(%dma_start3A_38 : memref<632x128xf32, #tpu.memory_space<hbm>>) target_semaphore(%run_scoped3A : memref<!tpu.dma_semaphore, #tpu.memory_space<semaphore_mem>>)
      %dma_wait3A_41 = arith.constant 0 : i32
      %dma_wait3A_42 = tpu.memref_slice %arg5[%add3A_20, %mul3A_0, %dma_wait3A_41] : memref<4x10112x128xf32, #tpu.memory_space<hbm>> -> memref<1x632x128xf32, #tpu.memory_space<hbm>>
      %dma_wait3A_43 = tpu.memref_squeeze %dma_wait3A_42 : memref<1x632x128xf32, #tpu.memory_space<hbm>> -> memref<632x128xf32, #tpu.memory_space<hbm>>
      %dma_wait3A_44 = arith.constant 0 : i32
      %dma_wait3A_45 = tpu.memref_slice %arg8[%mul3A_0, %dma_wait3A_44] : memref<10112x128xf32, #tpu.memory_space<vmem_shared>> -> memref<632x128xf32, #tpu.memory_space<vmem_shared>>
      tpu.wait_dma2 semaphore(%run_scoped3A : memref<!tpu.dma_semaphore, #tpu.memory_space<semaphore_mem>>) src(%dma_wait3A_45 : memref<632x128xf32, #tpu.memory_space<vmem_shared>>) dst(%dma_wait3A_43 : memref<632x128xf32, #tpu.memory_space<hbm>>)
      tpu.yield
    }) : () -> ()
    %barrier3A_36 = arith.constant 0 : index
    tpu.barrier barrier_id(%barrier3A_36)
    return
  }
}

#map = affine_map<(d0, d1) -> (0, 0, 0, 0)>
#map1 = affine_map<(d0, d1) -> (0, 0)>
#map2 = affine_map<(d0, d1) -> (0, 0, 0)>
module attributes {stable_mosaic.version = 14 : i64} {
  func.func @body(%arg0: i32, %arg1: i32, %arg2: memref<4x16x40x128xi32, #tpu.memory_space<hbm>>, %arg3: memref<4x16x40x128xi32, #tpu.memory_space<hbm>>, %arg4: memref<10112x128xf32, #tpu.memory_space<hbm>>, %arg5: memref<632x128xf32, #tpu.memory_space<hbm>>, %arg6: memref<4x10112x128xf32, #tpu.memory_space<hbm>>, %arg7: memref<40x128xi32, #tpu.memory_space<vmem>>, %arg8: memref<40x128xi32, #tpu.memory_space<vmem>>, %arg9: memref<2x128x128xf32, #tpu.memory_space<vmem>>, %arg10: memref<10112x128xf32, #tpu.memory_space<vmem_shared>>, %arg11: memref<!tpu.dma_semaphore, #tpu.memory_space<semaphore_mem>>, %arg12: memref<!tpu.dma_semaphore, #tpu.memory_space<semaphore_mem>>, %arg13: memref<!tpu.dma_semaphore, #tpu.memory_space<semaphore_mem>>) attributes {dimension_semantics = [#tpu.dimension_semantics<core_parallel>, #tpu.dimension_semantics<subcore_parallel>], iteration_bounds = array<i64: 2, 16>, scalar_prefetch = 0 : i64, scratch_operands = 7 : i64, tpu.core_type = #tpu.core_type<sc_vector_subcore>, window_params = [{transform_indices = #map}, {transform_indices = #map}, {transform_indices = #map1}, {transform_indices = #map1}, {transform_indices = #map2}]} {
    %mul3A = arith.constant 632 : i32
    %mul3A_0 = arith.muli %arg1, %mul3A : i32
    %mul3A_1 = arith.constant 2 : i32
    %mul3A_2 = arith.muli %arg0, %mul3A_1 : i32
    %add3A = arith.constant 0 : i32
    %add3A_3 = arith.addi %mul3A_2, %add3A : i32
    "tpu.region"() ({
      %run_scoped3A = tpu.sem_alloc : memref<!tpu.dma_semaphore, #tpu.memory_space<semaphore_mem>>
      %dma_start3A_74 = arith.constant 0 : i32
      %dma_start3A_75 = tpu.memref_slice %arg10[%mul3A_0, %dma_start3A_74] : memref<10112x128xf32, #tpu.memory_space<vmem_shared>> -> memref<632x128xf32, #tpu.memory_space<vmem_shared>>
      tpu.enqueue_dma source(%arg5 : memref<632x128xf32, #tpu.memory_space<hbm>>) target(%dma_start3A_75 : memref<632x128xf32, #tpu.memory_space<vmem_shared>>) target_semaphore(%run_scoped3A : memref<!tpu.dma_semaphore, #tpu.memory_space<semaphore_mem>>)
      %dma_wait3A_76 = arith.constant 0 : i32
      %dma_wait3A_77 = tpu.memref_slice %arg10[%mul3A_0, %dma_wait3A_76] : memref<10112x128xf32, #tpu.memory_space<vmem_shared>> -> memref<632x128xf32, #tpu.memory_space<vmem_shared>>
      tpu.wait_dma2 semaphore(%run_scoped3A : memref<!tpu.dma_semaphore, #tpu.memory_space<semaphore_mem>>) src(%arg5 : memref<632x128xf32, #tpu.memory_space<hbm>>) dst(%dma_wait3A_77 : memref<632x128xf32, #tpu.memory_space<vmem_shared>>)
      tpu.yield
    }) : () -> ()
    %barrier3A = arith.constant 0 : index
    tpu.barrier barrier_id(%barrier3A)
    "tpu.region"() ({
      %run_scoped3A = tpu.sem_alloc : memref<!tpu.dma_semaphore, #tpu.memory_space<semaphore_mem>>
      %dma_start3A_74 = arith.constant 0 : i32
      %dma_start3A_75 = arith.constant 0 : i32
      %dma_start3A_76 = tpu.memref_slice %arg2[%add3A_3, %arg1, %dma_start3A_74, %dma_start3A_75] : memref<4x16x40x128xi32, #tpu.memory_space<hbm>> -> memref<1x1x40x128xi32, #tpu.memory_space<hbm>>
      %dma_start3A_77 = tpu.memref_squeeze %dma_start3A_76 : memref<1x1x40x128xi32, #tpu.memory_space<hbm>> -> memref<40x128xi32, #tpu.memory_space<hbm>>
      %dma_start3A_78 = arith.constant 0 : i32
      %dma_start3A_79 = arith.constant 0 : i32
      %dma_start3A_80 = tpu.memref_slice %arg2[%add3A_3, %arg1, %dma_start3A_78, %dma_start3A_79] : memref<4x16x40x128xi32, #tpu.memory_space<hbm>> -> memref<1x1x40x128xi32, #tpu.memory_space<hbm>>
      %dma_start3A_81 = tpu.memref_squeeze %dma_start3A_80 : memref<1x1x40x128xi32, #tpu.memory_space<hbm>> -> memref<40x128xi32, #tpu.memory_space<hbm>>
      tpu.enqueue_dma source(%dma_start3A_81 : memref<40x128xi32, #tpu.memory_space<hbm>>) target(%arg7 : memref<40x128xi32, #tpu.memory_space<vmem>>) target_semaphore(%run_scoped3A : memref<!tpu.dma_semaphore, #tpu.memory_space<semaphore_mem>>)
      %dma_wait3A_82 = arith.constant 0 : i32
      %dma_wait3A_83 = arith.constant 0 : i32
      %dma_wait3A_84 = tpu.memref_slice %arg2[%add3A_3, %arg1, %dma_wait3A_82, %dma_wait3A_83] : memref<4x16x40x128xi32, #tpu.memory_space<hbm>> -> memref<1x1x40x128xi32, #tpu.memory_space<hbm>>
      %dma_wait3A_85 = tpu.memref_squeeze %dma_wait3A_84 : memref<1x1x40x128xi32, #tpu.memory_space<hbm>> -> memref<40x128xi32, #tpu.memory_space<hbm>>
      %dma_wait3A_86 = arith.constant 0 : i32
      %dma_wait3A_87 = arith.constant 0 : i32
      %dma_wait3A_88 = tpu.memref_slice %arg2[%add3A_3, %arg1, %dma_wait3A_86, %dma_wait3A_87] : memref<4x16x40x128xi32, #tpu.memory_space<hbm>> -> memref<1x1x40x128xi32, #tpu.memory_space<hbm>>
      %dma_wait3A_89 = tpu.memref_squeeze %dma_wait3A_88 : memref<1x1x40x128xi32, #tpu.memory_space<hbm>> -> memref<40x128xi32, #tpu.memory_space<hbm>>
      tpu.wait_dma2 semaphore(%run_scoped3A : memref<!tpu.dma_semaphore, #tpu.memory_space<semaphore_mem>>) src(%dma_wait3A_89 : memref<40x128xi32, #tpu.memory_space<hbm>>) dst(%arg7 : memref<40x128xi32, #tpu.memory_space<vmem>>)
      tpu.yield
    }) : () -> ()
    "tpu.region"() ({
      %run_scoped3A = tpu.sem_alloc : memref<!tpu.dma_semaphore, #tpu.memory_space<semaphore_mem>>
      %dma_start3A_74 = arith.constant 0 : i32
      %dma_start3A_75 = arith.constant 0 : i32
      %dma_start3A_76 = tpu.memref_slice %arg3[%add3A_3, %arg1, %dma_start3A_74, %dma_start3A_75] : memref<4x16x40x128xi32, #tpu.memory_space<hbm>> -> memref<1x1x40x128xi32, #tpu.memory_space<hbm>>
      %dma_start3A_77 = tpu.memref_squeeze %dma_start3A_76 : memref<1x1x40x128xi32, #tpu.memory_space<hbm>> -> memref<40x128xi32, #tpu.memory_space<hbm>>
      %dma_start3A_78 = arith.constant 0 : i32
      %dma_start3A_79 = arith.constant 0 : i32
      %dma_start3A_80 = tpu.memref_slice %arg3[%add3A_3, %arg1, %dma_start3A_78, %dma_start3A_79] : memref<4x16x40x128xi32, #tpu.memory_space<hbm>> -> memref<1x1x40x128xi32, #tpu.memory_space<hbm>>
      %dma_start3A_81 = tpu.memref_squeeze %dma_start3A_80 : memref<1x1x40x128xi32, #tpu.memory_space<hbm>> -> memref<40x128xi32, #tpu.memory_space<hbm>>
      tpu.enqueue_dma source(%dma_start3A_81 : memref<40x128xi32, #tpu.memory_space<hbm>>) target(%arg8 : memref<40x128xi32, #tpu.memory_space<vmem>>) target_semaphore(%run_scoped3A : memref<!tpu.dma_semaphore, #tpu.memory_space<semaphore_mem>>)
      %dma_wait3A_82 = arith.constant 0 : i32
      %dma_wait3A_83 = arith.constant 0 : i32
      %dma_wait3A_84 = tpu.memref_slice %arg3[%add3A_3, %arg1, %dma_wait3A_82, %dma_wait3A_83] : memref<4x16x40x128xi32, #tpu.memory_space<hbm>> -> memref<1x1x40x128xi32, #tpu.memory_space<hbm>>
      %dma_wait3A_85 = tpu.memref_squeeze %dma_wait3A_84 : memref<1x1x40x128xi32, #tpu.memory_space<hbm>> -> memref<40x128xi32, #tpu.memory_space<hbm>>
      %dma_wait3A_86 = arith.constant 0 : i32
      %dma_wait3A_87 = arith.constant 0 : i32
      %dma_wait3A_88 = tpu.memref_slice %arg3[%add3A_3, %arg1, %dma_wait3A_86, %dma_wait3A_87] : memref<4x16x40x128xi32, #tpu.memory_space<hbm>> -> memref<1x1x40x128xi32, #tpu.memory_space<hbm>>
      %dma_wait3A_89 = tpu.memref_squeeze %dma_wait3A_88 : memref<1x1x40x128xi32, #tpu.memory_space<hbm>> -> memref<40x128xi32, #tpu.memory_space<hbm>>
      tpu.wait_dma2 semaphore(%run_scoped3A : memref<!tpu.dma_semaphore, #tpu.memory_space<semaphore_mem>>) src(%dma_wait3A_89 : memref<40x128xi32, #tpu.memory_space<hbm>>) dst(%arg8 : memref<40x128xi32, #tpu.memory_space<vmem>>)
      tpu.yield
    }) : () -> ()
    %dma_start3A = arith.constant 0 : i32
    %dma_start3A_4 = arith.constant 0 : i32
    %dma_start3A_5 = arith.constant 0 : i32
    %dma_start3A_6 = arith.constant 0 : i32
    %dma_start3A_7 = tpu.memref_slice %arg9[%dma_start3A_4, %dma_start3A_5, %dma_start3A_6] : memref<2x128x128xf32, #tpu.memory_space<vmem>> -> memref<1x128x128xf32, #tpu.memory_space<vmem>>
    %dma_start3A_8 = tpu.memref_squeeze %dma_start3A_7 : memref<1x128x128xf32, #tpu.memory_space<vmem>> -> memref<128x128xf32, #tpu.memory_space<vmem>>
    %dma_start3A_9 = arith.constant 0 : i32
    %dma_start3A_10 = tpu.memref_slice %arg7[%dma_start3A, %dma_start3A_9] : memref<40x128xi32, #tpu.memory_space<vmem>> -> memref<1x128xi32, #tpu.memory_space<vmem>>
    %dma_start3A_11 = tpu.memref_squeeze %dma_start3A_10 : memref<1x128xi32, #tpu.memory_space<vmem>> -> memref<128xi32, #tpu.memory_space<vmem>>
    %dma_start3A_12 = arith.constant 0 : i32
    %dma_start3A_13 = arith.constant 0 : i32
    %dma_start3A_14 = tpu.memref_slice %arg4[%dma_start3A_12, %dma_start3A_13] : memref<10112x128xf32, #tpu.memory_space<hbm>> -> memref<10112x128xf32, #tpu.memory_space<hbm>>
    tpu.enqueue_indirect_dma source(%dma_start3A_14 : memref<10112x128xf32, #tpu.memory_space<hbm>>) target(%dma_start3A_8 : memref<128x128xf32, #tpu.memory_space<vmem>>) offsets(%dma_start3A_11 : memref<128xi32, #tpu.memory_space<vmem>>) semaphore(%arg11 : memref<!tpu.dma_semaphore, #tpu.memory_space<semaphore_mem>>)
    %scan3A = arith.constant 0 : i32
    %scan3A_15 = arith.constant 1 : i32
    %scan3A_16 = arith.constant 0 : i32
    %scan3A_17 = arith.constant 0 : i32
    %scan3A_18 = arith.constant 20 : i32
    %scan3A_19 = arith.addi %scan3A_17, %scan3A_18 : i32
    %scan3A_20 = arith.constant 1 : i32
    scf.for %scan3A_74 = %scan3A_17 to %scan3A_19 step %scan3A_20  : i32 {
      %mul3A_75 = arith.constant 2 : i32
      %mul3A_76 = arith.muli %scan3A_74, %mul3A_75 : i32
      %add3A_77 = arith.constant 0 : i32
      %add3A_78 = arith.addi %mul3A_76, %add3A_77 : i32
      %ge3A = arith.constant 1 : i32
      %ge3A_79 = arith.cmpi sge, %scan3A_74, %ge3A : i32
      %convert_element_type3A = arith.extui %ge3A_79 : i1 to i32
      %cond3A = arith.constant 0 : i32
      %cond3A_80 = arith.cmpi ne, %convert_element_type3A, %cond3A : i32
      scf.if %cond3A_80 {
        %sub3A_150 = arith.constant 1 : i32
        %sub3A_151 = arith.subi %add3A_78, %sub3A_150 : i32
        %dma_wait3A_152 = arith.constant 0 : i32
        %dma_wait3A_153 = arith.constant 0 : i32
        %dma_wait3A_154 = tpu.memref_slice %arg9[%scan3A_15, %dma_wait3A_152, %dma_wait3A_153] : memref<2x128x128xf32, #tpu.memory_space<vmem>> -> memref<1x128x128xf32, #tpu.memory_space<vmem>>
        %dma_wait3A_155 = tpu.memref_squeeze %dma_wait3A_154 : memref<1x128x128xf32, #tpu.memory_space<vmem>> -> memref<128x128xf32, #tpu.memory_space<vmem>>
        %dma_wait3A_156 = arith.constant 0 : i32
        %dma_wait3A_157 = tpu.memref_slice %arg8[%sub3A_151, %dma_wait3A_156] : memref<40x128xi32, #tpu.memory_space<vmem>> -> memref<1x128xi32, #tpu.memory_space<vmem>>
        %dma_wait3A_158 = tpu.memref_squeeze %dma_wait3A_157 : memref<1x128xi32, #tpu.memory_space<vmem>> -> memref<128xi32, #tpu.memory_space<vmem>>
        %dma_wait3A_159 = arith.constant 0 : i32
        %dma_wait3A_160 = arith.constant 0 : i32
        %dma_wait3A_161 = tpu.memref_slice %arg10[%dma_wait3A_159, %dma_wait3A_160] : memref<10112x128xf32, #tpu.memory_space<vmem_shared>> -> memref<10112x128xf32, #tpu.memory_space<vmem_shared>>
        tpu.wait_indirect_dma semaphore(%arg13 : memref<!tpu.dma_semaphore, #tpu.memory_space<semaphore_mem>>) src(%dma_wait3A_155 : memref<128x128xf32, #tpu.memory_space<vmem>>) dst(%dma_wait3A_161 : memref<10112x128xf32, #tpu.memory_space<vmem_shared>>)
      } else {
      }
      %add3A_81 = arith.constant 1 : i32
      %add3A_82 = arith.addi %add3A_78, %add3A_81 : i32
      %dma_start3A_83 = arith.constant 0 : i32
      %dma_start3A_84 = arith.constant 0 : i32
      %dma_start3A_85 = tpu.memref_slice %arg9[%scan3A_15, %dma_start3A_83, %dma_start3A_84] : memref<2x128x128xf32, #tpu.memory_space<vmem>> -> memref<1x128x128xf32, #tpu.memory_space<vmem>>
      %dma_start3A_86 = tpu.memref_squeeze %dma_start3A_85 : memref<1x128x128xf32, #tpu.memory_space<vmem>> -> memref<128x128xf32, #tpu.memory_space<vmem>>
      %dma_start3A_87 = arith.constant 0 : i32
      %dma_start3A_88 = tpu.memref_slice %arg7[%add3A_82, %dma_start3A_87] : memref<40x128xi32, #tpu.memory_space<vmem>> -> memref<1x128xi32, #tpu.memory_space<vmem>>
      %dma_start3A_89 = tpu.memref_squeeze %dma_start3A_88 : memref<1x128xi32, #tpu.memory_space<vmem>> -> memref<128xi32, #tpu.memory_space<vmem>>
      %dma_start3A_90 = arith.constant 0 : i32
      %dma_start3A_91 = arith.constant 0 : i32
      %dma_start3A_92 = tpu.memref_slice %arg4[%dma_start3A_90, %dma_start3A_91] : memref<10112x128xf32, #tpu.memory_space<hbm>> -> memref<10112x128xf32, #tpu.memory_space<hbm>>
      tpu.enqueue_indirect_dma source(%dma_start3A_92 : memref<10112x128xf32, #tpu.memory_space<hbm>>) target(%dma_start3A_86 : memref<128x128xf32, #tpu.memory_space<vmem>>) offsets(%dma_start3A_89 : memref<128xi32, #tpu.memory_space<vmem>>) semaphore(%arg12 : memref<!tpu.dma_semaphore, #tpu.memory_space<semaphore_mem>>)
      %dma_wait3A_93 = arith.constant 0 : i32
      %dma_wait3A_94 = arith.constant 0 : i32
      %dma_wait3A_95 = tpu.memref_slice %arg9[%scan3A_16, %dma_wait3A_93, %dma_wait3A_94] : memref<2x128x128xf32, #tpu.memory_space<vmem>> -> memref<1x128x128xf32, #tpu.memory_space<vmem>>
      %dma_wait3A_96 = tpu.memref_squeeze %dma_wait3A_95 : memref<1x128x128xf32, #tpu.memory_space<vmem>> -> memref<128x128xf32, #tpu.memory_space<vmem>>
      %dma_wait3A_97 = arith.constant 0 : i32
      %dma_wait3A_98 = tpu.memref_slice %arg7[%add3A_78, %dma_wait3A_97] : memref<40x128xi32, #tpu.memory_space<vmem>> -> memref<1x128xi32, #tpu.memory_space<vmem>>
      %dma_wait3A_99 = tpu.memref_squeeze %dma_wait3A_98 : memref<1x128xi32, #tpu.memory_space<vmem>> -> memref<128xi32, #tpu.memory_space<vmem>>
      %dma_wait3A_100 = arith.constant 0 : i32
      %dma_wait3A_101 = arith.constant 0 : i32
      %dma_wait3A_102 = tpu.memref_slice %arg4[%dma_wait3A_100, %dma_wait3A_101] : memref<10112x128xf32, #tpu.memory_space<hbm>> -> memref<10112x128xf32, #tpu.memory_space<hbm>>
      tpu.wait_indirect_dma semaphore(%arg11 : memref<!tpu.dma_semaphore, #tpu.memory_space<semaphore_mem>>) src(%dma_wait3A_102 : memref<10112x128xf32, #tpu.memory_space<hbm>>) dst(%dma_wait3A_96 : memref<128x128xf32, #tpu.memory_space<vmem>>)
      %dma_start3A_103 = arith.constant 0 : i32
      %dma_start3A_104 = arith.constant 0 : i32
      %dma_start3A_105 = tpu.memref_slice %arg9[%scan3A_16, %dma_start3A_103, %dma_start3A_104] : memref<2x128x128xf32, #tpu.memory_space<vmem>> -> memref<1x128x128xf32, #tpu.memory_space<vmem>>
      %dma_start3A_106 = tpu.memref_squeeze %dma_start3A_105 : memref<1x128x128xf32, #tpu.memory_space<vmem>> -> memref<128x128xf32, #tpu.memory_space<vmem>>
      %dma_start3A_107 = arith.constant 0 : i32
      %dma_start3A_108 = tpu.memref_slice %arg8[%add3A_78, %dma_start3A_107] : memref<40x128xi32, #tpu.memory_space<vmem>> -> memref<1x128xi32, #tpu.memory_space<vmem>>
      %dma_start3A_109 = tpu.memref_squeeze %dma_start3A_108 : memref<1x128xi32, #tpu.memory_space<vmem>> -> memref<128xi32, #tpu.memory_space<vmem>>
      %dma_start3A_110 = arith.constant 0 : i32
      %dma_start3A_111 = arith.constant 0 : i32
      %dma_start3A_112 = tpu.memref_slice %arg10[%dma_start3A_110, %dma_start3A_111] : memref<10112x128xf32, #tpu.memory_space<vmem_shared>> -> memref<10112x128xf32, #tpu.memory_space<vmem_shared>>
      tpu.enqueue_indirect_dma source(%dma_start3A_106 : memref<128x128xf32, #tpu.memory_space<vmem>>) target(%dma_start3A_112 : memref<10112x128xf32, #tpu.memory_space<vmem_shared>>) offsets(%dma_start3A_109 : memref<128xi32, #tpu.memory_space<vmem>>) semaphore(%arg13 : memref<!tpu.dma_semaphore, #tpu.memory_space<semaphore_mem>>) {add = true}
      %add3A_113 = arith.constant 1 : i32
      %add3A_114 = arith.addi %mul3A_76, %add3A_113 : i32
      %lt3A = arith.constant 19 : i32
      %lt3A_115 = arith.cmpi slt, %scan3A_74, %lt3A : i32
      %sub3A = arith.constant 1 : i32
      %sub3A_116 = arith.subi %add3A_114, %sub3A : i32
      %dma_wait3A_117 = arith.constant 0 : i32
      %dma_wait3A_118 = arith.constant 0 : i32
      %dma_wait3A_119 = tpu.memref_slice %arg9[%scan3A_16, %dma_wait3A_117, %dma_wait3A_118] : memref<2x128x128xf32, #tpu.memory_space<vmem>> -> memref<1x128x128xf32, #tpu.memory_space<vmem>>
      %dma_wait3A_120 = tpu.memref_squeeze %dma_wait3A_119 : memref<1x128x128xf32, #tpu.memory_space<vmem>> -> memref<128x128xf32, #tpu.memory_space<vmem>>
      %dma_wait3A_121 = arith.constant 0 : i32
      %dma_wait3A_122 = tpu.memref_slice %arg8[%sub3A_116, %dma_wait3A_121] : memref<40x128xi32, #tpu.memory_space<vmem>> -> memref<1x128xi32, #tpu.memory_space<vmem>>
      %dma_wait3A_123 = tpu.memref_squeeze %dma_wait3A_122 : memref<1x128xi32, #tpu.memory_space<vmem>> -> memref<128xi32, #tpu.memory_space<vmem>>
      %dma_wait3A_124 = arith.constant 0 : i32
      %dma_wait3A_125 = arith.constant 0 : i32
      %dma_wait3A_126 = tpu.memref_slice %arg10[%dma_wait3A_124, %dma_wait3A_125] : memref<10112x128xf32, #tpu.memory_space<vmem_shared>> -> memref<10112x128xf32, #tpu.memory_space<vmem_shared>>
      tpu.wait_indirect_dma semaphore(%arg13 : memref<!tpu.dma_semaphore, #tpu.memory_space<semaphore_mem>>) src(%dma_wait3A_120 : memref<128x128xf32, #tpu.memory_space<vmem>>) dst(%dma_wait3A_126 : memref<10112x128xf32, #tpu.memory_space<vmem_shared>>)
      %convert_element_type3A_127 = arith.extui %lt3A_115 : i1 to i32
      %cond3A_128 = arith.constant 0 : i32
      %cond3A_129 = arith.cmpi ne, %convert_element_type3A_127, %cond3A_128 : i32
      scf.if %cond3A_129 {
        %add3A_150 = arith.constant 1 : i32
        %add3A_151 = arith.addi %add3A_114, %add3A_150 : i32
        %dma_start3A_152 = arith.constant 0 : i32
        %dma_start3A_153 = arith.constant 0 : i32
        %dma_start3A_154 = tpu.memref_slice %arg9[%scan3A_16, %dma_start3A_152, %dma_start3A_153] : memref<2x128x128xf32, #tpu.memory_space<vmem>> -> memref<1x128x128xf32, #tpu.memory_space<vmem>>
        %dma_start3A_155 = tpu.memref_squeeze %dma_start3A_154 : memref<1x128x128xf32, #tpu.memory_space<vmem>> -> memref<128x128xf32, #tpu.memory_space<vmem>>
        %dma_start3A_156 = arith.constant 0 : i32
        %dma_start3A_157 = tpu.memref_slice %arg7[%add3A_151, %dma_start3A_156] : memref<40x128xi32, #tpu.memory_space<vmem>> -> memref<1x128xi32, #tpu.memory_space<vmem>>
        %dma_start3A_158 = tpu.memref_squeeze %dma_start3A_157 : memref<1x128xi32, #tpu.memory_space<vmem>> -> memref<128xi32, #tpu.memory_space<vmem>>
        %dma_start3A_159 = arith.constant 0 : i32
        %dma_start3A_160 = arith.constant 0 : i32
        %dma_start3A_161 = tpu.memref_slice %arg4[%dma_start3A_159, %dma_start3A_160] : memref<10112x128xf32, #tpu.memory_space<hbm>> -> memref<10112x128xf32, #tpu.memory_space<hbm>>
        tpu.enqueue_indirect_dma source(%dma_start3A_161 : memref<10112x128xf32, #tpu.memory_space<hbm>>) target(%dma_start3A_155 : memref<128x128xf32, #tpu.memory_space<vmem>>) offsets(%dma_start3A_158 : memref<128xi32, #tpu.memory_space<vmem>>) semaphore(%arg11 : memref<!tpu.dma_semaphore, #tpu.memory_space<semaphore_mem>>)
      } else {
      }
      %dma_wait3A_130 = arith.constant 0 : i32
      %dma_wait3A_131 = arith.constant 0 : i32
      %dma_wait3A_132 = tpu.memref_slice %arg9[%scan3A_15, %dma_wait3A_130, %dma_wait3A_131] : memref<2x128x128xf32, #tpu.memory_space<vmem>> -> memref<1x128x128xf32, #tpu.memory_space<vmem>>
      %dma_wait3A_133 = tpu.memref_squeeze %dma_wait3A_132 : memref<1x128x128xf32, #tpu.memory_space<vmem>> -> memref<128x128xf32, #tpu.memory_space<vmem>>
      %dma_wait3A_134 = arith.constant 0 : i32
      %dma_wait3A_135 = tpu.memref_slice %arg7[%add3A_114, %dma_wait3A_134] : memref<40x128xi32, #tpu.memory_space<vmem>> -> memref<1x128xi32, #tpu.memory_space<vmem>>
      %dma_wait3A_136 = tpu.memref_squeeze %dma_wait3A_135 : memref<1x128xi32, #tpu.memory_space<vmem>> -> memref<128xi32, #tpu.memory_space<vmem>>
      %dma_wait3A_137 = arith.constant 0 : i32
      %dma_wait3A_138 = arith.constant 0 : i32
      %dma_wait3A_139 = tpu.memref_slice %arg4[%dma_wait3A_137, %dma_wait3A_138] : memref<10112x128xf32, #tpu.memory_space<hbm>> -> memref<10112x128xf32, #tpu.memory_space<hbm>>
      tpu.wait_indirect_dma semaphore(%arg12 : memref<!tpu.dma_semaphore, #tpu.memory_space<semaphore_mem>>) src(%dma_wait3A_139 : memref<10112x128xf32, #tpu.memory_space<hbm>>) dst(%dma_wait3A_133 : memref<128x128xf32, #tpu.memory_space<vmem>>)
      %dma_start3A_140 = arith.constant 0 : i32
      %dma_start3A_141 = arith.constant 0 : i32
      %dma_start3A_142 = tpu.memref_slice %arg9[%scan3A_15, %dma_start3A_140, %dma_start3A_141] : memref<2x128x128xf32, #tpu.memory_space<vmem>> -> memref<1x128x128xf32, #tpu.memory_space<vmem>>
      %dma_start3A_143 = tpu.memref_squeeze %dma_start3A_142 : memref<1x128x128xf32, #tpu.memory_space<vmem>> -> memref<128x128xf32, #tpu.memory_space<vmem>>
      %dma_start3A_144 = arith.constant 0 : i32
      %dma_start3A_145 = tpu.memref_slice %arg8[%add3A_114, %dma_start3A_144] : memref<40x128xi32, #tpu.memory_space<vmem>> -> memref<1x128xi32, #tpu.memory_space<vmem>>
      %dma_start3A_146 = tpu.memref_squeeze %dma_start3A_145 : memref<1x128xi32, #tpu.memory_space<vmem>> -> memref<128xi32, #tpu.memory_space<vmem>>
      %dma_start3A_147 = arith.constant 0 : i32
      %dma_start3A_148 = arith.constant 0 : i32
      %dma_start3A_149 = tpu.memref_slice %arg10[%dma_start3A_147, %dma_start3A_148] : memref<10112x128xf32, #tpu.memory_space<vmem_shared>> -> memref<10112x128xf32, #tpu.memory_space<vmem_shared>>
      tpu.enqueue_indirect_dma source(%dma_start3A_143 : memref<128x128xf32, #tpu.memory_space<vmem>>) target(%dma_start3A_149 : memref<10112x128xf32, #tpu.memory_space<vmem_shared>>) offsets(%dma_start3A_146 : memref<128xi32, #tpu.memory_space<vmem>>) semaphore(%arg13 : memref<!tpu.dma_semaphore, #tpu.memory_space<semaphore_mem>>) {add = true}
    }
    %scan3A_21 = arith.constant 20 : i32
    %dma_wait3A = arith.constant 1 : i32
    %dma_wait3A_22 = arith.constant 39 : i32
    %dma_wait3A_23 = arith.constant 0 : i32
    %dma_wait3A_24 = arith.constant 0 : i32
    %dma_wait3A_25 = tpu.memref_slice %arg9[%dma_wait3A, %dma_wait3A_23, %dma_wait3A_24] : memref<2x128x128xf32, #tpu.memory_space<vmem>> -> memref<1x128x128xf32, #tpu.memory_space<vmem>>
    %dma_wait3A_26 = tpu.memref_squeeze %dma_wait3A_25 : memref<1x128x128xf32, #tpu.memory_space<vmem>> -> memref<128x128xf32, #tpu.memory_space<vmem>>
    %dma_wait3A_27 = arith.constant 0 : i32
    %dma_wait3A_28 = tpu.memref_slice %arg8[%dma_wait3A_22, %dma_wait3A_27] : memref<40x128xi32, #tpu.memory_space<vmem>> -> memref<1x128xi32, #tpu.memory_space<vmem>>
    %dma_wait3A_29 = tpu.memref_squeeze %dma_wait3A_28 : memref<1x128xi32, #tpu.memory_space<vmem>> -> memref<128xi32, #tpu.memory_space<vmem>>
    %dma_wait3A_30 = arith.constant 0 : i32
    %dma_wait3A_31 = arith.constant 0 : i32
    %dma_wait3A_32 = tpu.memref_slice %arg10[%dma_wait3A_30, %dma_wait3A_31] : memref<10112x128xf32, #tpu.memory_space<vmem_shared>> -> memref<10112x128xf32, #tpu.memory_space<vmem_shared>>
    tpu.wait_indirect_dma semaphore(%arg13 : memref<!tpu.dma_semaphore, #tpu.memory_space<semaphore_mem>>) src(%dma_wait3A_26 : memref<128x128xf32, #tpu.memory_space<vmem>>) dst(%dma_wait3A_32 : memref<10112x128xf32, #tpu.memory_space<vmem_shared>>)
    %barrier3A_33 = arith.constant 0 : index
    tpu.barrier barrier_id(%barrier3A_33)
    "tpu.region"() ({
      %run_scoped3A = tpu.sem_alloc : memref<!tpu.dma_semaphore, #tpu.memory_space<semaphore_mem>>
      %dma_start3A_74 = arith.constant 0 : i32
      %dma_start3A_75 = tpu.memref_slice %arg6[%add3A_3, %mul3A_0, %dma_start3A_74] : memref<4x10112x128xf32, #tpu.memory_space<hbm>> -> memref<1x632x128xf32, #tpu.memory_space<hbm>>
      %dma_start3A_76 = tpu.memref_squeeze %dma_start3A_75 : memref<1x632x128xf32, #tpu.memory_space<hbm>> -> memref<632x128xf32, #tpu.memory_space<hbm>>
      %dma_start3A_77 = arith.constant 0 : i32
      %dma_start3A_78 = tpu.memref_slice %arg10[%mul3A_0, %dma_start3A_77] : memref<10112x128xf32, #tpu.memory_space<vmem_shared>> -> memref<632x128xf32, #tpu.memory_space<vmem_shared>>
      tpu.enqueue_dma source(%dma_start3A_78 : memref<632x128xf32, #tpu.memory_space<vmem_shared>>) target(%dma_start3A_76 : memref<632x128xf32, #tpu.memory_space<hbm>>) target_semaphore(%run_scoped3A : memref<!tpu.dma_semaphore, #tpu.memory_space<semaphore_mem>>)
      %dma_wait3A_79 = arith.constant 0 : i32
      %dma_wait3A_80 = tpu.memref_slice %arg6[%add3A_3, %mul3A_0, %dma_wait3A_79] : memref<4x10112x128xf32, #tpu.memory_space<hbm>> -> memref<1x632x128xf32, #tpu.memory_space<hbm>>
      %dma_wait3A_81 = tpu.memref_squeeze %dma_wait3A_80 : memref<1x632x128xf32, #tpu.memory_space<hbm>> -> memref<632x128xf32, #tpu.memory_space<hbm>>
      %dma_wait3A_82 = arith.constant 0 : i32
      %dma_wait3A_83 = tpu.memref_slice %arg10[%mul3A_0, %dma_wait3A_82] : memref<10112x128xf32, #tpu.memory_space<vmem_shared>> -> memref<632x128xf32, #tpu.memory_space<vmem_shared>>
      tpu.wait_dma2 semaphore(%run_scoped3A : memref<!tpu.dma_semaphore, #tpu.memory_space<semaphore_mem>>) src(%dma_wait3A_83 : memref<632x128xf32, #tpu.memory_space<vmem_shared>>) dst(%dma_wait3A_81 : memref<632x128xf32, #tpu.memory_space<hbm>>)
      tpu.yield
    }) : () -> ()
    %barrier3A_34 = arith.constant 0 : index
    tpu.barrier barrier_id(%barrier3A_34)
    %mul3A_35 = arith.constant 2 : i32
    %mul3A_36 = arith.muli %arg0, %mul3A_35 : i32
    %add3A_37 = arith.constant 1 : i32
    %add3A_38 = arith.addi %mul3A_36, %add3A_37 : i32
    "tpu.region"() ({
      %run_scoped3A = tpu.sem_alloc : memref<!tpu.dma_semaphore, #tpu.memory_space<semaphore_mem>>
      %dma_start3A_74 = arith.constant 0 : i32
      %dma_start3A_75 = tpu.memref_slice %arg10[%mul3A_0, %dma_start3A_74] : memref<10112x128xf32, #tpu.memory_space<vmem_shared>> -> memref<632x128xf32, #tpu.memory_space<vmem_shared>>
      tpu.enqueue_dma source(%arg5 : memref<632x128xf32, #tpu.memory_space<hbm>>) target(%dma_start3A_75 : memref<632x128xf32, #tpu.memory_space<vmem_shared>>) target_semaphore(%run_scoped3A : memref<!tpu.dma_semaphore, #tpu.memory_space<semaphore_mem>>)
      %dma_wait3A_76 = arith.constant 0 : i32
      %dma_wait3A_77 = tpu.memref_slice %arg10[%mul3A_0, %dma_wait3A_76] : memref<10112x128xf32, #tpu.memory_space<vmem_shared>> -> memref<632x128xf32, #tpu.memory_space<vmem_shared>>
      tpu.wait_dma2 semaphore(%run_scoped3A : memref<!tpu.dma_semaphore, #tpu.memory_space<semaphore_mem>>) src(%arg5 : memref<632x128xf32, #tpu.memory_space<hbm>>) dst(%dma_wait3A_77 : memref<632x128xf32, #tpu.memory_space<vmem_shared>>)
      tpu.yield
    }) : () -> ()
    %barrier3A_39 = arith.constant 0 : index
    tpu.barrier barrier_id(%barrier3A_39)
    "tpu.region"() ({
      %run_scoped3A = tpu.sem_alloc : memref<!tpu.dma_semaphore, #tpu.memory_space<semaphore_mem>>
      %dma_start3A_74 = arith.constant 0 : i32
      %dma_start3A_75 = arith.constant 0 : i32
      %dma_start3A_76 = tpu.memref_slice %arg2[%add3A_38, %arg1, %dma_start3A_74, %dma_start3A_75] : memref<4x16x40x128xi32, #tpu.memory_space<hbm>> -> memref<1x1x40x128xi32, #tpu.memory_space<hbm>>
      %dma_start3A_77 = tpu.memref_squeeze %dma_start3A_76 : memref<1x1x40x128xi32, #tpu.memory_space<hbm>> -> memref<40x128xi32, #tpu.memory_space<hbm>>
      %dma_start3A_78 = arith.constant 0 : i32
      %dma_start3A_79 = arith.constant 0 : i32
      %dma_start3A_80 = tpu.memref_slice %arg2[%add3A_38, %arg1, %dma_start3A_78, %dma_start3A_79] : memref<4x16x40x128xi32, #tpu.memory_space<hbm>> -> memref<1x1x40x128xi32, #tpu.memory_space<hbm>>
      %dma_start3A_81 = tpu.memref_squeeze %dma_start3A_80 : memref<1x1x40x128xi32, #tpu.memory_space<hbm>> -> memref<40x128xi32, #tpu.memory_space<hbm>>
      tpu.enqueue_dma source(%dma_start3A_81 : memref<40x128xi32, #tpu.memory_space<hbm>>) target(%arg7 : memref<40x128xi32, #tpu.memory_space<vmem>>) target_semaphore(%run_scoped3A : memref<!tpu.dma_semaphore, #tpu.memory_space<semaphore_mem>>)
      %dma_wait3A_82 = arith.constant 0 : i32
      %dma_wait3A_83 = arith.constant 0 : i32
      %dma_wait3A_84 = tpu.memref_slice %arg2[%add3A_38, %arg1, %dma_wait3A_82, %dma_wait3A_83] : memref<4x16x40x128xi32, #tpu.memory_space<hbm>> -> memref<1x1x40x128xi32, #tpu.memory_space<hbm>>
      %dma_wait3A_85 = tpu.memref_squeeze %dma_wait3A_84 : memref<1x1x40x128xi32, #tpu.memory_space<hbm>> -> memref<40x128xi32, #tpu.memory_space<hbm>>
      %dma_wait3A_86 = arith.constant 0 : i32
      %dma_wait3A_87 = arith.constant 0 : i32
      %dma_wait3A_88 = tpu.memref_slice %arg2[%add3A_38, %arg1, %dma_wait3A_86, %dma_wait3A_87] : memref<4x16x40x128xi32, #tpu.memory_space<hbm>> -> memref<1x1x40x128xi32, #tpu.memory_space<hbm>>
      %dma_wait3A_89 = tpu.memref_squeeze %dma_wait3A_88 : memref<1x1x40x128xi32, #tpu.memory_space<hbm>> -> memref<40x128xi32, #tpu.memory_space<hbm>>
      tpu.wait_dma2 semaphore(%run_scoped3A : memref<!tpu.dma_semaphore, #tpu.memory_space<semaphore_mem>>) src(%dma_wait3A_89 : memref<40x128xi32, #tpu.memory_space<hbm>>) dst(%arg7 : memref<40x128xi32, #tpu.memory_space<vmem>>)
      tpu.yield
    }) : () -> ()
    "tpu.region"() ({
      %run_scoped3A = tpu.sem_alloc : memref<!tpu.dma_semaphore, #tpu.memory_space<semaphore_mem>>
      %dma_start3A_74 = arith.constant 0 : i32
      %dma_start3A_75 = arith.constant 0 : i32
      %dma_start3A_76 = tpu.memref_slice %arg3[%add3A_38, %arg1, %dma_start3A_74, %dma_start3A_75] : memref<4x16x40x128xi32, #tpu.memory_space<hbm>> -> memref<1x1x40x128xi32, #tpu.memory_space<hbm>>
      %dma_start3A_77 = tpu.memref_squeeze %dma_start3A_76 : memref<1x1x40x128xi32, #tpu.memory_space<hbm>> -> memref<40x128xi32, #tpu.memory_space<hbm>>
      %dma_start3A_78 = arith.constant 0 : i32
      %dma_start3A_79 = arith.constant 0 : i32
      %dma_start3A_80 = tpu.memref_slice %arg3[%add3A_38, %arg1, %dma_start3A_78, %dma_start3A_79] : memref<4x16x40x128xi32, #tpu.memory_space<hbm>> -> memref<1x1x40x128xi32, #tpu.memory_space<hbm>>
      %dma_start3A_81 = tpu.memref_squeeze %dma_start3A_80 : memref<1x1x40x128xi32, #tpu.memory_space<hbm>> -> memref<40x128xi32, #tpu.memory_space<hbm>>
      tpu.enqueue_dma source(%dma_start3A_81 : memref<40x128xi32, #tpu.memory_space<hbm>>) target(%arg8 : memref<40x128xi32, #tpu.memory_space<vmem>>) target_semaphore(%run_scoped3A : memref<!tpu.dma_semaphore, #tpu.memory_space<semaphore_mem>>)
      %dma_wait3A_82 = arith.constant 0 : i32
      %dma_wait3A_83 = arith.constant 0 : i32
      %dma_wait3A_84 = tpu.memref_slice %arg3[%add3A_38, %arg1, %dma_wait3A_82, %dma_wait3A_83] : memref<4x16x40x128xi32, #tpu.memory_space<hbm>> -> memref<1x1x40x128xi32, #tpu.memory_space<hbm>>
      %dma_wait3A_85 = tpu.memref_squeeze %dma_wait3A_84 : memref<1x1x40x128xi32, #tpu.memory_space<hbm>> -> memref<40x128xi32, #tpu.memory_space<hbm>>
      %dma_wait3A_86 = arith.constant 0 : i32
      %dma_wait3A_87 = arith.constant 0 : i32
      %dma_wait3A_88 = tpu.memref_slice %arg3[%add3A_38, %arg1, %dma_wait3A_86, %dma_wait3A_87] : memref<4x16x40x128xi32, #tpu.memory_space<hbm>> -> memref<1x1x40x128xi32, #tpu.memory_space<hbm>>
      %dma_wait3A_89 = tpu.memref_squeeze %dma_wait3A_88 : memref<1x1x40x128xi32, #tpu.memory_space<hbm>> -> memref<40x128xi32, #tpu.memory_space<hbm>>
      tpu.wait_dma2 semaphore(%run_scoped3A : memref<!tpu.dma_semaphore, #tpu.memory_space<semaphore_mem>>) src(%dma_wait3A_89 : memref<40x128xi32, #tpu.memory_space<hbm>>) dst(%arg8 : memref<40x128xi32, #tpu.memory_space<vmem>>)
      tpu.yield
    }) : () -> ()
    %dma_start3A_40 = arith.constant 0 : i32
    %dma_start3A_41 = arith.constant 0 : i32
    %dma_start3A_42 = arith.constant 0 : i32
    %dma_start3A_43 = arith.constant 0 : i32
    %dma_start3A_44 = tpu.memref_slice %arg9[%dma_start3A_41, %dma_start3A_42, %dma_start3A_43] : memref<2x128x128xf32, #tpu.memory_space<vmem>> -> memref<1x128x128xf32, #tpu.memory_space<vmem>>
    %dma_start3A_45 = tpu.memref_squeeze %dma_start3A_44 : memref<1x128x128xf32, #tpu.memory_space<vmem>> -> memref<128x128xf32, #tpu.memory_space<vmem>>
    %dma_start3A_46 = arith.constant 0 : i32
    %dma_start3A_47 = tpu.memref_slice %arg7[%dma_start3A_40, %dma_start3A_46] : memref<40x128xi32, #tpu.memory_space<vmem>> -> memref<1x128xi32, #tpu.memory_space<vmem>>
    %dma_start3A_48 = tpu.memref_squeeze %dma_start3A_47 : memref<1x128xi32, #tpu.memory_space<vmem>> -> memref<128xi32, #tpu.memory_space<vmem>>
    %dma_start3A_49 = arith.constant 0 : i32
    %dma_start3A_50 = arith.constant 0 : i32
    %dma_start3A_51 = tpu.memref_slice %arg4[%dma_start3A_49, %dma_start3A_50] : memref<10112x128xf32, #tpu.memory_space<hbm>> -> memref<10112x128xf32, #tpu.memory_space<hbm>>
    tpu.enqueue_indirect_dma source(%dma_start3A_51 : memref<10112x128xf32, #tpu.memory_space<hbm>>) target(%dma_start3A_45 : memref<128x128xf32, #tpu.memory_space<vmem>>) offsets(%dma_start3A_48 : memref<128xi32, #tpu.memory_space<vmem>>) semaphore(%arg11 : memref<!tpu.dma_semaphore, #tpu.memory_space<semaphore_mem>>)
    %scan3A_52 = arith.constant 0 : i32
    %scan3A_53 = arith.constant 1 : i32
    %scan3A_54 = arith.constant 0 : i32
    %scan3A_55 = arith.constant 0 : i32
    %scan3A_56 = arith.constant 20 : i32
    %scan3A_57 = arith.addi %scan3A_55, %scan3A_56 : i32
    %scan3A_58 = arith.constant 1 : i32
    scf.for %scan3A_74 = %scan3A_55 to %scan3A_57 step %scan3A_58  : i32 {
      %mul3A_75 = arith.constant 2 : i32
      %mul3A_76 = arith.muli %scan3A_74, %mul3A_75 : i32
      %add3A_77 = arith.constant 0 : i32
      %add3A_78 = arith.addi %mul3A_76, %add3A_77 : i32
      %ge3A = arith.constant 1 : i32
      %ge3A_79 = arith.cmpi sge, %scan3A_74, %ge3A : i32
      %convert_element_type3A = arith.extui %ge3A_79 : i1 to i32
      %cond3A = arith.constant 0 : i32
      %cond3A_80 = arith.cmpi ne, %convert_element_type3A, %cond3A : i32
      scf.if %cond3A_80 {
        %sub3A_150 = arith.constant 1 : i32
        %sub3A_151 = arith.subi %add3A_78, %sub3A_150 : i32
        %dma_wait3A_152 = arith.constant 0 : i32
        %dma_wait3A_153 = arith.constant 0 : i32
        %dma_wait3A_154 = tpu.memref_slice %arg9[%scan3A_53, %dma_wait3A_152, %dma_wait3A_153] : memref<2x128x128xf32, #tpu.memory_space<vmem>> -> memref<1x128x128xf32, #tpu.memory_space<vmem>>
        %dma_wait3A_155 = tpu.memref_squeeze %dma_wait3A_154 : memref<1x128x128xf32, #tpu.memory_space<vmem>> -> memref<128x128xf32, #tpu.memory_space<vmem>>
        %dma_wait3A_156 = arith.constant 0 : i32
        %dma_wait3A_157 = tpu.memref_slice %arg8[%sub3A_151, %dma_wait3A_156] : memref<40x128xi32, #tpu.memory_space<vmem>> -> memref<1x128xi32, #tpu.memory_space<vmem>>
        %dma_wait3A_158 = tpu.memref_squeeze %dma_wait3A_157 : memref<1x128xi32, #tpu.memory_space<vmem>> -> memref<128xi32, #tpu.memory_space<vmem>>
        %dma_wait3A_159 = arith.constant 0 : i32
        %dma_wait3A_160 = arith.constant 0 : i32
        %dma_wait3A_161 = tpu.memref_slice %arg10[%dma_wait3A_159, %dma_wait3A_160] : memref<10112x128xf32, #tpu.memory_space<vmem_shared>> -> memref<10112x128xf32, #tpu.memory_space<vmem_shared>>
        tpu.wait_indirect_dma semaphore(%arg13 : memref<!tpu.dma_semaphore, #tpu.memory_space<semaphore_mem>>) src(%dma_wait3A_155 : memref<128x128xf32, #tpu.memory_space<vmem>>) dst(%dma_wait3A_161 : memref<10112x128xf32, #tpu.memory_space<vmem_shared>>)
      } else {
      }
      %add3A_81 = arith.constant 1 : i32
      %add3A_82 = arith.addi %add3A_78, %add3A_81 : i32
      %dma_start3A_83 = arith.constant 0 : i32
      %dma_start3A_84 = arith.constant 0 : i32
      %dma_start3A_85 = tpu.memref_slice %arg9[%scan3A_53, %dma_start3A_83, %dma_start3A_84] : memref<2x128x128xf32, #tpu.memory_space<vmem>> -> memref<1x128x128xf32, #tpu.memory_space<vmem>>
      %dma_start3A_86 = tpu.memref_squeeze %dma_start3A_85 : memref<1x128x128xf32, #tpu.memory_space<vmem>> -> memref<128x128xf32, #tpu.memory_space<vmem>>
      %dma_start3A_87 = arith.constant 0 : i32
      %dma_start3A_88 = tpu.memref_slice %arg7[%add3A_82, %dma_start3A_87] : memref<40x128xi32, #tpu.memory_space<vmem>> -> memref<1x128xi32, #tpu.memory_space<vmem>>
      %dma_start3A_89 = tpu.memref_squeeze %dma_start3A_88 : memref<1x128xi32, #tpu.memory_space<vmem>> -> memref<128xi32, #tpu.memory_space<vmem>>
      %dma_start3A_90 = arith.constant 0 : i32
      %dma_start3A_91 = arith.constant 0 : i32
      %dma_start3A_92 = tpu.memref_slice %arg4[%dma_start3A_90, %dma_start3A_91] : memref<10112x128xf32, #tpu.memory_space<hbm>> -> memref<10112x128xf32, #tpu.memory_space<hbm>>
      tpu.enqueue_indirect_dma source(%dma_start3A_92 : memref<10112x128xf32, #tpu.memory_space<hbm>>) target(%dma_start3A_86 : memref<128x128xf32, #tpu.memory_space<vmem>>) offsets(%dma_start3A_89 : memref<128xi32, #tpu.memory_space<vmem>>) semaphore(%arg12 : memref<!tpu.dma_semaphore, #tpu.memory_space<semaphore_mem>>)
      %dma_wait3A_93 = arith.constant 0 : i32
      %dma_wait3A_94 = arith.constant 0 : i32
      %dma_wait3A_95 = tpu.memref_slice %arg9[%scan3A_54, %dma_wait3A_93, %dma_wait3A_94] : memref<2x128x128xf32, #tpu.memory_space<vmem>> -> memref<1x128x128xf32, #tpu.memory_space<vmem>>
      %dma_wait3A_96 = tpu.memref_squeeze %dma_wait3A_95 : memref<1x128x128xf32, #tpu.memory_space<vmem>> -> memref<128x128xf32, #tpu.memory_space<vmem>>
      %dma_wait3A_97 = arith.constant 0 : i32
      %dma_wait3A_98 = tpu.memref_slice %arg7[%add3A_78, %dma_wait3A_97] : memref<40x128xi32, #tpu.memory_space<vmem>> -> memref<1x128xi32, #tpu.memory_space<vmem>>
      %dma_wait3A_99 = tpu.memref_squeeze %dma_wait3A_98 : memref<1x128xi32, #tpu.memory_space<vmem>> -> memref<128xi32, #tpu.memory_space<vmem>>
      %dma_wait3A_100 = arith.constant 0 : i32
      %dma_wait3A_101 = arith.constant 0 : i32
      %dma_wait3A_102 = tpu.memref_slice %arg4[%dma_wait3A_100, %dma_wait3A_101] : memref<10112x128xf32, #tpu.memory_space<hbm>> -> memref<10112x128xf32, #tpu.memory_space<hbm>>
      tpu.wait_indirect_dma semaphore(%arg11 : memref<!tpu.dma_semaphore, #tpu.memory_space<semaphore_mem>>) src(%dma_wait3A_102 : memref<10112x128xf32, #tpu.memory_space<hbm>>) dst(%dma_wait3A_96 : memref<128x128xf32, #tpu.memory_space<vmem>>)
      %dma_start3A_103 = arith.constant 0 : i32
      %dma_start3A_104 = arith.constant 0 : i32
      %dma_start3A_105 = tpu.memref_slice %arg9[%scan3A_54, %dma_start3A_103, %dma_start3A_104] : memref<2x128x128xf32, #tpu.memory_space<vmem>> -> memref<1x128x128xf32, #tpu.memory_space<vmem>>
      %dma_start3A_106 = tpu.memref_squeeze %dma_start3A_105 : memref<1x128x128xf32, #tpu.memory_space<vmem>> -> memref<128x128xf32, #tpu.memory_space<vmem>>
      %dma_start3A_107 = arith.constant 0 : i32
      %dma_start3A_108 = tpu.memref_slice %arg8[%add3A_78, %dma_start3A_107] : memref<40x128xi32, #tpu.memory_space<vmem>> -> memref<1x128xi32, #tpu.memory_space<vmem>>
      %dma_start3A_109 = tpu.memref_squeeze %dma_start3A_108 : memref<1x128xi32, #tpu.memory_space<vmem>> -> memref<128xi32, #tpu.memory_space<vmem>>
      %dma_start3A_110 = arith.constant 0 : i32
      %dma_start3A_111 = arith.constant 0 : i32
      %dma_start3A_112 = tpu.memref_slice %arg10[%dma_start3A_110, %dma_start3A_111] : memref<10112x128xf32, #tpu.memory_space<vmem_shared>> -> memref<10112x128xf32, #tpu.memory_space<vmem_shared>>
      tpu.enqueue_indirect_dma source(%dma_start3A_106 : memref<128x128xf32, #tpu.memory_space<vmem>>) target(%dma_start3A_112 : memref<10112x128xf32, #tpu.memory_space<vmem_shared>>) offsets(%dma_start3A_109 : memref<128xi32, #tpu.memory_space<vmem>>) semaphore(%arg13 : memref<!tpu.dma_semaphore, #tpu.memory_space<semaphore_mem>>) {add = true}
      %add3A_113 = arith.constant 1 : i32
      %add3A_114 = arith.addi %mul3A_76, %add3A_113 : i32
      %lt3A = arith.constant 19 : i32
      %lt3A_115 = arith.cmpi slt, %scan3A_74, %lt3A : i32
      %sub3A = arith.constant 1 : i32
      %sub3A_116 = arith.subi %add3A_114, %sub3A : i32
      %dma_wait3A_117 = arith.constant 0 : i32
      %dma_wait3A_118 = arith.constant 0 : i32
      %dma_wait3A_119 = tpu.memref_slice %arg9[%scan3A_54, %dma_wait3A_117, %dma_wait3A_118] : memref<2x128x128xf32, #tpu.memory_space<vmem>> -> memref<1x128x128xf32, #tpu.memory_space<vmem>>
      %dma_wait3A_120 = tpu.memref_squeeze %dma_wait3A_119 : memref<1x128x128xf32, #tpu.memory_space<vmem>> -> memref<128x128xf32, #tpu.memory_space<vmem>>
      %dma_wait3A_121 = arith.constant 0 : i32
      %dma_wait3A_122 = tpu.memref_slice %arg8[%sub3A_116, %dma_wait3A_121] : memref<40x128xi32, #tpu.memory_space<vmem>> -> memref<1x128xi32, #tpu.memory_space<vmem>>
      %dma_wait3A_123 = tpu.memref_squeeze %dma_wait3A_122 : memref<1x128xi32, #tpu.memory_space<vmem>> -> memref<128xi32, #tpu.memory_space<vmem>>
      %dma_wait3A_124 = arith.constant 0 : i32
      %dma_wait3A_125 = arith.constant 0 : i32
      %dma_wait3A_126 = tpu.memref_slice %arg10[%dma_wait3A_124, %dma_wait3A_125] : memref<10112x128xf32, #tpu.memory_space<vmem_shared>> -> memref<10112x128xf32, #tpu.memory_space<vmem_shared>>
      tpu.wait_indirect_dma semaphore(%arg13 : memref<!tpu.dma_semaphore, #tpu.memory_space<semaphore_mem>>) src(%dma_wait3A_120 : memref<128x128xf32, #tpu.memory_space<vmem>>) dst(%dma_wait3A_126 : memref<10112x128xf32, #tpu.memory_space<vmem_shared>>)
      %convert_element_type3A_127 = arith.extui %lt3A_115 : i1 to i32
      %cond3A_128 = arith.constant 0 : i32
      %cond3A_129 = arith.cmpi ne, %convert_element_type3A_127, %cond3A_128 : i32
      scf.if %cond3A_129 {
        %add3A_150 = arith.constant 1 : i32
        %add3A_151 = arith.addi %add3A_114, %add3A_150 : i32
        %dma_start3A_152 = arith.constant 0 : i32
        %dma_start3A_153 = arith.constant 0 : i32
        %dma_start3A_154 = tpu.memref_slice %arg9[%scan3A_54, %dma_start3A_152, %dma_start3A_153] : memref<2x128x128xf32, #tpu.memory_space<vmem>> -> memref<1x128x128xf32, #tpu.memory_space<vmem>>
        %dma_start3A_155 = tpu.memref_squeeze %dma_start3A_154 : memref<1x128x128xf32, #tpu.memory_space<vmem>> -> memref<128x128xf32, #tpu.memory_space<vmem>>
        %dma_start3A_156 = arith.constant 0 : i32
        %dma_start3A_157 = tpu.memref_slice %arg7[%add3A_151, %dma_start3A_156] : memref<40x128xi32, #tpu.memory_space<vmem>> -> memref<1x128xi32, #tpu.memory_space<vmem>>
        %dma_start3A_158 = tpu.memref_squeeze %dma_start3A_157 : memref<1x128xi32, #tpu.memory_space<vmem>> -> memref<128xi32, #tpu.memory_space<vmem>>
        %dma_start3A_159 = arith.constant 0 : i32
        %dma_start3A_160 = arith.constant 0 : i32
        %dma_start3A_161 = tpu.memref_slice %arg4[%dma_start3A_159, %dma_start3A_160] : memref<10112x128xf32, #tpu.memory_space<hbm>> -> memref<10112x128xf32, #tpu.memory_space<hbm>>
        tpu.enqueue_indirect_dma source(%dma_start3A_161 : memref<10112x128xf32, #tpu.memory_space<hbm>>) target(%dma_start3A_155 : memref<128x128xf32, #tpu.memory_space<vmem>>) offsets(%dma_start3A_158 : memref<128xi32, #tpu.memory_space<vmem>>) semaphore(%arg11 : memref<!tpu.dma_semaphore, #tpu.memory_space<semaphore_mem>>)
      } else {
      }
      %dma_wait3A_130 = arith.constant 0 : i32
      %dma_wait3A_131 = arith.constant 0 : i32
      %dma_wait3A_132 = tpu.memref_slice %arg9[%scan3A_53, %dma_wait3A_130, %dma_wait3A_131] : memref<2x128x128xf32, #tpu.memory_space<vmem>> -> memref<1x128x128xf32, #tpu.memory_space<vmem>>
      %dma_wait3A_133 = tpu.memref_squeeze %dma_wait3A_132 : memref<1x128x128xf32, #tpu.memory_space<vmem>> -> memref<128x128xf32, #tpu.memory_space<vmem>>
      %dma_wait3A_134 = arith.constant 0 : i32
      %dma_wait3A_135 = tpu.memref_slice %arg7[%add3A_114, %dma_wait3A_134] : memref<40x128xi32, #tpu.memory_space<vmem>> -> memref<1x128xi32, #tpu.memory_space<vmem>>
      %dma_wait3A_136 = tpu.memref_squeeze %dma_wait3A_135 : memref<1x128xi32, #tpu.memory_space<vmem>> -> memref<128xi32, #tpu.memory_space<vmem>>
      %dma_wait3A_137 = arith.constant 0 : i32
      %dma_wait3A_138 = arith.constant 0 : i32
      %dma_wait3A_139 = tpu.memref_slice %arg4[%dma_wait3A_137, %dma_wait3A_138] : memref<10112x128xf32, #tpu.memory_space<hbm>> -> memref<10112x128xf32, #tpu.memory_space<hbm>>
      tpu.wait_indirect_dma semaphore(%arg12 : memref<!tpu.dma_semaphore, #tpu.memory_space<semaphore_mem>>) src(%dma_wait3A_139 : memref<10112x128xf32, #tpu.memory_space<hbm>>) dst(%dma_wait3A_133 : memref<128x128xf32, #tpu.memory_space<vmem>>)
      %dma_start3A_140 = arith.constant 0 : i32
      %dma_start3A_141 = arith.constant 0 : i32
      %dma_start3A_142 = tpu.memref_slice %arg9[%scan3A_53, %dma_start3A_140, %dma_start3A_141] : memref<2x128x128xf32, #tpu.memory_space<vmem>> -> memref<1x128x128xf32, #tpu.memory_space<vmem>>
      %dma_start3A_143 = tpu.memref_squeeze %dma_start3A_142 : memref<1x128x128xf32, #tpu.memory_space<vmem>> -> memref<128x128xf32, #tpu.memory_space<vmem>>
      %dma_start3A_144 = arith.constant 0 : i32
      %dma_start3A_145 = tpu.memref_slice %arg8[%add3A_114, %dma_start3A_144] : memref<40x128xi32, #tpu.memory_space<vmem>> -> memref<1x128xi32, #tpu.memory_space<vmem>>
      %dma_start3A_146 = tpu.memref_squeeze %dma_start3A_145 : memref<1x128xi32, #tpu.memory_space<vmem>> -> memref<128xi32, #tpu.memory_space<vmem>>
      %dma_start3A_147 = arith.constant 0 : i32
      %dma_start3A_148 = arith.constant 0 : i32
      %dma_start3A_149 = tpu.memref_slice %arg10[%dma_start3A_147, %dma_start3A_148] : memref<10112x128xf32, #tpu.memory_space<vmem_shared>> -> memref<10112x128xf32, #tpu.memory_space<vmem_shared>>
      tpu.enqueue_indirect_dma source(%dma_start3A_143 : memref<128x128xf32, #tpu.memory_space<vmem>>) target(%dma_start3A_149 : memref<10112x128xf32, #tpu.memory_space<vmem_shared>>) offsets(%dma_start3A_146 : memref<128xi32, #tpu.memory_space<vmem>>) semaphore(%arg13 : memref<!tpu.dma_semaphore, #tpu.memory_space<semaphore_mem>>) {add = true}
    }
    %scan3A_59 = arith.constant 20 : i32
    %dma_wait3A_60 = arith.constant 1 : i32
    %dma_wait3A_61 = arith.constant 39 : i32
    %dma_wait3A_62 = arith.constant 0 : i32
    %dma_wait3A_63 = arith.constant 0 : i32
    %dma_wait3A_64 = tpu.memref_slice %arg9[%dma_wait3A_60, %dma_wait3A_62, %dma_wait3A_63] : memref<2x128x128xf32, #tpu.memory_space<vmem>> -> memref<1x128x128xf32, #tpu.memory_space<vmem>>
    %dma_wait3A_65 = tpu.memref_squeeze %dma_wait3A_64 : memref<1x128x128xf32, #tpu.memory_space<vmem>> -> memref<128x128xf32, #tpu.memory_space<vmem>>
    %dma_wait3A_66 = arith.constant 0 : i32
    %dma_wait3A_67 = tpu.memref_slice %arg8[%dma_wait3A_61, %dma_wait3A_66] : memref<40x128xi32, #tpu.memory_space<vmem>> -> memref<1x128xi32, #tpu.memory_space<vmem>>
    %dma_wait3A_68 = tpu.memref_squeeze %dma_wait3A_67 : memref<1x128xi32, #tpu.memory_space<vmem>> -> memref<128xi32, #tpu.memory_space<vmem>>
    %dma_wait3A_69 = arith.constant 0 : i32
    %dma_wait3A_70 = arith.constant 0 : i32
    %dma_wait3A_71 = tpu.memref_slice %arg10[%dma_wait3A_69, %dma_wait3A_70] : memref<10112x128xf32, #tpu.memory_space<vmem_shared>> -> memref<10112x128xf32, #tpu.memory_space<vmem_shared>>
    tpu.wait_indirect_dma semaphore(%arg13 : memref<!tpu.dma_semaphore, #tpu.memory_space<semaphore_mem>>) src(%dma_wait3A_65 : memref<128x128xf32, #tpu.memory_space<vmem>>) dst(%dma_wait3A_71 : memref<10112x128xf32, #tpu.memory_space<vmem_shared>>)
    %barrier3A_72 = arith.constant 0 : index
    tpu.barrier barrier_id(%barrier3A_72)
    "tpu.region"() ({
      %run_scoped3A = tpu.sem_alloc : memref<!tpu.dma_semaphore, #tpu.memory_space<semaphore_mem>>
      %dma_start3A_74 = arith.constant 0 : i32
      %dma_start3A_75 = tpu.memref_slice %arg6[%add3A_38, %mul3A_0, %dma_start3A_74] : memref<4x10112x128xf32, #tpu.memory_space<hbm>> -> memref<1x632x128xf32, #tpu.memory_space<hbm>>
      %dma_start3A_76 = tpu.memref_squeeze %dma_start3A_75 : memref<1x632x128xf32, #tpu.memory_space<hbm>> -> memref<632x128xf32, #tpu.memory_space<hbm>>
      %dma_start3A_77 = arith.constant 0 : i32
      %dma_start3A_78 = tpu.memref_slice %arg10[%mul3A_0, %dma_start3A_77] : memref<10112x128xf32, #tpu.memory_space<vmem_shared>> -> memref<632x128xf32, #tpu.memory_space<vmem_shared>>
      tpu.enqueue_dma source(%dma_start3A_78 : memref<632x128xf32, #tpu.memory_space<vmem_shared>>) target(%dma_start3A_76 : memref<632x128xf32, #tpu.memory_space<hbm>>) target_semaphore(%run_scoped3A : memref<!tpu.dma_semaphore, #tpu.memory_space<semaphore_mem>>)
      %dma_wait3A_79 = arith.constant 0 : i32
      %dma_wait3A_80 = tpu.memref_slice %arg6[%add3A_38, %mul3A_0, %dma_wait3A_79] : memref<4x10112x128xf32, #tpu.memory_space<hbm>> -> memref<1x632x128xf32, #tpu.memory_space<hbm>>
      %dma_wait3A_81 = tpu.memref_squeeze %dma_wait3A_80 : memref<1x632x128xf32, #tpu.memory_space<hbm>> -> memref<632x128xf32, #tpu.memory_space<hbm>>
      %dma_wait3A_82 = arith.constant 0 : i32
      %dma_wait3A_83 = tpu.memref_slice %arg10[%mul3A_0, %dma_wait3A_82] : memref<10112x128xf32, #tpu.memory_space<vmem_shared>> -> memref<632x128xf32, #tpu.memory_space<vmem_shared>>
      tpu.wait_dma2 semaphore(%run_scoped3A : memref<!tpu.dma_semaphore, #tpu.memory_space<semaphore_mem>>) src(%dma_wait3A_83 : memref<632x128xf32, #tpu.memory_space<vmem_shared>>) dst(%dma_wait3A_81 : memref<632x128xf32, #tpu.memory_space<hbm>>)
      tpu.yield
    }) : () -> ()
    %barrier3A_73 = arith.constant 0 : index
    tpu.barrier barrier_id(%barrier3A_73)
    return
  }
}

module attributes {stable_mosaic.version = 14 : i64} {
  func.func @_proj_body(%arg0: i32, %arg1: memref<1000x128xf32, #tpu.memory_space<vmem>>, %arg2: memref<128x128xf32, #tpu.memory_space<vmem>>, %arg3: memref<1x128xf32, #tpu.memory_space<vmem>>, %arg4: memref<1000x128xf32, #tpu.memory_space<vmem>>) attributes {dimension_semantics = [#tpu.dimension_semantics<arbitrary>], iteration_bounds = array<i64: 10>, scalar_prefetch = 0 : i64, scratch_operands = 0 : i64, tpu.core_type = #tpu.core_type<tc>, window_params = [{transform_indices = @transform_0, window_bounds = array<i64: 1000, 128>}, {pipeline_mode = #tpu.pipeline_mode<synchronous>, transform_indices = @transform_1, window_bounds = array<i64: 128, 128>}, {pipeline_mode = #tpu.pipeline_mode<synchronous>, transform_indices = @transform_2, window_bounds = array<i64: 1, 128>}, {transform_indices = @transform_3, window_bounds = array<i64: 1000, 128>}]} {
    %get3A = arith.constant 0 : index
    %get3A_0 = arith.constant 0 : index
    %get3A_1 = vector.load %arg1[%get3A, %get3A_0] : memref<1000x128xf32, #tpu.memory_space<vmem>>, vector<1000x128xf32>
    %get3A_2 = arith.constant 0 : index
    %get3A_3 = arith.constant 0 : index
    %get3A_4 = vector.load %arg2[%get3A_2, %get3A_3] : memref<128x128xf32, #tpu.memory_space<vmem>>, vector<128x128xf32>
    %dot_general3A = arith.constant dense<0.000000e+00> : vector<1000x128xf32>
    %dot_general3A_5 = tpu.matmul %get3A_1, %get3A_4, %dot_general3A {dimension_numbers = #tpu.dot_dimension_numbers<[1], [0], [0], [1], [0, 0, 1, 1], [], []>, transpose_lhs_hint = false} : vector<1000x128xf32>, vector<128x128xf32>, vector<1000x128xf32> -> vector<1000x128xf32>
    %get3A_6 = arith.constant 0 : index
    %get3A_7 = arith.constant 0 : index
    %get3A_8 = vector.load %arg3[%get3A_6, %get3A_7] : memref<1x128xf32, #tpu.memory_space<vmem>>, vector<1x128xf32>
    %add3A = vector.broadcast %get3A_8 : vector<1x128xf32> to vector<1000x128xf32>
    %add3A_9 = arith.addf %dot_general3A_5, %add3A : vector<1000x128xf32>
    %swap3A = arith.constant 0 : index
    %swap3A_10 = arith.constant 0 : index
    %swap3A_11 = vector.load %arg4[%swap3A, %swap3A_10] : memref<1000x128xf32, #tpu.memory_space<vmem>>, vector<1000x128xf32>
    tpu.vector_store %arg4[%swap3A, %swap3A_10], %add3A_9 {strides = array<i32>} : memref<1000x128xf32, #tpu.memory_space<vmem>>, vector<1000x128xf32>,
    return
  }
  func.func @transform_0(%arg0: i32) -> (i32, i32) {
    %c0_i32 = arith.constant 0 : i32
    %c0_i32_0 = arith.constant 0 : i32
    return %arg0, %c0_i32 : i32, i32
  }
  func.func @transform_1(%arg0: i32) -> (i32, i32) {
    %c0_i32 = arith.constant 0 : i32
    %c0_i32_0 = arith.constant 0 : i32
    %c0_i32_1 = arith.constant 0 : i32
    return %c0_i32, %c0_i32_0 : i32, i32
  }
  func.func @transform_2(%arg0: i32) -> (i32, i32) {
    %c0_i32 = arith.constant 0 : i32
    %c0_i32_0 = arith.constant 0 : i32
    %c0_i32_1 = arith.constant 0 : i32
    return %c0_i32, %c0_i32_0 : i32, i32
  }
  func.func @transform_3(%arg0: i32) -> (i32, i32) {
    %c0_i32 = arith.constant 0 : i32
    %c0_i32_0 = arith.constant 0 : i32
    return %arg0, %c0_i32 : i32, i32
  }
}

module attributes {stable_mosaic.version = 14 : i64} {
  func.func @body(%arg0: i32, %arg1: memref<4x2xf32, #tpu.memory_space<smem>>, %arg2: memref<4x632x128xf32, #tpu.memory_space<vmem>>, %arg3: memref<4x632x128xf32, #tpu.memory_space<vmem>>, %arg4: memref<2x128x128xf32, #tpu.memory_space<vmem>>, %arg5: memref<1x128xf32, #tpu.memory_space<vmem>>, %arg6: memref<1x128xf32, #tpu.memory_space<vmem>>, %arg7: memref<632x128xf32, #tpu.memory_space<vmem>>) attributes {dimension_semantics = [#tpu.dimension_semantics<arbitrary>], iteration_bounds = array<i64: 16>, scalar_prefetch = 0 : i64, scratch_operands = 0 : i64, tpu.core_type = #tpu.core_type<tc>, window_params = [{transform_indices = @transform_0, window_bounds = array<i64: 4, 2>}, {transform_indices = @transform_1, window_bounds = array<i64: 4, 632, 128>}, {transform_indices = @transform_2, window_bounds = array<i64: 4, 632, 128>}, {pipeline_mode = #tpu.pipeline_mode<synchronous>, transform_indices = @transform_3, window_bounds = array<i64: 2, 128, 128>}, {pipeline_mode = #tpu.pipeline_mode<synchronous>, transform_indices = @transform_4, window_bounds = array<i64: 1, 128>}, {pipeline_mode = #tpu.pipeline_mode<synchronous>, transform_indices = @transform_5, window_bounds = array<i64: 1, 128>}, {transform_indices = @transform_6, window_bounds = array<i64: 632, 128>}]} {
    %broadcast_in_dim3A = arith.constant 0.000000e+00 : f32
    %broadcast_in_dim3A_0 = vector.broadcast %broadcast_in_dim3A : f32 to vector<632x128xf32>
    %broadcast_in_dim3A_1 = arith.constant 0.000000e+00 : f32
    %broadcast_in_dim3A_2 = vector.broadcast %broadcast_in_dim3A_1 : f32 to vector<632x128xf32>
    %get3A = arith.constant 0 : index
    %get3A_3 = arith.constant 0 : index
    %get3A_4 = arith.constant 0 : index
    %get3A_5 = vector.load %arg3[%get3A, %get3A_3, %get3A_4] : memref<4x632x128xf32, #tpu.memory_space<vmem>>, vector<1x632x1xf32>
    %get3A_6 = vector.shape_cast %get3A_5 : vector<1x632x1xf32> to vector<632x1xf32>
    %max3A = arith.constant 1.000000e+00 : f32
    %max3A_7 = vector.broadcast %max3A : f32 to vector<632x1xf32>
    %max3A_8 = arith.maximumf %get3A_6, %max3A_7 : vector<632x1xf32>
    %div3A = arith.constant 1.000000e+00 : f32
    %div3A_9 = vector.broadcast %div3A : f32 to vector<632x1xf32>
    %div3A_10 = arith.divf %div3A_9, %max3A_8 : vector<632x1xf32>
    %get3A_11 = arith.constant 0 : index
    %get3A_12 = arith.constant 0 : index
    %get3A_13 = arith.constant 0 : index
    %get3A_14 = vector.load %arg2[%get3A_11, %get3A_12, %get3A_13] : memref<4x632x128xf32, #tpu.memory_space<vmem>>, vector<1x632x128xf32>
    %get3A_15 = vector.shape_cast %get3A_14 : vector<1x632x128xf32> to vector<632x128xf32>
    %mul3A = vector.broadcast %div3A_10 : vector<632x1xf32> to vector<632x128xf32>
    %mul3A_16 = arith.mulf %get3A_15, %mul3A : vector<632x128xf32>
    %get3A_17 = arith.constant 0 : index
    %get3A_18 = arith.constant 0 : index
    %get3A_19 = memref.load %arg1[%get3A_17, %get3A_18] : memref<4x2xf32, #tpu.memory_space<smem>>
    %mul3A_20 = vector.broadcast %get3A_19 : f32 to vector<632x128xf32>
    %mul3A_21 = arith.mulf %mul3A_20, %mul3A_16 : vector<632x128xf32>
    %add3A = arith.addf %broadcast_in_dim3A_0, %mul3A_21 : vector<632x128xf32>
    %get3A_22 = arith.constant 0 : index
    %get3A_23 = arith.constant 1 : index
    %get3A_24 = memref.load %arg1[%get3A_22, %get3A_23] : memref<4x2xf32, #tpu.memory_space<smem>>
    %mul3A_25 = vector.broadcast %get3A_24 : f32 to vector<632x128xf32>
    %mul3A_26 = arith.mulf %mul3A_25, %mul3A_16 : vector<632x128xf32>
    %add3A_27 = arith.addf %broadcast_in_dim3A_2, %mul3A_26 : vector<632x128xf32>
    %get3A_28 = arith.constant 1 : index
    %get3A_29 = arith.constant 0 : index
    %get3A_30 = arith.constant 0 : index
    %get3A_31 = vector.load %arg3[%get3A_28, %get3A_29, %get3A_30] : memref<4x632x128xf32, #tpu.memory_space<vmem>>, vector<1x632x1xf32>
    %get3A_32 = vector.shape_cast %get3A_31 : vector<1x632x1xf32> to vector<632x1xf32>
    %max3A_33 = arith.constant 1.000000e+00 : f32
    %max3A_34 = vector.broadcast %max3A_33 : f32 to vector<632x1xf32>
    %max3A_35 = arith.maximumf %get3A_32, %max3A_34 : vector<632x1xf32>
    %div3A_36 = arith.constant 1.000000e+00 : f32
    %div3A_37 = vector.broadcast %div3A_36 : f32 to vector<632x1xf32>
    %div3A_38 = arith.divf %div3A_37, %max3A_35 : vector<632x1xf32>
    %get3A_39 = arith.constant 1 : index
    %get3A_40 = arith.constant 0 : index
    %get3A_41 = arith.constant 0 : index
    %get3A_42 = vector.load %arg2[%get3A_39, %get3A_40, %get3A_41] : memref<4x632x128xf32, #tpu.memory_space<vmem>>, vector<1x632x128xf32>
    %get3A_43 = vector.shape_cast %get3A_42 : vector<1x632x128xf32> to vector<632x128xf32>
    %mul3A_44 = vector.broadcast %div3A_38 : vector<632x1xf32> to vector<632x128xf32>
    %mul3A_45 = arith.mulf %get3A_43, %mul3A_44 : vector<632x128xf32>
    %get3A_46 = arith.constant 1 : index
    %get3A_47 = arith.constant 0 : index
    %get3A_48 = memref.load %arg1[%get3A_46, %get3A_47] : memref<4x2xf32, #tpu.memory_space<smem>>
    %mul3A_49 = vector.broadcast %get3A_48 : f32 to vector<632x128xf32>
    %mul3A_50 = arith.mulf %mul3A_49, %mul3A_45 : vector<632x128xf32>
    %add3A_51 = arith.addf %add3A, %mul3A_50 : vector<632x128xf32>
    %get3A_52 = arith.constant 1 : index
    %get3A_53 = arith.constant 1 : index
    %get3A_54 = memref.load %arg1[%get3A_52, %get3A_53] : memref<4x2xf32, #tpu.memory_space<smem>>
    %mul3A_55 = vector.broadcast %get3A_54 : f32 to vector<632x128xf32>
    %mul3A_56 = arith.mulf %mul3A_55, %mul3A_45 : vector<632x128xf32>
    %add3A_57 = arith.addf %add3A_27, %mul3A_56 : vector<632x128xf32>
    %get3A_58 = arith.constant 2 : index
    %get3A_59 = arith.constant 0 : index
    %get3A_60 = arith.constant 0 : index
    %get3A_61 = vector.load %arg3[%get3A_58, %get3A_59, %get3A_60] : memref<4x632x128xf32, #tpu.memory_space<vmem>>, vector<1x632x1xf32>
    %get3A_62 = vector.shape_cast %get3A_61 : vector<1x632x1xf32> to vector<632x1xf32>
    %max3A_63 = arith.constant 1.000000e+00 : f32
    %max3A_64 = vector.broadcast %max3A_63 : f32 to vector<632x1xf32>
    %max3A_65 = arith.maximumf %get3A_62, %max3A_64 : vector<632x1xf32>
    %div3A_66 = arith.constant 1.000000e+00 : f32
    %div3A_67 = vector.broadcast %div3A_66 : f32 to vector<632x1xf32>
    %div3A_68 = arith.divf %div3A_67, %max3A_65 : vector<632x1xf32>
    %get3A_69 = arith.constant 2 : index
    %get3A_70 = arith.constant 0 : index
    %get3A_71 = arith.constant 0 : index
    %get3A_72 = vector.load %arg2[%get3A_69, %get3A_70, %get3A_71] : memref<4x632x128xf32, #tpu.memory_space<vmem>>, vector<1x632x128xf32>
    %get3A_73 = vector.shape_cast %get3A_72 : vector<1x632x128xf32> to vector<632x128xf32>
    %mul3A_74 = vector.broadcast %div3A_68 : vector<632x1xf32> to vector<632x128xf32>
    %mul3A_75 = arith.mulf %get3A_73, %mul3A_74 : vector<632x128xf32>
    %get3A_76 = arith.constant 2 : index
    %get3A_77 = arith.constant 0 : index
    %get3A_78 = memref.load %arg1[%get3A_76, %get3A_77] : memref<4x2xf32, #tpu.memory_space<smem>>
    %mul3A_79 = vector.broadcast %get3A_78 : f32 to vector<632x128xf32>
    %mul3A_80 = arith.mulf %mul3A_79, %mul3A_75 : vector<632x128xf32>
    %add3A_81 = arith.addf %add3A_51, %mul3A_80 : vector<632x128xf32>
    %get3A_82 = arith.constant 2 : index
    %get3A_83 = arith.constant 1 : index
    %get3A_84 = memref.load %arg1[%get3A_82, %get3A_83] : memref<4x2xf32, #tpu.memory_space<smem>>
    %mul3A_85 = vector.broadcast %get3A_84 : f32 to vector<632x128xf32>
    %mul3A_86 = arith.mulf %mul3A_85, %mul3A_75 : vector<632x128xf32>
    %add3A_87 = arith.addf %add3A_57, %mul3A_86 : vector<632x128xf32>
    %get3A_88 = arith.constant 3 : index
    %get3A_89 = arith.constant 0 : index
    %get3A_90 = arith.constant 0 : index
    %get3A_91 = vector.load %arg3[%get3A_88, %get3A_89, %get3A_90] : memref<4x632x128xf32, #tpu.memory_space<vmem>>, vector<1x632x1xf32>
    %get3A_92 = vector.shape_cast %get3A_91 : vector<1x632x1xf32> to vector<632x1xf32>
    %max3A_93 = arith.constant 1.000000e+00 : f32
    %max3A_94 = vector.broadcast %max3A_93 : f32 to vector<632x1xf32>
    %max3A_95 = arith.maximumf %get3A_92, %max3A_94 : vector<632x1xf32>
    %div3A_96 = arith.constant 1.000000e+00 : f32
    %div3A_97 = vector.broadcast %div3A_96 : f32 to vector<632x1xf32>
    %div3A_98 = arith.divf %div3A_97, %max3A_95 : vector<632x1xf32>
    %get3A_99 = arith.constant 3 : index
    %get3A_100 = arith.constant 0 : index
    %get3A_101 = arith.constant 0 : index
    %get3A_102 = vector.load %arg2[%get3A_99, %get3A_100, %get3A_101] : memref<4x632x128xf32, #tpu.memory_space<vmem>>, vector<1x632x128xf32>
    %get3A_103 = vector.shape_cast %get3A_102 : vector<1x632x128xf32> to vector<632x128xf32>
    %mul3A_104 = vector.broadcast %div3A_98 : vector<632x1xf32> to vector<632x128xf32>
    %mul3A_105 = arith.mulf %get3A_103, %mul3A_104 : vector<632x128xf32>
    %get3A_106 = arith.constant 3 : index
    %get3A_107 = arith.constant 0 : index
    %get3A_108 = memref.load %arg1[%get3A_106, %get3A_107] : memref<4x2xf32, #tpu.memory_space<smem>>
    %mul3A_109 = vector.broadcast %get3A_108 : f32 to vector<632x128xf32>
    %mul3A_110 = arith.mulf %mul3A_109, %mul3A_105 : vector<632x128xf32>
    %add3A_111 = arith.addf %add3A_81, %mul3A_110 : vector<632x128xf32>
    %get3A_112 = arith.constant 3 : index
    %get3A_113 = arith.constant 1 : index
    %get3A_114 = memref.load %arg1[%get3A_112, %get3A_113] : memref<4x2xf32, #tpu.memory_space<smem>>
    %mul3A_115 = vector.broadcast %get3A_114 : f32 to vector<632x128xf32>
    %mul3A_116 = arith.mulf %mul3A_115, %mul3A_105 : vector<632x128xf32>
    %add3A_117 = arith.addf %add3A_87, %mul3A_116 : vector<632x128xf32>
    %get3A_118 = arith.constant 0 : index
    %get3A_119 = arith.constant 0 : index
    %get3A_120 = arith.constant 0 : index
    %get3A_121 = vector.load %arg4[%get3A_118, %get3A_119, %get3A_120] : memref<2x128x128xf32, #tpu.memory_space<vmem>>, vector<1x128x128xf32>
    %get3A_122 = vector.shape_cast %get3A_121 : vector<1x128x128xf32> to vector<128x128xf32>
    %dot_general3A = arith.constant dense<0.000000e+00> : vector<632x128xf32>
    %dot_general3A_123 = tpu.matmul %add3A_111, %get3A_122, %dot_general3A {dimension_numbers = #tpu.dot_dimension_numbers<[1], [0], [0], [1], [0, 0, 1, 1], [], []>, precision = #tpu.contract_precision<fp32>, transpose_lhs_hint = false} : vector<632x128xf32>, vector<128x128xf32>, vector<632x128xf32> -> vector<632x128xf32>
    %get3A_124 = arith.constant 1 : index
    %get3A_125 = arith.constant 0 : index
    %get3A_126 = arith.constant 0 : index
    %get3A_127 = vector.load %arg4[%get3A_124, %get3A_125, %get3A_126] : memref<2x128x128xf32, #tpu.memory_space<vmem>>, vector<1x128x128xf32>
    %get3A_128 = vector.shape_cast %get3A_127 : vector<1x128x128xf32> to vector<128x128xf32>
    %dot_general3A_129 = arith.constant dense<0.000000e+00> : vector<632x128xf32>
    %dot_general3A_130 = tpu.matmul %add3A_117, %get3A_128, %dot_general3A_129 {dimension_numbers = #tpu.dot_dimension_numbers<[1], [0], [0], [1], [0, 0, 1, 1], [], []>, precision = #tpu.contract_precision<fp32>, transpose_lhs_hint = false} : vector<632x128xf32>, vector<128x128xf32>, vector<632x128xf32> -> vector<632x128xf32>
    %add3A_131 = arith.addf %dot_general3A_123, %dot_general3A_130 : vector<632x128xf32>
    %get3A_132 = arith.constant 0 : index
    %get3A_133 = arith.constant 0 : index
    %get3A_134 = vector.load %arg5[%get3A_132, %get3A_133] : memref<1x128xf32, #tpu.memory_space<vmem>>, vector<1x128xf32>
    %add3A_135 = vector.broadcast %get3A_134 : vector<1x128xf32> to vector<632x128xf32>
    %add3A_136 = arith.addf %add3A_131, %add3A_135 : vector<632x128xf32>
    %max3A_137 = arith.constant 0.000000e+00 : f32
    %max3A_138 = vector.broadcast %max3A_137 : f32 to vector<632x128xf32>
    %max3A_139 = arith.maximumf %add3A_136, %max3A_138 : vector<632x128xf32>
    %swap3A = arith.constant 0 : index
    %swap3A_140 = arith.constant 0 : index
    %swap3A_141 = vector.load %arg7[%swap3A, %swap3A_140] : memref<632x128xf32, #tpu.memory_space<vmem>>, vector<632x128xf32>
    tpu.vector_store %arg7[%swap3A, %swap3A_140], %max3A_139 {strides = array<i32>} : memref<632x128xf32, #tpu.memory_space<vmem>>, vector<632x128xf32>,
    return
  }
  func.func @transform_0(%arg0: i32) -> (i32, i32) {
    %c0_i32 = arith.constant 0 : i32
    %c0_i32_0 = arith.constant 0 : i32
    %c0_i32_1 = arith.constant 0 : i32
    return %c0_i32, %c0_i32_0 : i32, i32
  }
  func.func @transform_1(%arg0: i32) -> (i32, i32, i32) {
    %c0_i32 = arith.constant 0 : i32
    %c0_i32_0 = arith.constant 0 : i32
    %c0_i32_1 = arith.constant 0 : i32
    return %c0_i32, %arg0, %c0_i32_0 : i32, i32, i32
  }
  func.func @transform_2(%arg0: i32) -> (i32, i32, i32) {
    %c0_i32 = arith.constant 0 : i32
    %c0_i32_0 = arith.constant 0 : i32
    %c0_i32_1 = arith.constant 0 : i32
    return %c0_i32, %arg0, %c0_i32_0 : i32, i32, i32
  }
  func.func @transform_3(%arg0: i32) -> (i32, i32, i32) {
    %c0_i32 = arith.constant 0 : i32
    %c0_i32_0 = arith.constant 0 : i32
    %c0_i32_1 = arith.constant 0 : i32
    %c0_i32_2 = arith.constant 0 : i32
    return %c0_i32, %c0_i32_0, %c0_i32_1 : i32, i32, i32
  }
  func.func @transform_4(%arg0: i32) -> (i32, i32) {
    %c0_i32 = arith.constant 0 : i32
    %c0_i32_0 = arith.constant 0 : i32
    %c0_i32_1 = arith.constant 0 : i32
    return %c0_i32, %c0_i32_0 : i32, i32
  }
  func.func @transform_5(%arg0: i32) -> (i32, i32) {
    %c0_i32 = arith.constant 0 : i32
    %c0_i32_0 = arith.constant 0 : i32
    %c0_i32_1 = arith.constant 0 : i32
    return %c0_i32, %c0_i32_0 : i32, i32
  }
  func.func @transform_6(%arg0: i32) -> (i32, i32) {
    %c0_i32 = arith.constant 0 : i32
    %c0_i32_0 = arith.constant 0 : i32
    return %arg0, %c0_i32 : i32, i32
  }
}

module attributes {stable_mosaic.version = 14 : i64} {
  func.func @body(%arg0: i32, %arg1: memref<4x2xf32, #tpu.memory_space<smem>>, %arg2: memref<4x632x128xf32, #tpu.memory_space<vmem>>, %arg3: memref<4x632x128xf32, #tpu.memory_space<vmem>>, %arg4: memref<2x128x128xf32, #tpu.memory_space<vmem>>, %arg5: memref<1x128xf32, #tpu.memory_space<vmem>>, %arg6: memref<1x128xf32, #tpu.memory_space<vmem>>, %arg7: memref<632x128xf32, #tpu.memory_space<vmem>>) attributes {dimension_semantics = [#tpu.dimension_semantics<arbitrary>], iteration_bounds = array<i64: 16>, scalar_prefetch = 0 : i64, scratch_operands = 0 : i64, tpu.core_type = #tpu.core_type<tc>, window_params = [{transform_indices = @transform_0, window_bounds = array<i64: 4, 2>}, {transform_indices = @transform_1, window_bounds = array<i64: 4, 632, 128>}, {transform_indices = @transform_2, window_bounds = array<i64: 4, 632, 128>}, {pipeline_mode = #tpu.pipeline_mode<synchronous>, transform_indices = @transform_3, window_bounds = array<i64: 2, 128, 128>}, {pipeline_mode = #tpu.pipeline_mode<synchronous>, transform_indices = @transform_4, window_bounds = array<i64: 1, 128>}, {pipeline_mode = #tpu.pipeline_mode<synchronous>, transform_indices = @transform_5, window_bounds = array<i64: 1, 128>}, {transform_indices = @transform_6, window_bounds = array<i64: 632, 128>}]} {
    %broadcast_in_dim3A = arith.constant 0.000000e+00 : f32
    %broadcast_in_dim3A_0 = vector.broadcast %broadcast_in_dim3A : f32 to vector<632x128xf32>
    %broadcast_in_dim3A_1 = arith.constant 0.000000e+00 : f32
    %broadcast_in_dim3A_2 = vector.broadcast %broadcast_in_dim3A_1 : f32 to vector<632x128xf32>
    %get3A = arith.constant 0 : index
    %get3A_3 = arith.constant 0 : index
    %get3A_4 = arith.constant 0 : index
    %get3A_5 = vector.load %arg3[%get3A, %get3A_3, %get3A_4] : memref<4x632x128xf32, #tpu.memory_space<vmem>>, vector<1x632x1xf32>
    %get3A_6 = vector.shape_cast %get3A_5 : vector<1x632x1xf32> to vector<632x1xf32>
    %max3A = arith.constant 1.000000e+00 : f32
    %max3A_7 = vector.broadcast %max3A : f32 to vector<632x1xf32>
    %max3A_8 = arith.maximumf %get3A_6, %max3A_7 : vector<632x1xf32>
    %div3A = arith.constant 1.000000e+00 : f32
    %div3A_9 = vector.broadcast %div3A : f32 to vector<632x1xf32>
    %div3A_10 = arith.divf %div3A_9, %max3A_8 : vector<632x1xf32>
    %get3A_11 = arith.constant 0 : index
    %get3A_12 = arith.constant 0 : index
    %get3A_13 = arith.constant 0 : index
    %get3A_14 = vector.load %arg2[%get3A_11, %get3A_12, %get3A_13] : memref<4x632x128xf32, #tpu.memory_space<vmem>>, vector<1x632x128xf32>
    %get3A_15 = vector.shape_cast %get3A_14 : vector<1x632x128xf32> to vector<632x128xf32>
    %mul3A = vector.broadcast %div3A_10 : vector<632x1xf32> to vector<632x128xf32>
    %mul3A_16 = arith.mulf %get3A_15, %mul3A : vector<632x128xf32>
    %get3A_17 = arith.constant 0 : index
    %get3A_18 = arith.constant 0 : index
    %get3A_19 = memref.load %arg1[%get3A_17, %get3A_18] : memref<4x2xf32, #tpu.memory_space<smem>>
    %mul3A_20 = vector.broadcast %get3A_19 : f32 to vector<632x128xf32>
    %mul3A_21 = arith.mulf %mul3A_20, %mul3A_16 : vector<632x128xf32>
    %add3A = arith.addf %broadcast_in_dim3A_0, %mul3A_21 : vector<632x128xf32>
    %get3A_22 = arith.constant 0 : index
    %get3A_23 = arith.constant 1 : index
    %get3A_24 = memref.load %arg1[%get3A_22, %get3A_23] : memref<4x2xf32, #tpu.memory_space<smem>>
    %mul3A_25 = vector.broadcast %get3A_24 : f32 to vector<632x128xf32>
    %mul3A_26 = arith.mulf %mul3A_25, %mul3A_16 : vector<632x128xf32>
    %add3A_27 = arith.addf %broadcast_in_dim3A_2, %mul3A_26 : vector<632x128xf32>
    %get3A_28 = arith.constant 1 : index
    %get3A_29 = arith.constant 0 : index
    %get3A_30 = arith.constant 0 : index
    %get3A_31 = vector.load %arg3[%get3A_28, %get3A_29, %get3A_30] : memref<4x632x128xf32, #tpu.memory_space<vmem>>, vector<1x632x1xf32>
    %get3A_32 = vector.shape_cast %get3A_31 : vector<1x632x1xf32> to vector<632x1xf32>
    %max3A_33 = arith.constant 1.000000e+00 : f32
    %max3A_34 = vector.broadcast %max3A_33 : f32 to vector<632x1xf32>
    %max3A_35 = arith.maximumf %get3A_32, %max3A_34 : vector<632x1xf32>
    %div3A_36 = arith.constant 1.000000e+00 : f32
    %div3A_37 = vector.broadcast %div3A_36 : f32 to vector<632x1xf32>
    %div3A_38 = arith.divf %div3A_37, %max3A_35 : vector<632x1xf32>
    %get3A_39 = arith.constant 1 : index
    %get3A_40 = arith.constant 0 : index
    %get3A_41 = arith.constant 0 : index
    %get3A_42 = vector.load %arg2[%get3A_39, %get3A_40, %get3A_41] : memref<4x632x128xf32, #tpu.memory_space<vmem>>, vector<1x632x128xf32>
    %get3A_43 = vector.shape_cast %get3A_42 : vector<1x632x128xf32> to vector<632x128xf32>
    %mul3A_44 = vector.broadcast %div3A_38 : vector<632x1xf32> to vector<632x128xf32>
    %mul3A_45 = arith.mulf %get3A_43, %mul3A_44 : vector<632x128xf32>
    %get3A_46 = arith.constant 1 : index
    %get3A_47 = arith.constant 0 : index
    %get3A_48 = memref.load %arg1[%get3A_46, %get3A_47] : memref<4x2xf32, #tpu.memory_space<smem>>
    %mul3A_49 = vector.broadcast %get3A_48 : f32 to vector<632x128xf32>
    %mul3A_50 = arith.mulf %mul3A_49, %mul3A_45 : vector<632x128xf32>
    %add3A_51 = arith.addf %add3A, %mul3A_50 : vector<632x128xf32>
    %get3A_52 = arith.constant 1 : index
    %get3A_53 = arith.constant 1 : index
    %get3A_54 = memref.load %arg1[%get3A_52, %get3A_53] : memref<4x2xf32, #tpu.memory_space<smem>>
    %mul3A_55 = vector.broadcast %get3A_54 : f32 to vector<632x128xf32>
    %mul3A_56 = arith.mulf %mul3A_55, %mul3A_45 : vector<632x128xf32>
    %add3A_57 = arith.addf %add3A_27, %mul3A_56 : vector<632x128xf32>
    %get3A_58 = arith.constant 2 : index
    %get3A_59 = arith.constant 0 : index
    %get3A_60 = arith.constant 0 : index
    %get3A_61 = vector.load %arg3[%get3A_58, %get3A_59, %get3A_60] : memref<4x632x128xf32, #tpu.memory_space<vmem>>, vector<1x632x1xf32>
    %get3A_62 = vector.shape_cast %get3A_61 : vector<1x632x1xf32> to vector<632x1xf32>
    %max3A_63 = arith.constant 1.000000e+00 : f32
    %max3A_64 = vector.broadcast %max3A_63 : f32 to vector<632x1xf32>
    %max3A_65 = arith.maximumf %get3A_62, %max3A_64 : vector<632x1xf32>
    %div3A_66 = arith.constant 1.000000e+00 : f32
    %div3A_67 = vector.broadcast %div3A_66 : f32 to vector<632x1xf32>
    %div3A_68 = arith.divf %div3A_67, %max3A_65 : vector<632x1xf32>
    %get3A_69 = arith.constant 2 : index
    %get3A_70 = arith.constant 0 : index
    %get3A_71 = arith.constant 0 : index
    %get3A_72 = vector.load %arg2[%get3A_69, %get3A_70, %get3A_71] : memref<4x632x128xf32, #tpu.memory_space<vmem>>, vector<1x632x128xf32>
    %get3A_73 = vector.shape_cast %get3A_72 : vector<1x632x128xf32> to vector<632x128xf32>
    %mul3A_74 = vector.broadcast %div3A_68 : vector<632x1xf32> to vector<632x128xf32>
    %mul3A_75 = arith.mulf %get3A_73, %mul3A_74 : vector<632x128xf32>
    %get3A_76 = arith.constant 2 : index
    %get3A_77 = arith.constant 0 : index
    %get3A_78 = memref.load %arg1[%get3A_76, %get3A_77] : memref<4x2xf32, #tpu.memory_space<smem>>
    %mul3A_79 = vector.broadcast %get3A_78 : f32 to vector<632x128xf32>
    %mul3A_80 = arith.mulf %mul3A_79, %mul3A_75 : vector<632x128xf32>
    %add3A_81 = arith.addf %add3A_51, %mul3A_80 : vector<632x128xf32>
    %get3A_82 = arith.constant 2 : index
    %get3A_83 = arith.constant 1 : index
    %get3A_84 = memref.load %arg1[%get3A_82, %get3A_83] : memref<4x2xf32, #tpu.memory_space<smem>>
    %mul3A_85 = vector.broadcast %get3A_84 : f32 to vector<632x128xf32>
    %mul3A_86 = arith.mulf %mul3A_85, %mul3A_75 : vector<632x128xf32>
    %add3A_87 = arith.addf %add3A_57, %mul3A_86 : vector<632x128xf32>
    %get3A_88 = arith.constant 3 : index
    %get3A_89 = arith.constant 0 : index
    %get3A_90 = arith.constant 0 : index
    %get3A_91 = vector.load %arg3[%get3A_88, %get3A_89, %get3A_90] : memref<4x632x128xf32, #tpu.memory_space<vmem>>, vector<1x632x1xf32>
    %get3A_92 = vector.shape_cast %get3A_91 : vector<1x632x1xf32> to vector<632x1xf32>
    %max3A_93 = arith.constant 1.000000e+00 : f32
    %max3A_94 = vector.broadcast %max3A_93 : f32 to vector<632x1xf32>
    %max3A_95 = arith.maximumf %get3A_92, %max3A_94 : vector<632x1xf32>
    %div3A_96 = arith.constant 1.000000e+00 : f32
    %div3A_97 = vector.broadcast %div3A_96 : f32 to vector<632x1xf32>
    %div3A_98 = arith.divf %div3A_97, %max3A_95 : vector<632x1xf32>
    %get3A_99 = arith.constant 3 : index
    %get3A_100 = arith.constant 0 : index
    %get3A_101 = arith.constant 0 : index
    %get3A_102 = vector.load %arg2[%get3A_99, %get3A_100, %get3A_101] : memref<4x632x128xf32, #tpu.memory_space<vmem>>, vector<1x632x128xf32>
    %get3A_103 = vector.shape_cast %get3A_102 : vector<1x632x128xf32> to vector<632x128xf32>
    %mul3A_104 = vector.broadcast %div3A_98 : vector<632x1xf32> to vector<632x128xf32>
    %mul3A_105 = arith.mulf %get3A_103, %mul3A_104 : vector<632x128xf32>
    %get3A_106 = arith.constant 3 : index
    %get3A_107 = arith.constant 0 : index
    %get3A_108 = memref.load %arg1[%get3A_106, %get3A_107] : memref<4x2xf32, #tpu.memory_space<smem>>
    %mul3A_109 = vector.broadcast %get3A_108 : f32 to vector<632x128xf32>
    %mul3A_110 = arith.mulf %mul3A_109, %mul3A_105 : vector<632x128xf32>
    %add3A_111 = arith.addf %add3A_81, %mul3A_110 : vector<632x128xf32>
    %get3A_112 = arith.constant 3 : index
    %get3A_113 = arith.constant 1 : index
    %get3A_114 = memref.load %arg1[%get3A_112, %get3A_113] : memref<4x2xf32, #tpu.memory_space<smem>>
    %mul3A_115 = vector.broadcast %get3A_114 : f32 to vector<632x128xf32>
    %mul3A_116 = arith.mulf %mul3A_115, %mul3A_105 : vector<632x128xf32>
    %add3A_117 = arith.addf %add3A_87, %mul3A_116 : vector<632x128xf32>
    %get3A_118 = arith.constant 0 : index
    %get3A_119 = arith.constant 0 : index
    %get3A_120 = arith.constant 0 : index
    %get3A_121 = vector.load %arg4[%get3A_118, %get3A_119, %get3A_120] : memref<2x128x128xf32, #tpu.memory_space<vmem>>, vector<1x128x128xf32>
    %get3A_122 = vector.shape_cast %get3A_121 : vector<1x128x128xf32> to vector<128x128xf32>
    %dot_general3A = arith.constant dense<0.000000e+00> : vector<632x128xf32>
    %dot_general3A_123 = tpu.matmul %add3A_111, %get3A_122, %dot_general3A {dimension_numbers = #tpu.dot_dimension_numbers<[1], [0], [0], [1], [0, 0, 1, 1], [], []>, precision = #tpu.contract_precision<fp32>, transpose_lhs_hint = false} : vector<632x128xf32>, vector<128x128xf32>, vector<632x128xf32> -> vector<632x128xf32>
    %get3A_124 = arith.constant 1 : index
    %get3A_125 = arith.constant 0 : index
    %get3A_126 = arith.constant 0 : index
    %get3A_127 = vector.load %arg4[%get3A_124, %get3A_125, %get3A_126] : memref<2x128x128xf32, #tpu.memory_space<vmem>>, vector<1x128x128xf32>
    %get3A_128 = vector.shape_cast %get3A_127 : vector<1x128x128xf32> to vector<128x128xf32>
    %dot_general3A_129 = arith.constant dense<0.000000e+00> : vector<632x128xf32>
    %dot_general3A_130 = tpu.matmul %add3A_117, %get3A_128, %dot_general3A_129 {dimension_numbers = #tpu.dot_dimension_numbers<[1], [0], [0], [1], [0, 0, 1, 1], [], []>, precision = #tpu.contract_precision<fp32>, transpose_lhs_hint = false} : vector<632x128xf32>, vector<128x128xf32>, vector<632x128xf32> -> vector<632x128xf32>
    %add3A_131 = arith.addf %dot_general3A_123, %dot_general3A_130 : vector<632x128xf32>
    %get3A_132 = arith.constant 0 : index
    %get3A_133 = arith.constant 0 : index
    %get3A_134 = vector.load %arg5[%get3A_132, %get3A_133] : memref<1x128xf32, #tpu.memory_space<vmem>>, vector<1x128xf32>
    %add3A_135 = vector.broadcast %get3A_134 : vector<1x128xf32> to vector<632x128xf32>
    %add3A_136 = arith.addf %add3A_131, %add3A_135 : vector<632x128xf32>
    %max3A_137 = arith.constant 0.000000e+00 : f32
    %max3A_138 = vector.broadcast %max3A_137 : f32 to vector<632x128xf32>
    %max3A_139 = arith.maximumf %add3A_136, %max3A_138 : vector<632x128xf32>
    %get3A_140 = arith.constant 0 : index
    %get3A_141 = arith.constant 0 : index
    %get3A_142 = vector.load %arg6[%get3A_140, %get3A_141] : memref<1x128xf32, #tpu.memory_space<vmem>>, vector<1x128xf32>
    %mul3A_143 = vector.broadcast %get3A_142 : vector<1x128xf32> to vector<632x128xf32>
    %mul3A_144 = arith.mulf %max3A_139, %mul3A_143 : vector<632x128xf32>
    %gt3A = arith.constant 0.000000e+00 : f32
    %gt3A_145 = vector.broadcast %gt3A : f32 to vector<632x128xf32>
    %gt3A_146 = arith.cmpf ogt, %mul3A_144, %gt3A_145 : vector<632x128xf32>
    %exp3A = math.exp %mul3A_144 : vector<632x128xf32>
    %sub3A = arith.constant 1.000000e+00 : f32
    %sub3A_147 = vector.broadcast %sub3A : f32 to vector<632x128xf32>
    %sub3A_148 = arith.subf %exp3A, %sub3A_147 : vector<632x128xf32>
    %select_n3A = arith.select %gt3A_146, %mul3A_144, %sub3A_148 : vector<632x128xi1>, vector<632x128xf32>
    %swap3A = arith.constant 0 : index
    %swap3A_149 = arith.constant 0 : index
    %swap3A_150 = vector.load %arg7[%swap3A, %swap3A_149] : memref<632x128xf32, #tpu.memory_space<vmem>>, vector<632x128xf32>
    tpu.vector_store %arg7[%swap3A, %swap3A_149], %select_n3A {strides = array<i32>} : memref<632x128xf32, #tpu.memory_space<vmem>>, vector<632x128xf32>,
    return
  }
  func.func @transform_0(%arg0: i32) -> (i32, i32) {
    %c0_i32 = arith.constant 0 : i32
    %c0_i32_0 = arith.constant 0 : i32
    %c0_i32_1 = arith.constant 0 : i32
    return %c0_i32, %c0_i32_0 : i32, i32
  }
  func.func @transform_1(%arg0: i32) -> (i32, i32, i32) {
    %c0_i32 = arith.constant 0 : i32
    %c0_i32_0 = arith.constant 0 : i32
    %c0_i32_1 = arith.constant 0 : i32
    return %c0_i32, %arg0, %c0_i32_0 : i32, i32, i32
  }
  func.func @transform_2(%arg0: i32) -> (i32, i32, i32) {
    %c0_i32 = arith.constant 0 : i32
    %c0_i32_0 = arith.constant 0 : i32
    %c0_i32_1 = arith.constant 0 : i32
    return %c0_i32, %arg0, %c0_i32_0 : i32, i32, i32
  }
  func.func @transform_3(%arg0: i32) -> (i32, i32, i32) {
    %c0_i32 = arith.constant 0 : i32
    %c0_i32_0 = arith.constant 0 : i32
    %c0_i32_1 = arith.constant 0 : i32
    %c0_i32_2 = arith.constant 0 : i32
    return %c0_i32, %c0_i32_0, %c0_i32_1 : i32, i32, i32
  }
  func.func @transform_4(%arg0: i32) -> (i32, i32) {
    %c0_i32 = arith.constant 0 : i32
    %c0_i32_0 = arith.constant 0 : i32
    %c0_i32_1 = arith.constant 0 : i32
    return %c0_i32, %c0_i32_0 : i32, i32
  }
  func.func @transform_5(%arg0: i32) -> (i32, i32) {
    %c0_i32 = arith.constant 0 : i32
    %c0_i32_0 = arith.constant 0 : i32
    %c0_i32_1 = arith.constant 0 : i32
    return %c0_i32, %c0_i32_0 : i32, i32
  }
  func.func @transform_6(%arg0: i32) -> (i32, i32) {
    %c0_i32 = arith.constant 0 : i32
    %c0_i32_0 = arith.constant 0 : i32
    return %arg0, %c0_i32 : i32, i32
  }
}

module attributes {stable_mosaic.version = 14 : i64} {
  func.func @_sum_partials_body(%arg0: i32, %arg1: memref<2x632x128xf32, #tpu.memory_space<vmem>>, %arg2: memref<632x128xf32, #tpu.memory_space<vmem>>) attributes {dimension_semantics = [#tpu.dimension_semantics<arbitrary>], iteration_bounds = array<i64: 16>, scalar_prefetch = 0 : i64, scratch_operands = 0 : i64, tpu.core_type = #tpu.core_type<tc>, window_params = [{transform_indices = @transform_0, window_bounds = array<i64: 2, 632, 128>}, {transform_indices = @transform_1, window_bounds = array<i64: 632, 128>}]} {
    %get3A = arith.constant 0 : index
    %get3A_0 = arith.constant 0 : index
    %get3A_1 = arith.constant 0 : index
    %get3A_2 = vector.load %arg1[%get3A, %get3A_0, %get3A_1] : memref<2x632x128xf32, #tpu.memory_space<vmem>>, vector<1x632x128xf32>
    %get3A_3 = vector.shape_cast %get3A_2 : vector<1x632x128xf32> to vector<632x128xf32>
    %get3A_4 = arith.constant 1 : index
    %get3A_5 = arith.constant 0 : index
    %get3A_6 = arith.constant 0 : index
    %get3A_7 = vector.load %arg1[%get3A_4, %get3A_5, %get3A_6] : memref<2x632x128xf32, #tpu.memory_space<vmem>>, vector<1x632x128xf32>
    %get3A_8 = vector.shape_cast %get3A_7 : vector<1x632x128xf32> to vector<632x128xf32>
    %add3A = arith.addf %get3A_3, %get3A_8 : vector<632x128xf32>
    %swap3A = arith.constant 0 : index
    %swap3A_9 = arith.constant 0 : index
    %swap3A_10 = vector.load %arg2[%swap3A, %swap3A_9] : memref<632x128xf32, #tpu.memory_space<vmem>>, vector<632x128xf32>
    tpu.vector_store %arg2[%swap3A, %swap3A_9], %add3A {strides = array<i32>} : memref<632x128xf32, #tpu.memory_space<vmem>>, vector<632x128xf32>,
    return
  }
  func.func @transform_0(%arg0: i32) -> (i32, i32, i32) {
    %c0_i32 = arith.constant 0 : i32
    %c0_i32_0 = arith.constant 0 : i32
    %c0_i32_1 = arith.constant 0 : i32
    return %c0_i32, %arg0, %c0_i32_0 : i32, i32, i32
  }
  func.func @transform_1(%arg0: i32) -> (i32, i32) {
    %c0_i32 = arith.constant 0 : i32
    %c0_i32_0 = arith.constant 0 : i32
    return %arg0, %c0_i32 : i32, i32
  }
}

</mosaic_0001>

<sc_bundles>
// kernel: kernel.10.cloned.1.call-start
scs
__scs_entry_jumppad:
0x0: {  	(pc) =	sbr.rel $0x88, $3  }
0x1: {  	(tag) =	ssettag $0x0;
	lr =	simm.s32 $0x1  }
0x2: {  	[smem:$0x3F96] =	sst lr;
	_ =	strace $0xD0000000  }
0x3: {  	_ = 	snop  }
0x4: {  	_ = 	snop  }
0x5: {  	_ = 	snop  }
0x6: {  	_ = 	snop  }
0x7: {  	_ = 	snop  }
__scs_overlays_trampoline_lowered:
0x8: {  	[smem:$0x3FA5] =	sst s0  }
0x9: {  	[smem:$0x3FA6] =	sst s1  }
0xa: {  	[smem:$0x3FA7] =	sst s2  }
0xb: {  	[smem:$0x3FA8] =	sst s3  }
0xc: {  	[smem:$0x3FA9] =	sst s4  }
0xd: {  	[smem:$0x3FAA] =	sst s5  }
0xe: {  	[smem:$0x3FAB] =	sst s6  }
0xf: {  	[smem:$0x3FAC] =	sst s7  }
0x10: {  	[smem:$0x3FAD] =	sst s8  }
0x11: {  	[smem:$0x3FAE] =	sst s9;
	s0 =	simm.s32 @!p0 $0x0  }
0x12: {  	s1 =	sld [smem:$0x3F94];
	s0 =	simm.s32 @p0 $0x1  }
0x13: {  	[smem:$0x3FAF] =	sst s0;
	s0 =	simm.s32 @!p1 $0x0  }
0x14: {  	s2 =	sld [smem:$0x3F93];
	s0 =	simm.s32 @p1 $0x1  }
0x15: {  	[smem:$0x3FB0] =	sst s0;
	s0 =	simm.s32 @!p2 $0x0  }
0x16: {  	s3 =	sld [smem:$0x3FDB];
	s0 =	simm.s32 @p2 $0x1  }
0x17: {  	s4 =	simm.s32 $0x1BF5;
	[smem:$0x3FB2] =	sst s0  }
0x18: {  	s0 =	sld [smem:$0x3F95];
	_ =	swait.ge [sflag:s4], $0x0  }
0x19: {  	s7 =	sld [smem:$0x3F96]  }
0x1a: {  	s8 =	sadd.s32 $0xFFFFE003, lr  }
0x1b: {  	s9 =	sadd.s32 $0xFFFFFEF7, lr;
	s5 =	simm.s32 $0xFFFFFFFF;
	p2 =	slt.u32 s8, $0xFFFFF086  }
0x1c: {  	p1 =	slt.u32 s9, $0xF7A;
	s5 =	simm.s32 @!p2 $0x0  }
0x1d: {  	s5 =	simm.s32 @p1 $0x1;
	p0 =	seq.s32 s7, s2  }
0x1e: {  	s7 =	smul.u32 @!p0 $0xF7A, s2;
	p2 =	seq.s32 @!p0 s5, $0x0  }
0x1f: {  	s9 =	smul.u32 $0xF7A, s1;
	s8 =	simm.s32 @!p0 $0x1BF5;
	p2 =	por !p2, p0  }
0x20: {  	[sflag:s8] =	ssyncset.s32 @!p0 $0xFFFFF086;
	s6 =	sadd.s32 @!p0 s3, s7;
	s7 =	simm.s32 @!p0 $0x108  }
0x21: {  	s3 =	sadd.s32 s3, s9;
	s6 =	sadd.s32 @!p0 $0x88, s6;
	s7 =	simm.s32 @p2 $0x1082  }
0x22: {  	[simem:s7], [sflag:s8] =	dma.local @!p0 [hbm:s6], $0xF7A  }
0x23: {  	s9 =	sor.u32 $0xD0000000, s2;
	s6 =	simm.s32 $0x108;
	_ =	swait.ge @!p0 [sflag:s8], $0x0  }
0x24: {  	s3 =	sadd.s32 $0x88, s3;
	s6 =	simm.s32 @!p1 $0x1082;
	[sflag:s4] =	ssyncset.s32 $0xFFFFF086  }
0x25: {  	[simem:s6], [sflag:s4] =	dma.local [hbm:s3], $0xF7A  }
0x26: {  	[smem:$0x3F96] =	sst s1;
	(tag) =	ssettag s2;
	_ =	strace s9  }
0x27: {  	s1 =	sld [smem:$0x3FA6]  }
0x28: {  	s2 =	sld [smem:$0x3FA7]  }
0x29: {  	s4 =	sld [smem:$0x3FA9]  }
0x2a: {  	p0 =	seq.s32 s5, $0x0;
	s5 =	sld [smem:$0x3FAA]  }
0x2b: {  	s6 =	sld [smem:$0x3FAB]  }
0x2c: {  	s7 =	sld [smem:$0x3FAC]  }
0x2d: {  	s3 =	simm.s32 $0x108;
	s8 =	sld [smem:$0x3FAD]  }
0x2e: {  	s3 =	simm.s32 @!p0 $0x1082;
	s9 =	sld [smem:$0x3FAE]  }
0x2f: {  	lr =	sadd.s32 s0, s3;
	s0 =	sld [smem:$0x3FA5]  }
0x30: {  	s3 =	sld [smem:$0x3FA8]  }
0x31: {  	[smem:$0x3FB1] =	sst s10  }
0x32: {  	s10 =	sld [smem:$0x3FAF];
	_ =	sdelay $0x3  }
0x33: {  	p0 =	seq.s32 s10, $0x1;
	s10 =	sld [smem:$0x3FB1];
	_ =	sdelay $0x3  }
0x34: {  	[smem:$0x3FB1] =	sst s10  }
0x35: {  	s10 =	sld [smem:$0x3FB0];
	_ =	sdelay $0x3  }
0x36: {  	p1 =	seq.s32 s10, $0x1;
	s10 =	sld [smem:$0x3FB1];
	_ =	sdelay $0x3  }
0x37: {  	[smem:$0x3FB1] =	sst s10  }
0x38: {  	s10 =	sld [smem:$0x3FB2]  }
0x39: {  	_ = 	snop;
	(pc) =	sbr.ind lr, $3  }
0x3a: {  	_ = 	snop  }
0x3b: {  	_ = 	snop  }
0x3c: {  	p2 =	seq.s32 s10, $0x1;
	s10 =	sld [smem:$0x3FB1]  }
0x3d: {  	_ =	shalt  }
0x3e: {  	_ =	shalt  }
0x3f: {  	_ =	shalt  }
0x40: {  	_ =	shalt  }
0x41: {  	_ =	shalt  }
0x42: {  	_ =	shalt  }
0x43: {  	_ =	shalt  }
0x44: {  	_ =	shalt  }
0x45: {  	_ =	shalt  }
0x46: {  	_ =	shalt  }
0x47: {  	_ =	shalt  }
0x48: {  	_ =	shalt  }
0x49: {  	_ =	shalt  }
0x4a: {  	_ =	shalt  }
0x4b: {  	_ =	shalt  }
0x4c: {  	_ =	shalt  }
0x4d: {  	_ =	shalt  }
0x4e: {  	_ =	shalt  }
0x4f: {  	_ =	shalt  }
0x50: {  	_ =	shalt  }
0x51: {  	_ =	shalt  }
0x52: {  	_ =	shalt  }
0x53: {  	_ =	shalt  }
0x54: {  	_ =	shalt  }
0x55: {  	_ =	shalt  }
0x56: {  	_ =	shalt  }
0x57: {  	_ =	shalt  }
0x58: {  	_ =	shalt  }
0x59: {  	_ =	shalt  }
0x5a: {  	_ =	shalt  }
0x5b: {  	_ =	shalt  }
0x5c: {  	_ =	shalt  }
0x5d: {  	_ =	shalt  }
0x5e: {  	_ =	shalt  }
0x5f: {  	_ =	shalt  }
0x60: {  	_ =	shalt  }
0x61: {  	_ =	shalt  }
0x62: {  	_ =	shalt  }
0x63: {  	_ =	shalt  }
0x64: {  	_ =	shalt  }
0x65: {  	_ =	shalt  }
0x66: {  	_ =	shalt  }
0x67: {  	_ =	shalt  }
0x68: {  	_ =	shalt  }
0x69: {  	_ =	shalt  }
0x6a: {  	_ =	shalt  }
0x6b: {  	_ =	shalt  }
0x6c: {  	_ =	shalt  }
0x6d: {  	_ =	shalt  }
0x6e: {  	_ =	shalt  }
0x6f: {  	_ =	shalt  }
0x70: {  	_ =	shalt  }
0x71: {  	_ =	shalt  }
0x72: {  	_ =	shalt  }
0x73: {  	_ =	shalt  }
0x74: {  	_ =	shalt  }
0x75: {  	_ =	shalt  }
0x76: {  	_ =	shalt  }
0x77: {  	_ =	shalt  }
0x78: {  	_ =	shalt  }
0x79: {  	_ =	shalt  }
0x7a: {  	_ =	shalt  }
0x7b: {  	_ =	shalt  }
0x7c: {  	_ =	shalt  }
0x7d: {  	_ =	shalt  }
0x7e: {  	_ =	shalt  }
0x7f: {  	_ =	shalt  }
0x80: {  	_ =	shalt  }
0x81: {  	_ =	shalt  }
0x82: {  	_ =	shalt  }
0x83: {  	_ =	shalt  }
0x84: {  	_ =	shalt  }
0x85: {  	_ =	shalt  }
0x86: {  	_ =	shalt  }
0x87: {  	_ =	shalt  }
.Lfunc_end0:
.L_simem_size_0:
called_computation_lowered:
.L_overlay_start_0:
0x88: {  	s2 =	sld [smem:$0x3FD9]  }
0x89: {  	s3 =	sld [smem:$0x3FFE];
	_ =	sdelay $0x1  }
0x8a: {  	s1 =	srdreg.scid  }
0x8b: {  	s0 =	sand.u32 $0x1, s1  }
0x8c: {  	s17 =	sshll.u32 s0, $0xA;
	s2 =	sadd.s32 s3, s2  }
0x8d: {  	s2 =	sadd.s32 s2, s17  }
0x8e: {  	[smem:$0x3FBD] =	sst s2  }
0x8f: {  	_ = 	snop  }
0x90: {  	(tm) =	ssettm $0x1  }
0x91: {  	s18 =	sld [smem:$0x3FFB];
	_ =	sdelay $0x3  }
0x92: {  	_ =	strace s18  }
0x93: {  	s2 =	sld [smem:$0x3FFC];
	_ =	sdelay $0x3  }
0x94: {  	_ =	strace s2  }
0x95: {  	s2 =	sld [smem:$0x3FFD];
	_ =	sdelay $0x3  }
0x96: {  	_ =	strace s2  }
0x97: {  	_ =	strace $0x8FFFFFFF  }
0x98: {  	s19 =	sld [smem:$0x3FDB];
	_ =	sdelay $0x1  }
0x99: {  	s20 =	simm.s32 $_scs_section_size  }
0x9a: {  	s4 =	simm.s32 $_size__tile_overlayer_lowered;
	s5 =	simm.s32 $_tile_overlayer_lowered  }
0x9b: {  	s6 =	simm.s32 $0x1BFF;
	s21 =	sshll.u32 s5, $0x1;
	s3 =	sadd.s32 s20, s19  }
0x9c: {  	s22 =	simm.s32 $0x0;
	s4 =	sshll.u32 s4, $0x1;
	s5 =	sadd.s32 s21, s3  }
0x9d: {  	[timem:s22], [sflag:s6] =	dma.local [hbm:s5], s4  }
0x9e: {  	_ =	swait.ge [sflag:s6], s4  }
0x9f: {  	s4 =	ssub.s32 $0x0, s4;
	[sflag:s6] =	ssyncset.done $0x0  }
0xa0: {  	[sflag:s6] =	ssyncadd.s32 s4;
	_ =	sdelay $0x1  }
0xa1: {  	s23 =	simm.s32 $0x1B8B  }
0xa2: {  	_ =	swait.ge [sflag:s23], $0x1  }
0xa3: {  	[sflag:s23] =	ssyncset.done $0x0  }
0xa4: {  	[sflag:s23] =	ssyncadd.s32 $0xFFFFFFFF  }
0xa5: {  	s4 =	sld [smem:$0x0]  }
0xa6: {  	s5 =	sand.u32 $0xFFFFFFFE, s1  }
0xa7: {  	p0 =	sne.s32 s1, s5  }
0xa8: {  	s5 =	sshll.u32 @p0 s5, $0xE  }
0xa9: {  	s5 =	sadd.s32 @p0 $0x11B8D, s5;
	s6 =	sshll.u32 @p0 s4, $0x11  }
0xaa: {  	s5 =	sor.u32 @p0 s6, s5  }
0xab: {  	[sflag:s5] =	ssyncadd.remote.s32 @p0 $0x1;
	_ =	sdelay $0x1  }
0xac: {  	s5 =	simm.s32 @p0 $0x1B8D  }
0xad: {  	_ =	swait.eq @p0 [sflag:s5], $0x1  }
0xae: {  	[sflag:s5] =	ssyncadd.s32 @p0 $0xFFFFFFFF  }
0xaf: {  	s6 =	sshll.u32 @!p0 s1, $0xE  }
0xb0: {  	s6 =	sor.u32 @!p0 $0x4000, s6;
	s5 =	simm.s32 @!p0 $0x1B8D  }
0xb1: {  	s4 =	sshll.u32 @!p0 s4, $0x11;
	s6 =	sadd.s32 @!p0 $0x11B8D, s6;
	_ =	swait.eq @!p0 [sflag:s5], $0x1  }
0xb2: {  	s4 =	sor.u32 @!p0 s4, s6;
	[sflag:s5] =	ssyncadd.s32 @!p0 $0xFFFFFFFF  }
0xb3: {  	s25 =	simm.s32 $0x1B8E;
	s24 =	sld [smem:$0x3FFE];
	[sflag:s4] =	ssyncadd.remote.s32 @!p0 $0x1  }
0xb4: {  	s26 =	simm.s32 $execute0_lowered;
	[smem:$0x3FD2] =	sst s25  }
0xb5: {  	s5 =	sshll.u32 s26, $0x1;
	_ =	strace $0x80000049;
	[dreg:$0x1] =	wrdreg $0xFFFFFFFF  }
0xb6: {  	s28 =	simm.s32 $_size_execute0_lowered;
	s3 =	sadd.s32 s3, s5;
	[dreg:$0x0] =	wrdreg $0x0  }
0xb7: {  	s5 =	sshll.u32 s28, $0x1;
	[dreg:$0x2] =	wrdreg s3  }
0xb8: {  	[dreg:$0x3] =	wrdreg s5  }
0xb9: {  	[dreg:$0x4] =	wrdreg $0xC0  }
0xba: {  	_ =	task [dreg:s22], $0x5FFFF  }
0xbb: {  	[dreg:$0x1] =	wrdreg $0xFFFFFFFF  }
0xbc: {  	[dreg:$0x0] =	wrdreg $0x60  }
0xbd: {  	[dreg:$0x2] =	wrdreg s24  }
0xbe: {  	[dreg:$0x3] =	wrdreg $0x54000  }
0xbf: {  	[dreg:$0x4] =	wrdreg $0x9  }
0xc0: {  	_ =	task.clear_ibuf [dreg:s22], $0x5FFFF;
	_ =	strace $0x90000049  }
0xc1: {  	s29 =	simm.s32 $0x9;
	_ =	strace $0x8000004B  }
0xc2: {  	_ =	swait.ge [sflag:s29], $0x1  }
0xc3: {  	[sflag:s29] =	ssyncadd.s32 $0xFFFFFFFF  }
0xc4: {  	_ =	strace $0x9000004B  }
0xc5: {  	_ =	sfence  }
0xc6: {  	s30 =	sld [smem:$0x0];
	_ =	sdelay $0x2  }
0xc7: {  	s31 =	sshll.u32 s1, $0xD;
	s1 =	sshrl.u32 s1, $0x2  }
0xc8: {  	s4 =	sand.u32 $0x4000, s31;
	s1 =	sadd.s32 s1, s30  }
0xc9: {  	s0 =	sor.u32 s4, s0;
	s1 =	sshll.u32 s1, $0x11  }
0xca: {  	s0 =	sor.u32 s1, s0  }
0xcb: {  	s0 =	sadd.s32 $0x8F2B, s0  }
0xcc: {  	[sflag:s0] =	ssyncadd.remote.s32 $0x1  }
0xcd: {  	_ =	sfence.sel $0xFFFF  }
0xce: {  	[dreg:$0x0] =	wrdreg $0xFFFFFFFF;
	(pc) =	sbr.abs _section_cstart, $3  }
0xcf: {  	[dreg:$0x1] =	wrdreg $0xFFFFFFFF  }
0xd0: {  	_ =	task.clear_ibuf [dreg:s22], $0x2FFFF;
	_ =	strace $0x9FFFFFFF  }
0xd1: {  	(tm) =	ssettm $0x7FFFFFFF  }
tec
execute0_lowered:
.L_overlay_start_1:
0x0: {  	(tag) =	ssettag $0x1  }
0x1: {  	s6 =	rddreg [dreg:$0x0]  }
0x2: {  	s2 =	rddreg [dreg:$0x1]  }
0x3: {  	s0 =	rddreg [dreg:$0x2]  }
0x4: {  	s3 =	simm.s32 $0x0;
	s1 =	stileid.u32;
	s4 =	srdreg.scid  }
0x5: {  	[smem:$0x7FF] =	sst s3;
	s7 =	smul.u32 $0x4F000, s1  }
0x6: {  	s8 =	sand.u32 $0x1, s4;
	s9 =	smul.u32 $0x1400, s1;
	s10 =	sadd.s32 $0x2A00, s6  }
0x7: {  	s4 =	sadd.s32 $0x16A00, s6;
	s5 =	sadd.s32 $0xB7200, s6;
	s13 =	smul.u32 $0x13C00, s1  }
0x8: {  	s12 =	sadd.s32 $0xB7A00, s6;
	s31 =	sshll.u32 s1, $0x6;
	s11 =	smul.u32 $0x28000, s8  }
0x9: {  	s28 =	ssub.s32 $0x2, s8;
	s14 =	smul.u32 $0x278000, s8;
	s8 =	sshllo.u32 s8, $0x1  }
0xa: {  	_ =	strace $0x8000004A;
	s15 =	sshrl.u32 s28, $0x1;
	s16 =	smul.u32 $0x14000, s8  }
0xb: {  	s7 =	sshrl.u32 s7, $0x2;
	s8 =	smul.u32 $0x13C000, s8;
	s11 =	sadd.s32 s9, s11  }
0xc: {  	s15 =	ssub.s32 s28, s15;
	s17 =	sadd.s32 s7, s2;
	s29 =	sadd.s32 s13, s14  }
0xd: {  	s11 =	sshrl.u32 s11, $0x3;
	s9 =	sadd.s32 s9, s16;
	s8 =	sadd.s32 s13, s8  }
0xe: {  	s7 =	sshrl.u32 s29, $0x3;
	s13 =	sor.u32 $0x1C02, s31;
	s14 =	sshrl.u32 s17, $0x3  }
0xf: {  	s16 =	simm.s32 $0x1;
	s17 =	simm.s32 $0x0;
	s6 =	sadd.s32 s10, s11  }
0x10: {  	s9 =	sshrl.u32 s9, $0x3;
	s30 =	sshrl.u32 s8, $0x3;
	s7 =	sadd.s32 s12, s7  }
0x11: {  	s11 =	simm.s32 $0x1400;
	s8 =	sadd.s32 s10, s9;
	s9 =	sadd.s32 s12, s30  }
0x12: {  	s10 =	smax.u32 s15, $0x1;
	s12 =	simm.s32 $0x2;
	s15 =	simm.s32 $0x80  }
.LBB2_1:
0x13: {  	[tilespmem:s11], [sflag:$0x2] =	stream.linear.gather [hbm4b:s5+s3], $0x4000, $0x38;
	[tilespmem:$0x19000] =	vst v63  }
0x14: {  	_ =	swait.ge [sflag:s12], $0x4000  }
0x15: {  	[sflag:s12] =	ssyncset.done $0x0  }
0x16: {  	[sflag:s12] =	ssyncadd.s32 $0xFFFFC000  }
0x17: {  	[spmem:s14], [sflag:s13] =	dma.local [hbm:s4], $0x2780  }
0x18: {  	_ =	swait.ge [sflag:s12], $0x2780  }
0x19: {  	[sflag:s12] =	ssyncset.done $0x0  }
0x1a: {  	[sflag:s12] =	ssyncadd.s32 $0xFFFFD880  }
0x1b: {  	[bflag:$0x0] =	sbarrier.arrive $0xFFFF  }
0x1c: {  	[tilespmem:s3], [sflag:$0x2] =	stream.linear.gather [hbm4b:s6+s3], $0x1400, $0x38;
	[tilespmem:$0x19000] =	vst v63  }
0x1d: {  	_ =	swait.ge [sflag:s12], $0x1400  }
0x1e: {  	[sflag:s12] =	ssyncset.done $0x0  }
0x1f: {  	[sflag:s12] =	ssyncadd.s32 $0xFFFFEC00  }
0x20: {  	[spmem:s2] =	stream.indirect.scatter.add.f32 [tilespmem:s11], [sflag:$0x1], $0x80, s3, s15, $0xb8;
	[tilespmem:$0x19000] =	vst v63  }
0x21: {  	_ =	swait.ge [sflag:s16], $0x4000  }
0x22: {  	[sflag:s16] =	ssyncset.done $0x0  }
0x23: {  	s18 =	simm.s32 $0x400;
	s19 =	simm.s32 $0x80;
	[sflag:s16] =	ssyncadd.s32 $0xFFFFC000  }
.LBB2_2:
0x24: {  	[spmem:s2] =	stream.indirect.scatter.add.f32 [tilespmem:s11], [sflag:$0x1], $0x80, s19, s15, $0xb8;
	[tilespmem:$0x19000] =	vst v63  }
0x25: {  	s19 =	smov.u32 s18;
	p0 =	sne.s32 s18, $0x4E00  }
.Ltmp0:
0x26: {  	s18 =	sadd.s32 $0x200, s18;
	(pc) =	sbr.rel @p0 .LBB2_2-.Ltmp0, $4  }
0x27: {  	_ = 	snop  }
0x28: {  	_ =	swait.ge [sflag:s16], $0x4000  }
0x29: {  	[sflag:s16] =	ssyncset.done $0x0  }
0x2a: {  	s19 =	sshra.s32 s19, $0x2;
	[sflag:s16] =	ssyncadd.s32 $0xFFFFC000  }
0x2b: {  	[spmem:s2] =	stream.indirect.scatter.add.f32 [tilespmem:s11], [sflag:$0x1], $0x80, s19, s15, $0xb8;
	[tilespmem:$0x19000] =	vst v63  }
0x2c: {  	_ =	swait.ge [sflag:s16], $0x4000  }
0x2d: {  	[sflag:s16] =	ssyncset.done $0x0  }
0x2e: {  	[sflag:s16] =	ssyncadd.s32 $0xFFFFC000  }
0x2f: {  	[bflag:$0x0] =	sbarrier.arrive $0xFFFF  }
0x30: {  	[hbm:s7], [sflag:s13] =	dma.local [spmem:s14], $0x2780  }
0x31: {  	_ =	swait.ge [sflag:s12], $0x2780  }
0x32: {  	[sflag:s12] =	ssyncset.done $0x0  }
0x33: {  	[sflag:s12] =	ssyncadd.s32 $0xFFFFD880  }
0x34: {  	[bflag:$0x0] =	sbarrier.arrive $0xFFFF  }
0x35: {  	[spmem:s14], [sflag:s13] =	dma.local [hbm:s4], $0x2780  }
0x36: {  	_ =	swait.ge [sflag:s12], $0x2780  }
0x37: {  	[sflag:s12] =	ssyncset.done $0x0  }
0x38: {  	[sflag:s12] =	ssyncadd.s32 $0xFFFFD880  }
0x39: {  	[bflag:$0x0] =	sbarrier.arrive $0xFFFF  }
0x3a: {  	[tilespmem:s3], [sflag:$0x2] =	stream.linear.gather [hbm4b:s8+s3], $0x1400, $0x38;
	[tilespmem:$0x19000] =	vst v63  }
0x3b: {  	_ =	swait.ge [sflag:s12], $0x1400  }
0x3c: {  	[sflag:s12] =	ssyncset.done $0x0  }
0x3d: {  	[sflag:s12] =	ssyncadd.s32 $0xFFFFEC00  }
0x3e: {  	[spmem:s2] =	stream.indirect.scatter.add.f32 [tilespmem:s11], [sflag:$0x1], $0x80, s3, s15, $0xb8;
	[tilespmem:$0x19000] =	vst v63  }
0x3f: {  	_ =	swait.ge [sflag:s16], $0x4000  }
0x40: {  	[sflag:s16] =	ssyncset.done $0x0  }
0x41: {  	s18 =	simm.s32 $0x400;
	s19 =	simm.s32 $0x80;
	[sflag:s16] =	ssyncadd.s32 $0xFFFFC000  }
.LBB2_4:
0x42: {  	[spmem:s2] =	stream.indirect.scatter.add.f32 [tilespmem:s11], [sflag:$0x1], $0x80, s19, s15, $0xb8;
	[tilespmem:$0x19000] =	vst v63  }
0x43: {  	s19 =	smov.u32 s18;
	p0 =	sne.s32 s18, $0x4E00  }
.Ltmp1:
0x44: {  	s18 =	sadd.s32 $0x200, s18;
	(pc) =	sbr.rel @p0 .LBB2_4-.Ltmp1, $4  }
0x45: {  	_ = 	snop  }
0x46: {  	_ =	swait.ge [sflag:s16], $0x4000  }
0x47: {  	[sflag:s16] =	ssyncset.done $0x0  }
0x48: {  	s19 =	sshra.s32 s19, $0x2;
	[sflag:s16] =	ssyncadd.s32 $0xFFFFC000  }
0x49: {  	[spmem:s2] =	stream.indirect.scatter.add.f32 [tilespmem:s11], [sflag:$0x1], $0x80, s19, s15, $0xb8;
	[tilespmem:$0x19000] =	vst v63  }
0x4a: {  	_ =	swait.ge [sflag:s16], $0x4000  }
0x4b: {  	[sflag:s16] =	ssyncset.done $0x0  }
0x4c: {  	s17 =	sadd.s32 $0x1, s17;
	[sflag:s16] =	ssyncadd.s32 $0xFFFFC000  }
0x4d: {  	p0 =	sne.s32 s17, s10;
	[bflag:$0x0] =	sbarrier.arrive $0xFFFF  }
0x4e: {  	[hbm:s9], [sflag:s13] =	dma.local [spmem:s14], $0x2780  }
.Ltmp2:
0x4f: {  	_ =	swait.ge [sflag:s12], $0x2780;
	(pc) =	sbr.rel @p0 .LBB2_1-.Ltmp2, $3  }
0x50: {  	[sflag:s12] =	ssyncset.done $0x0  }
0x51: {  	[sflag:s12] =	ssyncadd.s32 $0xFFFFD880  }
0x52: {  	[bflag:$0x0] =	sbarrier.arrive $0xFFFF;
	_ =	sdelay $0x1  }
0x53: {  	_ =	sfence.sel $0x180000  }
0x54: {  	[bflag:$0x0] =	sbarrier.arrive $0xFFFF  }
0x55: {  	p0 =	sne.s32 s1, $0x0;
	_ =	strace $0x9000004A  }
0x56: {  	s0 =	sadd.s32 @!p0 $0x100000, s0;
	[bflag:$0x2] =	sbarrier.arrive $0xFFFF  }
0x57: {  	[sflag:s0] =	ssyncadd.tile.s32 @!p0 $0x1;
	_ =	shalt  }
.Lfunc_end2:
_tile_overlayer_lowered:
.L_overlay_start_2:
0x58: {  	(tag) =	ssettag $0x2  }
0x59: {  	s0 =	rddreg [dreg:$0x0];
	s2 =	stileid.u32  }
0x5a: {  	s1 =	rddreg [dreg:$0x1];
	p0 =	sne.s32 s2, $0x0  }
0x5b: {  	s3 =	rddreg [dreg:$0x2];
	[bflag:$0x3] =	sbarrier.arrive $0xFFFF;
	s2 =	simm.s32 @!p0 $0x1C02  }
0x5c: {  	[timem:s3], [sflag:s2] =	dma.local @!p0 [hbm:s0], s1  }
0x5d: {  	s0 =	simm.s32 @!p0 $0x2  }
0x5e: {  	_ =	swait.ge @!p0 [sflag:s0], s1  }
0x5f: {  	s1 =	ssub.s32 @!p0 $0x0, s1;
	[sflag:s0] =	ssyncset.done @!p0 $0x0  }
0x60: {  	[sflag:s0] =	ssyncadd.s32 @!p0 s1  }
0x61: {  	[bflag:$0x3] =	sbarrier.arrive $0xFFFF  }
0x62: {  	_ =	shalt  }

// kernel: kernel.13.cloned.1.call-start
scs
__scs_entry_jumppad:
0x0: {  	(pc) =	sbr.rel $0x88, $3  }
0x1: {  	(tag) =	ssettag $0x0;
	lr =	simm.s32 $0x1  }
0x2: {  	[smem:$0x3F96] =	sst lr;
	_ =	strace $0xD0000000  }
0x3: {  	_ = 	snop  }
0x4: {  	_ = 	snop  }
0x5: {  	_ = 	snop  }
0x6: {  	_ = 	snop  }
0x7: {  	_ = 	snop  }
__scs_overlays_trampoline_lowered:
0x8: {  	[smem:$0x3FA5] =	sst s0  }
0x9: {  	[smem:$0x3FA6] =	sst s1  }
0xa: {  	[smem:$0x3FA7] =	sst s2  }
0xb: {  	[smem:$0x3FA8] =	sst s3  }
0xc: {  	[smem:$0x3FA9] =	sst s4  }
0xd: {  	[smem:$0x3FAA] =	sst s5  }
0xe: {  	[smem:$0x3FAB] =	sst s6  }
0xf: {  	[smem:$0x3FAC] =	sst s7  }
0x10: {  	[smem:$0x3FAD] =	sst s8  }
0x11: {  	[smem:$0x3FAE] =	sst s9;
	s0 =	simm.s32 @!p0 $0x0  }
0x12: {  	s1 =	sld [smem:$0x3F94];
	s0 =	simm.s32 @p0 $0x1  }
0x13: {  	[smem:$0x3FAF] =	sst s0;
	s0 =	simm.s32 @!p1 $0x0  }
0x14: {  	s2 =	sld [smem:$0x3F93];
	s0 =	simm.s32 @p1 $0x1  }
0x15: {  	[smem:$0x3FB0] =	sst s0;
	s0 =	simm.s32 @!p2 $0x0  }
0x16: {  	s3 =	sld [smem:$0x3FDB];
	s0 =	simm.s32 @p2 $0x1  }
0x17: {  	s4 =	simm.s32 $0x1BF5;
	[smem:$0x3FB2] =	sst s0  }
0x18: {  	s0 =	sld [smem:$0x3F95];
	_ =	swait.ge [sflag:s4], $0x0  }
0x19: {  	s7 =	sld [smem:$0x3F96]  }
0x1a: {  	s8 =	sadd.s32 $0xFFFFE003, lr  }
0x1b: {  	s9 =	sadd.s32 $0xFFFFFEF7, lr;
	s5 =	simm.s32 $0xFFFFFFFF;
	p2 =	slt.u32 s8, $0xFFFFF086  }
0x1c: {  	p1 =	slt.u32 s9, $0xF7A;
	s5 =	simm.s32 @!p2 $0x0  }
0x1d: {  	s5 =	simm.s32 @p1 $0x1;
	p0 =	seq.s32 s7, s2  }
0x1e: {  	s7 =	smul.u32 @!p0 $0xF7A, s2;
	p2 =	seq.s32 @!p0 s5, $0x0  }
0x1f: {  	s9 =	smul.u32 $0xF7A, s1;
	s8 =	simm.s32 @!p0 $0x1BF5;
	p2 =	por !p2, p0  }
0x20: {  	[sflag:s8] =	ssyncset.s32 @!p0 $0xFFFFF086;
	s6 =	sadd.s32 @!p0 s3, s7;
	s7 =	simm.s32 @!p0 $0x108  }
0x21: {  	s3 =	sadd.s32 s3, s9;
	s6 =	sadd.s32 @!p0 $0x88, s6;
	s7 =	simm.s32 @p2 $0x1082  }
0x22: {  	[simem:s7], [sflag:s8] =	dma.local @!p0 [hbm:s6], $0xF7A  }
0x23: {  	s9 =	sor.u32 $0xD0000000, s2;
	s6 =	simm.s32 $0x108;
	_ =	swait.ge @!p0 [sflag:s8], $0x0  }
0x24: {  	s3 =	sadd.s32 $0x88, s3;
	s6 =	simm.s32 @!p1 $0x1082;
	[sflag:s4] =	ssyncset.s32 $0xFFFFF086  }
0x25: {  	[simem:s6], [sflag:s4] =	dma.local [hbm:s3], $0xF7A  }
0x26: {  	[smem:$0x3F96] =	sst s1;
	(tag) =	ssettag s2;
	_ =	strace s9  }
0x27: {  	s1 =	sld [smem:$0x3FA6]  }
0x28: {  	s2 =	sld [smem:$0x3FA7]  }
0x29: {  	s4 =	sld [smem:$0x3FA9]  }
0x2a: {  	p0 =	seq.s32 s5, $0x0;
	s5 =	sld [smem:$0x3FAA]  }
0x2b: {  	s6 =	sld [smem:$0x3FAB]  }
0x2c: {  	s7 =	sld [smem:$0x3FAC]  }
0x2d: {  	s3 =	simm.s32 $0x108;
	s8 =	sld [smem:$0x3FAD]  }
0x2e: {  	s3 =	simm.s32 @!p0 $0x1082;
	s9 =	sld [smem:$0x3FAE]  }
0x2f: {  	lr =	sadd.s32 s0, s3;
	s0 =	sld [smem:$0x3FA5]  }
0x30: {  	s3 =	sld [smem:$0x3FA8]  }
0x31: {  	[smem:$0x3FB1] =	sst s10  }
0x32: {  	s10 =	sld [smem:$0x3FAF];
	_ =	sdelay $0x3  }
0x33: {  	p0 =	seq.s32 s10, $0x1;
	s10 =	sld [smem:$0x3FB1];
	_ =	sdelay $0x3  }
0x34: {  	[smem:$0x3FB1] =	sst s10  }
0x35: {  	s10 =	sld [smem:$0x3FB0];
	_ =	sdelay $0x3  }
0x36: {  	p1 =	seq.s32 s10, $0x1;
	s10 =	sld [smem:$0x3FB1];
	_ =	sdelay $0x3  }
0x37: {  	[smem:$0x3FB1] =	sst s10  }
0x38: {  	s10 =	sld [smem:$0x3FB2]  }
0x39: {  	_ = 	snop;
	(pc) =	sbr.ind lr, $3  }
0x3a: {  	_ = 	snop  }
0x3b: {  	_ = 	snop  }
0x3c: {  	p2 =	seq.s32 s10, $0x1;
	s10 =	sld [smem:$0x3FB1]  }
0x3d: {  	_ =	shalt  }
0x3e: {  	_ =	shalt  }
0x3f: {  	_ =	shalt  }
0x40: {  	_ =	shalt  }
0x41: {  	_ =	shalt  }
0x42: {  	_ =	shalt  }
0x43: {  	_ =	shalt  }
0x44: {  	_ =	shalt  }
0x45: {  	_ =	shalt  }
0x46: {  	_ =	shalt  }
0x47: {  	_ =	shalt  }
0x48: {  	_ =	shalt  }
0x49: {  	_ =	shalt  }
0x4a: {  	_ =	shalt  }
0x4b: {  	_ =	shalt  }
0x4c: {  	_ =	shalt  }
0x4d: {  	_ =	shalt  }
0x4e: {  	_ =	shalt  }
0x4f: {  	_ =	shalt  }
0x50: {  	_ =	shalt  }
0x51: {  	_ =	shalt  }
0x52: {  	_ =	shalt  }
0x53: {  	_ =	shalt  }
0x54: {  	_ =	shalt  }
0x55: {  	_ =	shalt  }
0x56: {  	_ =	shalt  }
0x57: {  	_ =	shalt  }
0x58: {  	_ =	shalt  }
0x59: {  	_ =	shalt  }
0x5a: {  	_ =	shalt  }
0x5b: {  	_ =	shalt  }
0x5c: {  	_ =	shalt  }
0x5d: {  	_ =	shalt  }
0x5e: {  	_ =	shalt  }
0x5f: {  	_ =	shalt  }
0x60: {  	_ =	shalt  }
0x61: {  	_ =	shalt  }
0x62: {  	_ =	shalt  }
0x63: {  	_ =	shalt  }
0x64: {  	_ =	shalt  }
0x65: {  	_ =	shalt  }
0x66: {  	_ =	shalt  }
0x67: {  	_ =	shalt  }
0x68: {  	_ =	shalt  }
0x69: {  	_ =	shalt  }
0x6a: {  	_ =	shalt  }
0x6b: {  	_ =	shalt  }
0x6c: {  	_ =	shalt  }
0x6d: {  	_ =	shalt  }
0x6e: {  	_ =	shalt  }
0x6f: {  	_ =	shalt  }
0x70: {  	_ =	shalt  }
0x71: {  	_ =	shalt  }
0x72: {  	_ =	shalt  }
0x73: {  	_ =	shalt  }
0x74: {  	_ =	shalt  }
0x75: {  	_ =	shalt  }
0x76: {  	_ =	shalt  }
0x77: {  	_ =	shalt  }
0x78: {  	_ =	shalt  }
0x79: {  	_ =	shalt  }
0x7a: {  	_ =	shalt  }
0x7b: {  	_ =	shalt  }
0x7c: {  	_ =	shalt  }
0x7d: {  	_ =	shalt  }
0x7e: {  	_ =	shalt  }
0x7f: {  	_ =	shalt  }
0x80: {  	_ =	shalt  }
0x81: {  	_ =	shalt  }
0x82: {  	_ =	shalt  }
0x83: {  	_ =	shalt  }
0x84: {  	_ =	shalt  }
0x85: {  	_ =	shalt  }
0x86: {  	_ =	shalt  }
0x87: {  	_ =	shalt  }
.Lfunc_end0:
.L_simem_size_0:
called_computation.1_lowered:
.L_overlay_start_0:
0x88: {  	s2 =	sld [smem:$0x3FD9]  }
0x89: {  	s3 =	sld [smem:$0x3FFE];
	_ =	sdelay $0x1  }
0x8a: {  	s1 =	srdreg.scid  }
0x8b: {  	s0 =	sand.u32 $0x1, s1  }
0x8c: {  	s17 =	sshll.u32 s0, $0xA;
	s2 =	sadd.s32 s3, s2  }
0x8d: {  	s2 =	sadd.s32 s2, s17  }
0x8e: {  	[smem:$0x3FBD] =	sst s2  }
0x8f: {  	_ = 	snop  }
0x90: {  	s2 =	sld [smem:$0x3FD0];
	(tm) =	ssettm $0x1  }
0x91: {  	s18 =	sld [smem:$0x3FFB];
	_ =	sdelay $0x3  }
0x92: {  	_ =	strace s18  }
0x93: {  	s3 =	sld [smem:$0x3FFC];
	_ =	sdelay $0x3  }
0x94: {  	_ =	strace s3  }
0x95: {  	s3 =	sld [smem:$0x3FFD];
	_ =	sdelay $0x3  }
0x96: {  	_ =	strace s3  }
0x97: {  	_ =	strace $0x8FFFFFFF  }
0x98: {  	s19 =	sld [smem:$0x3FDB];
	_ =	sdelay $0x1  }
0x99: {  	s4 =	simm.s32 $_scs_section_size  }
0x9a: {  	s5 =	simm.s32 $_size__tile_overlayer_lowered;
	s6 =	simm.s32 $_tile_overlayer_lowered  }
0x9b: {  	s22 =	simm.s32 $0x1BFF;
	s21 =	sshll.u32 s6, $0x1;
	s3 =	sadd.s32 s4, s19  }
0x9c: {  	s7 =	simm.s32 $0x0;
	s20 =	sshll.u32 s5, $0x1;
	s5 =	sadd.s32 s21, s3  }
0x9d: {  	[timem:s7], [sflag:s22] =	dma.local [hbm:s5], s20  }
0x9e: {  	_ =	swait.ge [sflag:s22], s20  }
0x9f: {  	s4 =	ssub.s32 $0x0, s20;
	[sflag:s22] =	ssyncset.done $0x0  }
0xa0: {  	[sflag:s22] =	ssyncadd.s32 s4;
	_ =	sdelay $0x1  }
0xa1: {  	s23 =	simm.s32 $0x1B8B  }
0xa2: {  	_ =	swait.ge [sflag:s23], $0x1  }
0xa3: {  	[sflag:s23] =	ssyncset.done $0x0  }
0xa4: {  	s25 =	simm.s32 $0x1B8E;
	s24 =	sld [smem:$0x3FFE];
	[sflag:s23] =	ssyncadd.s32 $0xFFFFFFFF  }
0xa5: {  	s26 =	simm.s32 $execute0_lowered;
	[smem:$0x3FD2] =	sst s25  }
0xa6: {  	s5 =	sshll.u32 s26, $0x1;
	_ =	strace $0x80000046;
	[dreg:$0x1] =	wrdreg $0xFFFFFFFF  }
0xa7: {  	s28 =	simm.s32 $_size_execute0_lowered;
	s3 =	sadd.s32 s3, s5;
	[dreg:$0x0] =	wrdreg $0x0  }
0xa8: {  	s5 =	sshll.u32 s28, $0x1;
	[dreg:$0x2] =	wrdreg s3  }
0xa9: {  	[dreg:$0x3] =	wrdreg s5  }
0xaa: {  	[dreg:$0x4] =	wrdreg $0xC0  }
0xab: {  	_ =	task [dreg:s7], $0x5FFFF  }
0xac: {  	[dreg:$0x1] =	wrdreg $0xFFFFFFFF  }
0xad: {  	[dreg:$0x0] =	wrdreg $0x60  }
0xae: {  	[dreg:$0x2] =	wrdreg s24  }
0xaf: {  	[dreg:$0x3] =	wrdreg s2  }
0xb0: {  	[dreg:$0x4] =	wrdreg $0xA8000  }
0xb1: {  	[dreg:$0x5] =	wrdreg $0xA  }
0xb2: {  	_ =	task.clear_ibuf [dreg:s7], $0x6FFFF;
	_ =	strace $0x90000046  }
0xb3: {  	s29 =	simm.s32 $0xA;
	_ =	strace $0x80000048  }
0xb4: {  	_ =	swait.ge [sflag:s29], $0x1  }
0xb5: {  	[sflag:s29] =	ssyncadd.s32 $0xFFFFFFFF  }
0xb6: {  	_ =	strace $0x90000048  }
0xb7: {  	_ =	sfence  }
0xb8: {  	s30 =	sld [smem:$0x0];
	_ =	sdelay $0x2  }
0xb9: {  	s31 =	sshll.u32 s1, $0xD;
	s1 =	sshrl.u32 s1, $0x2  }
0xba: {  	s3 =	sand.u32 $0x4000, s31;
	s1 =	sadd.s32 s1, s30  }
0xbb: {  	s0 =	sor.u32 s3, s0;
	s1 =	sshll.u32 s1, $0x11  }
0xbc: {  	s0 =	sor.u32 s1, s0  }
0xbd: {  	s0 =	sadd.s32 $0x8F2B, s0  }
0xbe: {  	[sflag:s0] =	ssyncadd.remote.s32 $0x1  }
0xbf: {  	_ =	sfence.sel $0xFFFF  }
0xc0: {  	[dreg:$0x0] =	wrdreg $0xFFFFFFFF;
	(pc) =	sbr.abs _section_cstart, $3  }
0xc1: {  	[dreg:$0x1] =	wrdreg $0xFFFFFFFF  }
0xc2: {  	_ =	task.clear_ibuf [dreg:s7], $0x2FFFF;
	_ =	strace $0x9FFFFFFF  }
0xc3: {  	(tm) =	ssettm $0x7FFFFFFF  }
tec
execute0_lowered:
.L_overlay_start_1:
0x0: {  	(tag) =	ssettag $0x1  }
0x1: {  	s6 =	rddreg [dreg:$0x0]  }
0x2: {  	s1 =	rddreg [dreg:$0x1]  }
0x3: {  	s2 =	rddreg [dreg:$0x2];
	s3 =	simm.s32 $0x0  }
0x4: {  	s7 =	srdreg.scid;
	s4 =	stileid.u32;
	s20 =	simm.s32 $0x1  }
0x5: {  	s21 =	simm.s32 $0x3;
	s28 =	simm.s32 $0x2780;
	s29 =	simm.s32 $0x0  }
0x6: {  	[smem:$0x7FF] =	sst s3;
	s10 =	sadd.s32 $0xCA00, s6;
	s8 =	smul.u32 $0x4F000, s4  }
0x7: {  	s11 =	sadd.s32 $0x2A00, s6;
	s5 =	sadd.s32 $0x16A00, s6;
	s9 =	smul.u32 $0x1400, s4  }
0x8: {  	s7 =	sand.u32 $0x1, s7;
	s12 =	sadd.s32 $0x19200, s6;
	s16 =	smul.u32 $0x13C00, s4  }
0x9: {  	s26 =	sshll.u32 s4, $0x6;
	_ =	strace $0x80000047;
	s14 =	smul.u32 $0x28000, s7  }
0xa: {  	s22 =	ssub.s32 $0x2, s7;
	s24 =	smul.u32 $0x278000, s7;
	s25 =	sshllo.u32 s7, $0x1  }
0xb: {  	s6 =	sor.u32 $0x1C04, s26;
	s26 =	simm.s32 $0x2700;
	s18 =	smul.u32 $0x14000, s25  }
0xc: {  	s13 =	sshrl.u32 s22, $0x1;
	s8 =	sshrl.u32 s8, $0x2;
	s19 =	smul.u32 $0x13C000, s25  }
0xd: {  	s25 =	simm.s32 $0x1380;
	s13 =	ssub.s32 s22, s13;
	s15 =	sadd.s32 s8, s2  }
0xe: {  	s23 =	sadd.s32 s9, s14;
	s14 =	sadd.s32 s16, s24;
	s22 =	simm.s32 $0x100  }
0xf: {  	s24 =	simm.s32 $0x1480;
	s17 =	sshrl.u32 s23, $0x3;
	s9 =	sadd.s32 s9, s18  }
0x10: {  	s14 =	sshrl.u32 s14, $0x3;
	s16 =	sadd.s32 s16, s19;
	s13 =	smax.u32 s13, $0x1  }
0x11: {  	s18 =	simm.s32 $0x2800;
	s19 =	simm.s32 $0x6800;
	s23 =	simm.s32 $0x2  }
0x12: {  	s7 =	sadd.s32 s10, s17;
	s8 =	sadd.s32 s11, s17;
	s30 =	sshrl.u32 s9, $0x3  }
0x13: {  	s9 =	sadd.s32 s12, s14;
	s31 =	sshrl.u32 s16, $0x3;
	s14 =	sshrl.u32 s15, $0x3  }
0x14: {  	s15 =	simm.s32 $0x4;
	s16 =	simm.s32 $0x1400;
	s17 =	simm.s32 $0x80  }
0x15: {  	s10 =	sadd.s32 s10, s30;
	s11 =	sadd.s32 s11, s30;
	s12 =	sadd.s32 s12, s31  }
.LBB2_1:
0x16: {  	[spmem:s14], [sflag:s6] =	dma.local [hbm:s5], $0x2780  }
0x17: {  	_ =	swait.ge [sflag:s15], $0x2780  }
0x18: {  	[sflag:s15] =	ssyncset.done $0x0  }
0x19: {  	[sflag:s15] =	ssyncadd.s32 $0xFFFFD880  }
0x1a: {  	[bflag:$0x0] =	sbarrier.arrive $0xFFFF  }
0x1b: {  	[tilespmem:s3], [sflag:$0x4] =	stream.linear.gather [hbm4b:s7+s3], $0x1400, $0x38;
	[tilespmem:$0x1E400] =	vst v63  }
0x1c: {  	_ =	swait.ge [sflag:s15], $0x1400  }
0x1d: {  	[sflag:s15] =	ssyncset.done $0x0  }
0x1e: {  	[sflag:s15] =	ssyncadd.s32 $0xFFFFEC00  }
0x1f: {  	[tilespmem:s16], [sflag:$0x4] =	stream.linear.gather [hbm4b:s8+s3], $0x1400, $0x38;
	[tilespmem:$0x1E400] =	vst v63  }
0x20: {  	_ =	swait.ge [sflag:s15], $0x1400  }
0x21: {  	[sflag:s15] =	ssyncset.done $0x0  }
0x22: {  	[sflag:s15] =	ssyncadd.s32 $0xFFFFEC00  }
0x23: {  	[tilespmem:s18], [sflag:$0x1] =	stream.indirect.gather [hbm4b:s1+s17], $0x80, s3, s17, $0xb8;
	[tilespmem:$0x1E400] =	vst v63  }
0x24: {  	_ = 	snop  }
0x25: {  	[tilespmem:s19], [sflag:$0x2] =	stream.indirect.gather [hbm4b:s1+s17], $0x80, s17, s17, $0xb8;
	[tilespmem:$0x1E400] =	vst v63  }
0x26: {  	_ =	swait.ge [sflag:s20], $0x4000  }
0x27: {  	[sflag:s20] =	ssyncset.done $0x0  }
0x28: {  	[sflag:s20] =	ssyncadd.s32 $0xFFFFC000  }
0x29: {  	[spmem:s2] =	stream.indirect.scatter.add.f32 [tilespmem:s18], [sflag:$0x3], $0x80, s16, s17, $0xb8;
	[tilespmem:$0x1E400] =	vst v63  }
0x2a: {  	_ =	swait.ge [sflag:s21], $0x4000  }
0x2b: {  	[sflag:s21] =	ssyncset.done $0x0  }
0x2c: {  	[sflag:s21] =	ssyncadd.s32 $0xFFFFC000  }
0x2d: {  	[tilespmem:s18], [sflag:$0x1] =	stream.indirect.gather [hbm4b:s1+s17], $0x80, s22, s17, $0xb8;
	[tilespmem:$0x1E400] =	vst v63  }
0x2e: {  	_ =	swait.ge [sflag:s23], $0x4000  }
0x2f: {  	[sflag:s23] =	ssyncset.done $0x0  }
0x30: {  	[sflag:s23] =	ssyncadd.s32 $0xFFFFC000  }
0x31: {  	[spmem:s2] =	stream.indirect.scatter.add.f32 [tilespmem:s19], [sflag:$0x3], $0x80, s24, s17, $0xb8;
	[tilespmem:$0x1E400] =	vst v63  }
0x32: {  	_ =	swait.ge [sflag:s21], $0x4000  }
0x33: {  	[sflag:s21] =	ssyncset.done $0x0  }
0x34: {  	s30 =	simm.s32 $0x180;
	[sflag:s21] =	ssyncadd.s32 $0xFFFFC000  }
0x35: {  	[tilespmem:s19], [sflag:$0x2] =	stream.indirect.gather [hbm4b:s1+s17], $0x80, s30, s17, $0xb8;
	[tilespmem:$0x1E400] =	vst v63  }
0x36: {  	_ =	swait.ge [sflag:s20], $0x4000  }
0x37: {  	[sflag:s20] =	ssyncset.done $0x0  }
0x38: {  	s30 =	simm.s32 $0x1500;
	[sflag:s20] =	ssyncadd.s32 $0xFFFFC000  }
0x39: {  	[spmem:s2] =	stream.indirect.scatter.add.f32 [tilespmem:s18], [sflag:$0x3], $0x80, s30, s17, $0xb8;
	[tilespmem:$0x1E400] =	vst v63  }
0x3a: {  	_ =	swait.ge [sflag:s21], $0x4000  }
0x3b: {  	[sflag:s21] =	ssyncset.done $0x0  }
0x3c: {  	s30 =	simm.s32 $0x200;
	[sflag:s21] =	ssyncadd.s32 $0xFFFFC000  }
0x3d: {  	[tilespmem:s18], [sflag:$0x1] =	stream.indirect.gather [hbm4b:s1+s17], $0x80, s30, s17, $0xb8;
	[tilespmem:$0x1E400] =	vst v63  }
0x3e: {  	_ =	swait.ge [sflag:s23], $0x4000  }
0x3f: {  	[sflag:s23] =	ssyncset.done $0x0  }
0x40: {  	s31 =	simm.s32 $0x1580;
	s30 =	simm.s32 $0xFFFFBC00;
	[sflag:s23] =	ssyncadd.s32 $0xFFFFC000  }
.LBB2_2:
0x41: {  	[spmem:s2] =	stream.indirect.scatter.add.f32 [tilespmem:s19], [sflag:$0x3], $0x80, s31, s17, $0xb8;
	[tilespmem:$0x1E400] =	vst v63  }
0x42: {  	s31 =	smov.u32 s30  }
0x43: {  	p0 =	sne.s32 s30, $0xFFFFFC00;
	s30 =	sadd.s32 $0x400, s30;
	_ =	swait.ge [sflag:s21], $0x4000  }
0x44: {  	s31 =	sshra.s32 s31, $0x2;
	[sflag:s21] =	ssyncset.done $0x0  }
0x45: {  	s0 =	sadd.s32 $0x1380, s31;
	[sflag:s21] =	ssyncadd.s32 $0xFFFFC000  }
0x46: {  	[tilespmem:s19], [sflag:$0x2] =	stream.indirect.gather [hbm4b:s1+s17], $0x80, s0, s17, $0xb8;
	[tilespmem:$0x1E400] =	vst v63  }
0x47: {  	_ =	swait.ge [sflag:s20], $0x4000  }
0x48: {  	[sflag:s20] =	ssyncset.done $0x0  }
0x49: {  	s0 =	sadd.s32 $0x2700, s31;
	[sflag:s20] =	ssyncadd.s32 $0xFFFFC000  }
0x4a: {  	[spmem:s2] =	stream.indirect.scatter.add.f32 [tilespmem:s18], [sflag:$0x3], $0x80, s0, s17, $0xb8;
	[tilespmem:$0x1E400] =	vst v63  }
0x4b: {  	_ =	swait.ge [sflag:s21], $0x4000  }
0x4c: {  	[sflag:s21] =	ssyncset.done $0x0  }
.Ltmp0:
0x4d: {  	s0 =	sadd.s32 $0x1400, s31;
	[sflag:s21] =	ssyncadd.s32 $0xFFFFC000;
	(pc) =	sbr.rel @p0 .LBB2_2-.Ltmp0, $4  }
0x4e: {  	[tilespmem:s18], [sflag:$0x1] =	stream.indirect.gather [hbm4b:s1+s17], $0x80, s0, s17, $0xb8;
	[tilespmem:$0x1E400] =	vst v63  }
0x4f: {  	_ =	swait.ge [sflag:s23], $0x4000  }
0x50: {  	[sflag:s23] =	ssyncset.done $0x0  }
0x51: {  	s31 =	sadd.s32 $0x2780, s31;
	[sflag:s23] =	ssyncadd.s32 $0xFFFFC000  }
0x52: {  	[spmem:s2] =	stream.indirect.scatter.add.f32 [tilespmem:s19], [sflag:$0x3], $0x80, s31, s17, $0xb8;
	[tilespmem:$0x1E400] =	vst v63  }
0x53: {  	_ =	swait.ge [sflag:s21], $0x4000  }
0x54: {  	[sflag:s21] =	ssyncset.done $0x0  }
0x55: {  	[sflag:s21] =	ssyncadd.s32 $0xFFFFC000  }
0x56: {  	[tilespmem:s19], [sflag:$0x2] =	stream.indirect.gather [hbm4b:s1+s17], $0x80, s25, s17, $0xb8;
	[tilespmem:$0x1E400] =	vst v63  }
0x57: {  	_ =	swait.ge [sflag:s20], $0x4000  }
0x58: {  	[sflag:s20] =	ssyncset.done $0x0  }
0x59: {  	[sflag:s20] =	ssyncadd.s32 $0xFFFFC000  }
0x5a: {  	[spmem:s2] =	stream.indirect.scatter.add.f32 [tilespmem:s18], [sflag:$0x3], $0x80, s26, s17, $0xb8;
	[tilespmem:$0x1E400] =	vst v63  }
0x5b: {  	_ =	swait.ge [sflag:s21], $0x4000  }
0x5c: {  	[sflag:s21] =	ssyncset.done $0x0  }
0x5d: {  	[sflag:s21] =	ssyncadd.s32 $0xFFFFC000  }
0x5e: {  	_ =	swait.ge [sflag:s23], $0x4000  }
0x5f: {  	[sflag:s23] =	ssyncset.done $0x0  }
0x60: {  	[sflag:s23] =	ssyncadd.s32 $0xFFFFC000  }
0x61: {  	[spmem:s2] =	stream.indirect.scatter.add.f32 [tilespmem:s19], [sflag:$0x3], $0x80, s28, s17, $0xb8;
	[tilespmem:$0x1E400] =	vst v63  }
0x62: {  	_ =	swait.ge [sflag:s21], $0x4000  }
0x63: {  	[sflag:s21] =	ssyncset.done $0x0  }
0x64: {  	[sflag:s21] =	ssyncadd.s32 $0xFFFFC000  }
0x65: {  	[bflag:$0x0] =	sbarrier.arrive $0xFFFF  }
0x66: {  	[hbm:s9], [sflag:s6] =	dma.local [spmem:s14], $0x2780  }
0x67: {  	_ =	swait.ge [sflag:s15], $0x2780  }
0x68: {  	[sflag:s15] =	ssyncset.done $0x0  }
0x69: {  	[sflag:s15] =	ssyncadd.s32 $0xFFFFD880  }
0x6a: {  	[bflag:$0x0] =	sbarrier.arrive $0xFFFF  }
0x6b: {  	[spmem:s14], [sflag:s6] =	dma.local [hbm:s5], $0x2780  }
0x6c: {  	_ =	swait.ge [sflag:s15], $0x2780  }
0x6d: {  	[sflag:s15] =	ssyncset.done $0x0  }
0x6e: {  	[sflag:s15] =	ssyncadd.s32 $0xFFFFD880  }
0x6f: {  	[bflag:$0x0] =	sbarrier.arrive $0xFFFF  }
0x70: {  	[tilespmem:s3], [sflag:$0x4] =	stream.linear.gather [hbm4b:s10+s3], $0x1400, $0x38;
	[tilespmem:$0x1E400] =	vst v63  }
0x71: {  	_ =	swait.ge [sflag:s15], $0x1400  }
0x72: {  	[sflag:s15] =	ssyncset.done $0x0  }
0x73: {  	[sflag:s15] =	ssyncadd.s32 $0xFFFFEC00  }
0x74: {  	[tilespmem:s16], [sflag:$0x4] =	stream.linear.gather [hbm4b:s11+s3], $0x1400, $0x38;
	[tilespmem:$0x1E400] =	vst v63  }
0x75: {  	_ =	swait.ge [sflag:s15], $0x1400  }
0x76: {  	[sflag:s15] =	ssyncset.done $0x0  }
0x77: {  	[sflag:s15] =	ssyncadd.s32 $0xFFFFEC00  }
0x78: {  	[tilespmem:s18], [sflag:$0x1] =	stream.indirect.gather [hbm4b:s1+s17], $0x80, s3, s17, $0xb8;
	[tilespmem:$0x1E400] =	vst v63  }
0x79: {  	_ = 	snop  }
0x7a: {  	[tilespmem:s19], [sflag:$0x2] =	stream.indirect.gather [hbm4b:s1+s17], $0x80, s17, s17, $0xb8;
	[tilespmem:$0x1E400] =	vst v63  }
0x7b: {  	_ =	swait.ge [sflag:s20], $0x4000  }
0x7c: {  	[sflag:s20] =	ssyncset.done $0x0  }
0x7d: {  	[sflag:s20] =	ssyncadd.s32 $0xFFFFC000  }
0x7e: {  	[spmem:s2] =	stream.indirect.scatter.add.f32 [tilespmem:s18], [sflag:$0x3], $0x80, s16, s17, $0xb8;
	[tilespmem:$0x1E400] =	vst v63  }
0x7f: {  	_ =	swait.ge [sflag:s21], $0x4000  }
0x80: {  	[sflag:s21] =	ssyncset.done $0x0  }
0x81: {  	[sflag:s21] =	ssyncadd.s32 $0xFFFFC000  }
0x82: {  	[tilespmem:s18], [sflag:$0x1] =	stream.indirect.gather [hbm4b:s1+s17], $0x80, s22, s17, $0xb8;
	[tilespmem:$0x1E400] =	vst v63  }
0x83: {  	_ =	swait.ge [sflag:s23], $0x4000  }
0x84: {  	[sflag:s23] =	ssyncset.done $0x0  }
0x85: {  	[sflag:s23] =	ssyncadd.s32 $0xFFFFC000  }
0x86: {  	[spmem:s2] =	stream.indirect.scatter.add.f32 [tilespmem:s19], [sflag:$0x3], $0x80, s24, s17, $0xb8;
	[tilespmem:$0x1E400] =	vst v63  }
0x87: {  	_ =	swait.ge [sflag:s21], $0x4000  }
0x88: {  	[sflag:s21] =	ssyncset.done $0x0  }
0x89: {  	s0 =	simm.s32 $0x180;
	[sflag:s21] =	ssyncadd.s32 $0xFFFFC000  }
0x8a: {  	[tilespmem:s19], [sflag:$0x2] =	stream.indirect.gather [hbm4b:s1+s17], $0x80, s0, s17, $0xb8;
	[tilespmem:$0x1E400] =	vst v63  }
0x8b: {  	_ =	swait.ge [sflag:s20], $0x4000  }
0x8c: {  	[sflag:s20] =	ssyncset.done $0x0  }
0x8d: {  	s0 =	simm.s32 $0x1500;
	[sflag:s20] =	ssyncadd.s32 $0xFFFFC000  }
0x8e: {  	[spmem:s2] =	stream.indirect.scatter.add.f32 [tilespmem:s18], [sflag:$0x3], $0x80, s0, s17, $0xb8;
	[tilespmem:$0x1E400] =	vst v63  }
0x8f: {  	_ =	swait.ge [sflag:s21], $0x4000  }
0x90: {  	[sflag:s21] =	ssyncset.done $0x0  }
0x91: {  	s0 =	simm.s32 $0x200;
	[sflag:s21] =	ssyncadd.s32 $0xFFFFC000  }
0x92: {  	[tilespmem:s18], [sflag:$0x1] =	stream.indirect.gather [hbm4b:s1+s17], $0x80, s0, s17, $0xb8;
	[tilespmem:$0x1E400] =	vst v63  }
0x93: {  	_ =	swait.ge [sflag:s23], $0x4000  }
0x94: {  	[sflag:s23] =	ssyncset.done $0x0  }
0x95: {  	s30 =	simm.s32 $0xFFFFBC00;
	s31 =	simm.s32 $0x1580;
	[sflag:s23] =	ssyncadd.s32 $0xFFFFC000  }
.LBB2_4:
0x96: {  	[spmem:s2] =	stream.indirect.scatter.add.f32 [tilespmem:s19], [sflag:$0x3], $0x80, s31, s17, $0xb8;
	[tilespmem:$0x1E400] =	vst v63  }
0x97: {  	s0 =	smov.u32 s30  }
0x98: {  	p0 =	sne.s32 s30, $0xFFFFFC00;
	s30 =	sadd.s32 $0x400, s30;
	_ =	swait.ge [sflag:s21], $0x4000  }
0x99: {  	s0 =	sshra.s32 s0, $0x2;
	[sflag:s21] =	ssyncset.done $0x0  }
0x9a: {  	s31 =	sadd.s32 $0x1380, s0;
	[sflag:s21] =	ssyncadd.s32 $0xFFFFC000  }
0x9b: {  	[tilespmem:s19], [sflag:$0x2] =	stream.indirect.gather [hbm4b:s1+s17], $0x80, s31, s17, $0xb8;
	[tilespmem:$0x1E400] =	vst v63  }
0x9c: {  	_ =	swait.ge [sflag:s20], $0x4000  }
0x9d: {  	[sflag:s20] =	ssyncset.done $0x0  }
0x9e: {  	s31 =	sadd.s32 $0x2700, s0;
	[sflag:s20] =	ssyncadd.s32 $0xFFFFC000  }
0x9f: {  	[spmem:s2] =	stream.indirect.scatter.add.f32 [tilespmem:s18], [sflag:$0x3], $0x80, s31, s17, $0xb8;
	[tilespmem:$0x1E400] =	vst v63  }
0xa0: {  	_ =	swait.ge [sflag:s21], $0x4000  }
0xa1: {  	[sflag:s21] =	ssyncset.done $0x0  }
.Ltmp1:
0xa2: {  	s31 =	sadd.s32 $0x1400, s0;
	[sflag:s21] =	ssyncadd.s32 $0xFFFFC000;
	(pc) =	sbr.rel @p0 .LBB2_4-.Ltmp1, $4  }
0xa3: {  	[tilespmem:s18], [sflag:$0x1] =	stream.indirect.gather [hbm4b:s1+s17], $0x80, s31, s17, $0xb8;
	[tilespmem:$0x1E400] =	vst v63  }
0xa4: {  	_ =	swait.ge [sflag:s23], $0x4000  }
0xa5: {  	[sflag:s23] =	ssyncset.done $0x0  }
0xa6: {  	s31 =	sadd.s32 $0x2780, s0;
	[sflag:s23] =	ssyncadd.s32 $0xFFFFC000  }
0xa7: {  	[spmem:s2] =	stream.indirect.scatter.add.f32 [tilespmem:s19], [sflag:$0x3], $0x80, s31, s17, $0xb8;
	[tilespmem:$0x1E400] =	vst v63  }
0xa8: {  	_ =	swait.ge [sflag:s21], $0x4000  }
0xa9: {  	[sflag:s21] =	ssyncset.done $0x0  }
0xaa: {  	[sflag:s21] =	ssyncadd.s32 $0xFFFFC000  }
0xab: {  	[tilespmem:s19], [sflag:$0x2] =	stream.indirect.gather [hbm4b:s1+s17], $0x80, s25, s17, $0xb8;
	[tilespmem:$0x1E400] =	vst v63  }
0xac: {  	_ =	swait.ge [sflag:s20], $0x4000  }
0xad: {  	[sflag:s20] =	ssyncset.done $0x0  }
0xae: {  	[sflag:s20] =	ssyncadd.s32 $0xFFFFC000  }
0xaf: {  	[spmem:s2] =	stream.indirect.scatter.add.f32 [tilespmem:s18], [sflag:$0x3], $0x80, s26, s17, $0xb8;
	[tilespmem:$0x1E400] =	vst v63  }
0xb0: {  	_ =	swait.ge [sflag:s21], $0x4000  }
0xb1: {  	[sflag:s21] =	ssyncset.done $0x0  }
0xb2: {  	[sflag:s21] =	ssyncadd.s32 $0xFFFFC000  }
0xb3: {  	_ =	swait.ge [sflag:s23], $0x4000  }
0xb4: {  	[sflag:s23] =	ssyncset.done $0x0  }
0xb5: {  	[sflag:s23] =	ssyncadd.s32 $0xFFFFC000  }
0xb6: {  	[spmem:s2] =	stream.indirect.scatter.add.f32 [tilespmem:s19], [sflag:$0x3], $0x80, s28, s17, $0xb8;
	[tilespmem:$0x1E400] =	vst v63  }
0xb7: {  	_ =	swait.ge [sflag:s21], $0x4000  }
0xb8: {  	[sflag:s21] =	ssyncset.done $0x0  }
0xb9: {  	s29 =	sadd.s32 $0x1, s29;
	[sflag:s21] =	ssyncadd.s32 $0xFFFFC000  }
0xba: {  	p0 =	sne.s32 s29, s13;
	[bflag:$0x0] =	sbarrier.arrive $0xFFFF  }
0xbb: {  	[hbm:s12], [sflag:s6] =	dma.local [spmem:s14], $0x2780  }
.Ltmp2:
0xbc: {  	_ =	swait.ge [sflag:s15], $0x2780;
	(pc) =	sbr.rel @p0 .LBB2_1-.Ltmp2, $3  }
0xbd: {  	[sflag:s15] =	ssyncset.done $0x0  }
0xbe: {  	[sflag:s15] =	ssyncadd.s32 $0xFFFFD880  }
0xbf: {  	[bflag:$0x0] =	sbarrier.arrive $0xFFFF;
	_ =	sdelay $0x1  }
0xc0: {  	_ =	sfence.sel $0x180000  }
0xc1: {  	[bflag:$0x0] =	sbarrier.arrive $0xFFFF  }
0xc2: {  	_ =	strace $0x90000047  }
0xc3: {  	[bflag:$0x2] =	sbarrier.arrive $0xFFFF  }
0xc4: {  	p0 =	sne.s32 s4, $0x0;
	s0 =	rddreg [dreg:$0x3]  }
0xc5: {  	s0 =	sadd.s32 @!p0 $0x100000, s0  }
0xc6: {  	[sflag:s0] =	ssyncadd.tile.s32 @!p0 $0x1;
	_ =	shalt  }
.Lfunc_end2:
_tile_overlayer_lowered:
.L_overlay_start_2:
0xc7: {  	(tag) =	ssettag $0x2  }
0xc8: {  	s0 =	rddreg [dreg:$0x0];
	s2 =	stileid.u32  }
0xc9: {  	s1 =	rddreg [dreg:$0x1];
	p0 =	sne.s32 s2, $0x0  }
0xca: {  	s3 =	rddreg [dreg:$0x2];
	[bflag:$0x3] =	sbarrier.arrive $0xFFFF;
	s2 =	simm.s32 @!p0 $0x1C04  }
0xcb: {  	[timem:s3], [sflag:s2] =	dma.local @!p0 [hbm:s0], s1  }
0xcc: {  	s0 =	simm.s32 @!p0 $0x4  }
0xcd: {  	_ =	swait.ge @!p0 [sflag:s0], s1  }
0xce: {  	s1 =	ssub.s32 @!p0 $0x0, s1;
	[sflag:s0] =	ssyncset.done @!p0 $0x0  }
0xcf: {  	[sflag:s0] =	ssyncadd.s32 @!p0 s1  }
0xd0: {  	[bflag:$0x3] =	sbarrier.arrive $0xFFFF  }
0xd1: {  	_ =	shalt  }

// kernel: kernel.16.cloned.1.call-start
scs
__scs_entry_jumppad:
0x0: {  	(pc) =	sbr.rel $0x88, $3  }
0x1: {  	(tag) =	ssettag $0x0;
	lr =	simm.s32 $0x1  }
0x2: {  	[smem:$0x3F96] =	sst lr;
	_ =	strace $0xD0000000  }
0x3: {  	_ = 	snop  }
0x4: {  	_ = 	snop  }
0x5: {  	_ = 	snop  }
0x6: {  	_ = 	snop  }
0x7: {  	_ = 	snop  }
__scs_overlays_trampoline_lowered:
0x8: {  	[smem:$0x3FA5] =	sst s0  }
0x9: {  	[smem:$0x3FA6] =	sst s1  }
0xa: {  	[smem:$0x3FA7] =	sst s2  }
0xb: {  	[smem:$0x3FA8] =	sst s3  }
0xc: {  	[smem:$0x3FA9] =	sst s4  }
0xd: {  	[smem:$0x3FAA] =	sst s5  }
0xe: {  	[smem:$0x3FAB] =	sst s6  }
0xf: {  	[smem:$0x3FAC] =	sst s7  }
0x10: {  	[smem:$0x3FAD] =	sst s8  }
0x11: {  	[smem:$0x3FAE] =	sst s9;
	s0 =	simm.s32 @!p0 $0x0  }
0x12: {  	s1 =	sld [smem:$0x3F94];
	s0 =	simm.s32 @p0 $0x1  }
0x13: {  	[smem:$0x3FAF] =	sst s0;
	s0 =	simm.s32 @!p1 $0x0  }
0x14: {  	s2 =	sld [smem:$0x3F93];
	s0 =	simm.s32 @p1 $0x1  }
0x15: {  	[smem:$0x3FB0] =	sst s0;
	s0 =	simm.s32 @!p2 $0x0  }
0x16: {  	s3 =	sld [smem:$0x3FDB];
	s0 =	simm.s32 @p2 $0x1  }
0x17: {  	s4 =	simm.s32 $0x1BF5;
	[smem:$0x3FB2] =	sst s0  }
0x18: {  	s0 =	sld [smem:$0x3F95];
	_ =	swait.ge [sflag:s4], $0x0  }
0x19: {  	s7 =	sld [smem:$0x3F96]  }
0x1a: {  	s8 =	sadd.s32 $0xFFFFE003, lr  }
0x1b: {  	s9 =	sadd.s32 $0xFFFFFEF7, lr;
	s5 =	simm.s32 $0xFFFFFFFF;
	p2 =	slt.u32 s8, $0xFFFFF086  }
0x1c: {  	p1 =	slt.u32 s9, $0xF7A;
	s5 =	simm.s32 @!p2 $0x0  }
0x1d: {  	s5 =	simm.s32 @p1 $0x1;
	p0 =	seq.s32 s7, s2  }
0x1e: {  	s7 =	smul.u32 @!p0 $0xF7A, s2;
	p2 =	seq.s32 @!p0 s5, $0x0  }
0x1f: {  	s9 =	smul.u32 $0xF7A, s1;
	s8 =	simm.s32 @!p0 $0x1BF5;
	p2 =	por !p2, p0  }
0x20: {  	[sflag:s8] =	ssyncset.s32 @!p0 $0xFFFFF086;
	s6 =	sadd.s32 @!p0 s3, s7;
	s7 =	simm.s32 @!p0 $0x108  }
0x21: {  	s3 =	sadd.s32 s3, s9;
	s6 =	sadd.s32 @!p0 $0x88, s6;
	s7 =	simm.s32 @p2 $0x1082  }
0x22: {  	[simem:s7], [sflag:s8] =	dma.local @!p0 [hbm:s6], $0xF7A  }
0x23: {  	s9 =	sor.u32 $0xD0000000, s2;
	s6 =	simm.s32 $0x108;
	_ =	swait.ge @!p0 [sflag:s8], $0x0  }
0x24: {  	s3 =	sadd.s32 $0x88, s3;
	s6 =	simm.s32 @!p1 $0x1082;
	[sflag:s4] =	ssyncset.s32 $0xFFFFF086  }
0x25: {  	[simem:s6], [sflag:s4] =	dma.local [hbm:s3], $0xF7A  }
0x26: {  	[smem:$0x3F96] =	sst s1;
	(tag) =	ssettag s2;
	_ =	strace s9  }
0x27: {  	s1 =	sld [smem:$0x3FA6]  }
0x28: {  	s2 =	sld [smem:$0x3FA7]  }
0x29: {  	s4 =	sld [smem:$0x3FA9]  }
0x2a: {  	p0 =	seq.s32 s5, $0x0;
	s5 =	sld [smem:$0x3FAA]  }
0x2b: {  	s6 =	sld [smem:$0x3FAB]  }
0x2c: {  	s7 =	sld [smem:$0x3FAC]  }
0x2d: {  	s3 =	simm.s32 $0x108;
	s8 =	sld [smem:$0x3FAD]  }
0x2e: {  	s3 =	simm.s32 @!p0 $0x1082;
	s9 =	sld [smem:$0x3FAE]  }
0x2f: {  	lr =	sadd.s32 s0, s3;
	s0 =	sld [smem:$0x3FA5]  }
0x30: {  	s3 =	sld [smem:$0x3FA8]  }
0x31: {  	[smem:$0x3FB1] =	sst s10  }
0x32: {  	s10 =	sld [smem:$0x3FAF];
	_ =	sdelay $0x3  }
0x33: {  	p0 =	seq.s32 s10, $0x1;
	s10 =	sld [smem:$0x3FB1];
	_ =	sdelay $0x3  }
0x34: {  	[smem:$0x3FB1] =	sst s10  }
0x35: {  	s10 =	sld [smem:$0x3FB0];
	_ =	sdelay $0x3  }
0x36: {  	p1 =	seq.s32 s10, $0x1;
	s10 =	sld [smem:$0x3FB1];
	_ =	sdelay $0x3  }
0x37: {  	[smem:$0x3FB1] =	sst s10  }
0x38: {  	s10 =	sld [smem:$0x3FB2]  }
0x39: {  	_ = 	snop;
	(pc) =	sbr.ind lr, $3  }
0x3a: {  	_ = 	snop  }
0x3b: {  	_ = 	snop  }
0x3c: {  	p2 =	seq.s32 s10, $0x1;
	s10 =	sld [smem:$0x3FB1]  }
0x3d: {  	_ =	shalt  }
0x3e: {  	_ =	shalt  }
0x3f: {  	_ =	shalt  }
0x40: {  	_ =	shalt  }
0x41: {  	_ =	shalt  }
0x42: {  	_ =	shalt  }
0x43: {  	_ =	shalt  }
0x44: {  	_ =	shalt  }
0x45: {  	_ =	shalt  }
0x46: {  	_ =	shalt  }
0x47: {  	_ =	shalt  }
0x48: {  	_ =	shalt  }
0x49: {  	_ =	shalt  }
0x4a: {  	_ =	shalt  }
0x4b: {  	_ =	shalt  }
0x4c: {  	_ =	shalt  }
0x4d: {  	_ =	shalt  }
0x4e: {  	_ =	shalt  }
0x4f: {  	_ =	shalt  }
0x50: {  	_ =	shalt  }
0x51: {  	_ =	shalt  }
0x52: {  	_ =	shalt  }
0x53: {  	_ =	shalt  }
0x54: {  	_ =	shalt  }
0x55: {  	_ =	shalt  }
0x56: {  	_ =	shalt  }
0x57: {  	_ =	shalt  }
0x58: {  	_ =	shalt  }
0x59: {  	_ =	shalt  }
0x5a: {  	_ =	shalt  }
0x5b: {  	_ =	shalt  }
0x5c: {  	_ =	shalt  }
0x5d: {  	_ =	shalt  }
0x5e: {  	_ =	shalt  }
0x5f: {  	_ =	shalt  }
0x60: {  	_ =	shalt  }
0x61: {  	_ =	shalt  }
0x62: {  	_ =	shalt  }
0x63: {  	_ =	shalt  }
0x64: {  	_ =	shalt  }
0x65: {  	_ =	shalt  }
0x66: {  	_ =	shalt  }
0x67: {  	_ =	shalt  }
0x68: {  	_ =	shalt  }
0x69: {  	_ =	shalt  }
0x6a: {  	_ =	shalt  }
0x6b: {  	_ =	shalt  }
0x6c: {  	_ =	shalt  }
0x6d: {  	_ =	shalt  }
0x6e: {  	_ =	shalt  }
0x6f: {  	_ =	shalt  }
0x70: {  	_ =	shalt  }
0x71: {  	_ =	shalt  }
0x72: {  	_ =	shalt  }
0x73: {  	_ =	shalt  }
0x74: {  	_ =	shalt  }
0x75: {  	_ =	shalt  }
0x76: {  	_ =	shalt  }
0x77: {  	_ =	shalt  }
0x78: {  	_ =	shalt  }
0x79: {  	_ =	shalt  }
0x7a: {  	_ =	shalt  }
0x7b: {  	_ =	shalt  }
0x7c: {  	_ =	shalt  }
0x7d: {  	_ =	shalt  }
0x7e: {  	_ =	shalt  }
0x7f: {  	_ =	shalt  }
0x80: {  	_ =	shalt  }
0x81: {  	_ =	shalt  }
0x82: {  	_ =	shalt  }
0x83: {  	_ =	shalt  }
0x84: {  	_ =	shalt  }
0x85: {  	_ =	shalt  }
0x86: {  	_ =	shalt  }
0x87: {  	_ =	shalt  }
.Lfunc_end0:
.L_simem_size_0:
called_computation.2_lowered:
.L_overlay_start_0:
0x88: {  	s2 =	sld [smem:$0x3FD9]  }
0x89: {  	s3 =	sld [smem:$0x3FFE];
	_ =	sdelay $0x1  }
0x8a: {  	s1 =	srdreg.scid  }
0x8b: {  	s0 =	sand.u32 $0x1, s1  }
0x8c: {  	s16 =	sshll.u32 s0, $0xA;
	s2 =	sadd.s32 s3, s2  }
0x8d: {  	s2 =	sadd.s32 s2, s16  }
0x8e: {  	[smem:$0x3FBD] =	sst s2  }
0x8f: {  	_ = 	snop  }
0x90: {  	(tm) =	ssettm $0x1  }
0x91: {  	s17 =	sld [smem:$0x3FFB];
	_ =	sdelay $0x3  }
0x92: {  	_ =	strace s17  }
0x93: {  	s2 =	sld [smem:$0x3FFC];
	_ =	sdelay $0x3  }
0x94: {  	_ =	strace s2  }
0x95: {  	s2 =	sld [smem:$0x3FFD];
	_ =	sdelay $0x3  }
0x96: {  	_ =	strace s2  }
0x97: {  	_ =	strace $0x8FFFFFFF  }
0x98: {  	s18 =	sld [smem:$0x3FDB];
	_ =	sdelay $0x1  }
0x99: {  	s19 =	simm.s32 $_scs_section_size  }
0x9a: {  	s4 =	simm.s32 $_size__tile_overlayer_lowered;
	s5 =	simm.s32 $_tile_overlayer_lowered  }
0x9b: {  	s22 =	simm.s32 $0x1BFF;
	s21 =	sshll.u32 s5, $0x1;
	s2 =	sadd.s32 s19, s18  }
0x9c: {  	s6 =	simm.s32 $0x0;
	s20 =	sshll.u32 s4, $0x1;
	s4 =	sadd.s32 s21, s2  }
0x9d: {  	[timem:s6], [sflag:s22] =	dma.local [hbm:s4], s20  }
0x9e: {  	_ =	swait.ge [sflag:s22], s20  }
0x9f: {  	s3 =	ssub.s32 $0x0, s20;
	[sflag:s22] =	ssyncset.done $0x0  }
0xa0: {  	[sflag:s22] =	ssyncadd.s32 s3;
	_ =	sdelay $0x1  }
0xa1: {  	s23 =	simm.s32 $0x1B8B  }
0xa2: {  	_ =	swait.ge [sflag:s23], $0x1  }
0xa3: {  	[sflag:s23] =	ssyncset.done $0x0  }
0xa4: {  	s25 =	simm.s32 $0x1B8E;
	s24 =	sld [smem:$0x3FFE];
	[sflag:s23] =	ssyncadd.s32 $0xFFFFFFFF  }
0xa5: {  	s26 =	simm.s32 $execute0_lowered;
	[smem:$0x3FD2] =	sst s25  }
0xa6: {  	s4 =	sshll.u32 s26, $0x1;
	_ =	strace $0x8000004C;
	[dreg:$0x1] =	wrdreg $0xFFFFFFFF  }
0xa7: {  	s28 =	simm.s32 $_size_execute0_lowered;
	s2 =	sadd.s32 s2, s4;
	[dreg:$0x0] =	wrdreg $0x0  }
0xa8: {  	s4 =	sshll.u32 s28, $0x1;
	[dreg:$0x2] =	wrdreg s2  }
0xa9: {  	[dreg:$0x3] =	wrdreg s4  }
0xaa: {  	[dreg:$0x4] =	wrdreg $0xC0  }
0xab: {  	_ =	task [dreg:s6], $0x5FFFF  }
0xac: {  	[dreg:$0x1] =	wrdreg $0xFFFFFFFF  }
0xad: {  	[dreg:$0x0] =	wrdreg $0x60  }
0xae: {  	[dreg:$0x2] =	wrdreg s24  }
0xaf: {  	[dreg:$0x3] =	wrdreg $0xA8000  }
0xb0: {  	[dreg:$0x4] =	wrdreg $0x9  }
0xb1: {  	_ =	task.clear_ibuf [dreg:s6], $0x5FFFF;
	_ =	strace $0x9000004C  }
0xb2: {  	s29 =	simm.s32 $0x9;
	_ =	strace $0x8000004E  }
0xb3: {  	_ =	swait.ge [sflag:s29], $0x1  }
0xb4: {  	[sflag:s29] =	ssyncadd.s32 $0xFFFFFFFF  }
0xb5: {  	_ =	strace $0x9000004E  }
0xb6: {  	_ =	sfence  }
0xb7: {  	s30 =	sld [smem:$0x0];
	_ =	sdelay $0x2  }
0xb8: {  	s31 =	sshll.u32 s1, $0xD;
	s1 =	sshrl.u32 s1, $0x2  }
0xb9: {  	s3 =	sand.u32 $0x4000, s31;
	s1 =	sadd.s32 s1, s30  }
0xba: {  	s0 =	sor.u32 s3, s0;
	s1 =	sshll.u32 s1, $0x11  }
0xbb: {  	s0 =	sor.u32 s1, s0  }
0xbc: {  	s0 =	sadd.s32 $0x8F2B, s0  }
0xbd: {  	[sflag:s0] =	ssyncadd.remote.s32 $0x1  }
0xbe: {  	_ =	sfence.sel $0xFFFF  }
0xbf: {  	[dreg:$0x0] =	wrdreg $0xFFFFFFFF;
	(pc) =	sbr.abs _section_cstart, $3  }
0xc0: {  	[dreg:$0x1] =	wrdreg $0xFFFFFFFF  }
0xc1: {  	_ =	task.clear_ibuf [dreg:s6], $0x2FFFF;
	_ =	strace $0x9FFFFFFF  }
0xc2: {  	(tm) =	ssettm $0x7FFFFFFF  }
0xc3: {  	_ =	shalt  }
tec
execute0_lowered:
.L_overlay_start_1:
0x0: {  	(tag) =	ssettag $0x1  }
0x1: {  	s6 =	rddreg [dreg:$0x0]  }
0x2: {  	s1 =	rddreg [dreg:$0x1];
	s2 =	simm.s32 $0x0;
	s7 =	srdreg.scid  }
0x3: {  	s3 =	stileid.u32;
	s20 =	simm.s32 $0x1;
	s21 =	simm.s32 $0x3  }
0x4: {  	s28 =	simm.s32 $0x2780;
	s29 =	simm.s32 $0x0;
	[smem:$0x7FF] =	sst s2  }
0x5: {  	s10 =	sadd.s32 $0xCA00, s6;
	s11 =	sadd.s32 $0x2A00, s6;
	s8 =	smul.u32 $0x4F000, s3  }
0x6: {  	s4 =	sadd.s32 $0x19200, s6;
	s5 =	sadd.s32 $0x16A00, s6;
	s9 =	smul.u32 $0x1400, s3  }
0x7: {  	s7 =	sand.u32 $0x1, s7;
	s12 =	sadd.s32 $0x155A00, s6;
	s16 =	smul.u32 $0x13C00, s3  }
0x8: {  	s26 =	sshll.u32 s3, $0x6;
	_ =	strace $0x8000004D;
	s14 =	smul.u32 $0x28000, s7  }
0x9: {  	s22 =	ssub.s32 $0x2, s7;
	s24 =	smul.u32 $0x278000, s7;
	s25 =	sshllo.u32 s7, $0x1  }
0xa: {  	s6 =	sor.u32 $0x1C04, s26;
	s26 =	simm.s32 $0x2700;
	s18 =	smul.u32 $0x14000, s25  }
0xb: {  	s13 =	sshrl.u32 s22, $0x1;
	s8 =	sshrl.u32 s8, $0x2;
	s19 =	smul.u32 $0x13C000, s25  }
0xc: {  	s25 =	simm.s32 $0x1380;
	s13 =	ssub.s32 s22, s13;
	s15 =	sadd.s32 s8, s1  }
0xd: {  	s23 =	sadd.s32 s9, s14;
	s14 =	sadd.s32 s16, s24;
	s22 =	simm.s32 $0x100  }
0xe: {  	s24 =	simm.s32 $0x1480;
	s17 =	sshrl.u32 s23, $0x3;
	s9 =	sadd.s32 s9, s18  }
0xf: {  	s14 =	sshrl.u32 s14, $0x3;
	s16 =	sadd.s32 s16, s19;
	s13 =	smax.u32 s13, $0x1  }
0x10: {  	s18 =	simm.s32 $0x2800;
	s19 =	simm.s32 $0x6800;
	s23 =	simm.s32 $0x2  }
0x11: {  	s7 =	sadd.s32 s10, s17;
	s8 =	sadd.s32 s11, s17;
	s30 =	sshrl.u32 s9, $0x3  }
0x12: {  	s9 =	sadd.s32 s12, s14;
	s31 =	sshrl.u32 s16, $0x3;
	s14 =	sshrl.u32 s15, $0x3  }
0x13: {  	s15 =	simm.s32 $0x4;
	s16 =	simm.s32 $0x1400;
	s17 =	simm.s32 $0x80  }
0x14: {  	s10 =	sadd.s32 s10, s30;
	s11 =	sadd.s32 s11, s30;
	s12 =	sadd.s32 s12, s31  }
.LBB2_1:
0x15: {  	[spmem:s14], [sflag:s6] =	dma.local [hbm:s5], $0x2780  }
0x16: {  	_ =	swait.ge [sflag:s15], $0x2780  }
0x17: {  	[sflag:s15] =	ssyncset.done $0x0  }
0x18: {  	[sflag:s15] =	ssyncadd.s32 $0xFFFFD880  }
0x19: {  	[bflag:$0x0] =	sbarrier.arrive $0xFFFF  }
0x1a: {  	[tilespmem:s2], [sflag:$0x4] =	stream.linear.gather [hbm4b:s7+s2], $0x1400, $0x38;
	[tilespmem:$0x1E400] =	vst v63  }
0x1b: {  	_ =	swait.ge [sflag:s15], $0x1400  }
0x1c: {  	[sflag:s15] =	ssyncset.done $0x0  }
0x1d: {  	[sflag:s15] =	ssyncadd.s32 $0xFFFFEC00  }
0x1e: {  	[tilespmem:s16], [sflag:$0x4] =	stream.linear.gather [hbm4b:s8+s2], $0x1400, $0x38;
	[tilespmem:$0x1E400] =	vst v63  }
0x1f: {  	_ =	swait.ge [sflag:s15], $0x1400  }
0x20: {  	[sflag:s15] =	ssyncset.done $0x0  }
0x21: {  	[sflag:s15] =	ssyncadd.s32 $0xFFFFEC00  }
0x22: {  	[tilespmem:s18], [sflag:$0x1] =	stream.indirect.gather [hbm4b:s4+s17], $0x80, s2, s17, $0xb8;
	[tilespmem:$0x1E400] =	vst v63  }
0x23: {  	_ = 	snop  }
0x24: {  	[tilespmem:s19], [sflag:$0x2] =	stream.indirect.gather [hbm4b:s4+s17], $0x80, s17, s17, $0xb8;
	[tilespmem:$0x1E400] =	vst v63  }
0x25: {  	_ =	swait.ge [sflag:s20], $0x4000  }
0x26: {  	[sflag:s20] =	ssyncset.done $0x0  }
0x27: {  	[sflag:s20] =	ssyncadd.s32 $0xFFFFC000  }
0x28: {  	[spmem:s1] =	stream.indirect.scatter.add.f32 [tilespmem:s18], [sflag:$0x3], $0x80, s16, s17, $0xb8;
	[tilespmem:$0x1E400] =	vst v63  }
0x29: {  	_ =	swait.ge [sflag:s21], $0x4000  }
0x2a: {  	[sflag:s21] =	ssyncset.done $0x0  }
0x2b: {  	[sflag:s21] =	ssyncadd.s32 $0xFFFFC000  }
0x2c: {  	[tilespmem:s18], [sflag:$0x1] =	stream.indirect.gather [hbm4b:s4+s17], $0x80, s22, s17, $0xb8;
	[tilespmem:$0x1E400] =	vst v63  }
0x2d: {  	_ =	swait.ge [sflag:s23], $0x4000  }
0x2e: {  	[sflag:s23] =	ssyncset.done $0x0  }
0x2f: {  	[sflag:s23] =	ssyncadd.s32 $0xFFFFC000  }
0x30: {  	[spmem:s1] =	stream.indirect.scatter.add.f32 [tilespmem:s19], [sflag:$0x3], $0x80, s24, s17, $0xb8;
	[tilespmem:$0x1E400] =	vst v63  }
0x31: {  	_ =	swait.ge [sflag:s21], $0x4000  }
0x32: {  	[sflag:s21] =	ssyncset.done $0x0  }
0x33: {  	s30 =	simm.s32 $0x180;
	[sflag:s21] =	ssyncadd.s32 $0xFFFFC000  }
0x34: {  	[tilespmem:s19], [sflag:$0x2] =	stream.indirect.gather [hbm4b:s4+s17], $0x80, s30, s17, $0xb8;
	[tilespmem:$0x1E400] =	vst v63  }
0x35: {  	_ =	swait.ge [sflag:s20], $0x4000  }
0x36: {  	[sflag:s20] =	ssyncset.done $0x0  }
0x37: {  	s30 =	simm.s32 $0x1500;
	[sflag:s20] =	ssyncadd.s32 $0xFFFFC000  }
0x38: {  	[spmem:s1] =	stream.indirect.scatter.add.f32 [tilespmem:s18], [sflag:$0x3], $0x80, s30, s17, $0xb8;
	[tilespmem:$0x1E400] =	vst v63  }
0x39: {  	_ =	swait.ge [sflag:s21], $0x4000  }
0x3a: {  	[sflag:s21] =	ssyncset.done $0x0  }
0x3b: {  	s30 =	simm.s32 $0x200;
	[sflag:s21] =	ssyncadd.s32 $0xFFFFC000  }
0x3c: {  	[tilespmem:s18], [sflag:$0x1] =	stream.indirect.gather [hbm4b:s4+s17], $0x80, s30, s17, $0xb8;
	[tilespmem:$0x1E400] =	vst v63  }
0x3d: {  	_ =	swait.ge [sflag:s23], $0x4000  }
0x3e: {  	[sflag:s23] =	ssyncset.done $0x0  }
0x3f: {  	s31 =	simm.s32 $0x1580;
	s30 =	simm.s32 $0xFFFFBC00;
	[sflag:s23] =	ssyncadd.s32 $0xFFFFC000  }
.LBB2_2:
0x40: {  	[spmem:s1] =	stream.indirect.scatter.add.f32 [tilespmem:s19], [sflag:$0x3], $0x80, s31, s17, $0xb8;
	[tilespmem:$0x1E400] =	vst v63  }
0x41: {  	s31 =	smov.u32 s30  }
0x42: {  	p0 =	sne.s32 s30, $0xFFFFFC00;
	s30 =	sadd.s32 $0x400, s30;
	_ =	swait.ge [sflag:s21], $0x4000  }
0x43: {  	s31 =	sshra.s32 s31, $0x2;
	[sflag:s21] =	ssyncset.done $0x0  }
0x44: {  	s0 =	sadd.s32 $0x1380, s31;
	[sflag:s21] =	ssyncadd.s32 $0xFFFFC000  }
0x45: {  	[tilespmem:s19], [sflag:$0x2] =	stream.indirect.gather [hbm4b:s4+s17], $0x80, s0, s17, $0xb8;
	[tilespmem:$0x1E400] =	vst v63  }
0x46: {  	_ =	swait.ge [sflag:s20], $0x4000  }
0x47: {  	[sflag:s20] =	ssyncset.done $0x0  }
0x48: {  	s0 =	sadd.s32 $0x2700, s31;
	[sflag:s20] =	ssyncadd.s32 $0xFFFFC000  }
0x49: {  	[spmem:s1] =	stream.indirect.scatter.add.f32 [tilespmem:s18], [sflag:$0x3], $0x80, s0, s17, $0xb8;
	[tilespmem:$0x1E400] =	vst v63  }
0x4a: {  	_ =	swait.ge [sflag:s21], $0x4000  }
0x4b: {  	[sflag:s21] =	ssyncset.done $0x0  }
.Ltmp0:
0x4c: {  	s0 =	sadd.s32 $0x1400, s31;
	[sflag:s21] =	ssyncadd.s32 $0xFFFFC000;
	(pc) =	sbr.rel @p0 .LBB2_2-.Ltmp0, $4  }
0x4d: {  	[tilespmem:s18], [sflag:$0x1] =	stream.indirect.gather [hbm4b:s4+s17], $0x80, s0, s17, $0xb8;
	[tilespmem:$0x1E400] =	vst v63  }
0x4e: {  	_ =	swait.ge [sflag:s23], $0x4000  }
0x4f: {  	[sflag:s23] =	ssyncset.done $0x0  }
0x50: {  	s31 =	sadd.s32 $0x2780, s31;
	[sflag:s23] =	ssyncadd.s32 $0xFFFFC000  }
0x51: {  	[spmem:s1] =	stream.indirect.scatter.add.f32 [tilespmem:s19], [sflag:$0x3], $0x80, s31, s17, $0xb8;
	[tilespmem:$0x1E400] =	vst v63  }
0x52: {  	_ =	swait.ge [sflag:s21], $0x4000  }
0x53: {  	[sflag:s21] =	ssyncset.done $0x0  }
0x54: {  	[sflag:s21] =	ssyncadd.s32 $0xFFFFC000  }
0x55: {  	[tilespmem:s19], [sflag:$0x2] =	stream.indirect.gather [hbm4b:s4+s17], $0x80, s25, s17, $0xb8;
	[tilespmem:$0x1E400] =	vst v63  }
0x56: {  	_ =	swait.ge [sflag:s20], $0x4000  }
0x57: {  	[sflag:s20] =	ssyncset.done $0x0  }
0x58: {  	[sflag:s20] =	ssyncadd.s32 $0xFFFFC000  }
0x59: {  	[spmem:s1] =	stream.indirect.scatter.add.f32 [tilespmem:s18], [sflag:$0x3], $0x80, s26, s17, $0xb8;
	[tilespmem:$0x1E400] =	vst v63  }
0x5a: {  	_ =	swait.ge [sflag:s21], $0x4000  }
0x5b: {  	[sflag:s21] =	ssyncset.done $0x0  }
0x5c: {  	[sflag:s21] =	ssyncadd.s32 $0xFFFFC000  }
0x5d: {  	_ =	swait.ge [sflag:s23], $0x4000  }
0x5e: {  	[sflag:s23] =	ssyncset.done $0x0  }
0x5f: {  	[sflag:s23] =	ssyncadd.s32 $0xFFFFC000  }
0x60: {  	[spmem:s1] =	stream.indirect.scatter.add.f32 [tilespmem:s19], [sflag:$0x3], $0x80, s28, s17, $0xb8;
	[tilespmem:$0x1E400] =	vst v63  }
0x61: {  	_ =	swait.ge [sflag:s21], $0x4000  }
0x62: {  	[sflag:s21] =	ssyncset.done $0x0  }
0x63: {  	[sflag:s21] =	ssyncadd.s32 $0xFFFFC000  }
0x64: {  	[bflag:$0x0] =	sbarrier.arrive $0xFFFF  }
0x65: {  	[hbm:s9], [sflag:s6] =	dma.local [spmem:s14], $0x2780  }
0x66: {  	_ =	swait.ge [sflag:s15], $0x2780  }
0x67: {  	[sflag:s15] =	ssyncset.done $0x0  }
0x68: {  	[sflag:s15] =	ssyncadd.s32 $0xFFFFD880  }
0x69: {  	[bflag:$0x0] =	sbarrier.arrive $0xFFFF  }
0x6a: {  	[spmem:s14], [sflag:s6] =	dma.local [hbm:s5], $0x2780  }
0x6b: {  	_ =	swait.ge [sflag:s15], $0x2780  }
0x6c: {  	[sflag:s15] =	ssyncset.done $0x0  }
0x6d: {  	[sflag:s15] =	ssyncadd.s32 $0xFFFFD880  }
0x6e: {  	[bflag:$0x0] =	sbarrier.arrive $0xFFFF  }
0x6f: {  	[tilespmem:s2], [sflag:$0x4] =	stream.linear.gather [hbm4b:s10+s2], $0x1400, $0x38;
	[tilespmem:$0x1E400] =	vst v63  }
0x70: {  	_ =	swait.ge [sflag:s15], $0x1400  }
0x71: {  	[sflag:s15] =	ssyncset.done $0x0  }
0x72: {  	[sflag:s15] =	ssyncadd.s32 $0xFFFFEC00  }
0x73: {  	[tilespmem:s16], [sflag:$0x4] =	stream.linear.gather [hbm4b:s11+s2], $0x1400, $0x38;
	[tilespmem:$0x1E400] =	vst v63  }
0x74: {  	_ =	swait.ge [sflag:s15], $0x1400  }
0x75: {  	[sflag:s15] =	ssyncset.done $0x0  }
0x76: {  	[sflag:s15] =	ssyncadd.s32 $0xFFFFEC00  }
0x77: {  	[tilespmem:s18], [sflag:$0x1] =	stream.indirect.gather [hbm4b:s4+s17], $0x80, s2, s17, $0xb8;
	[tilespmem:$0x1E400] =	vst v63  }
0x78: {  	_ = 	snop  }
0x79: {  	[tilespmem:s19], [sflag:$0x2] =	stream.indirect.gather [hbm4b:s4+s17], $0x80, s17, s17, $0xb8;
	[tilespmem:$0x1E400] =	vst v63  }
0x7a: {  	_ =	swait.ge [sflag:s20], $0x4000  }
0x7b: {  	[sflag:s20] =	ssyncset.done $0x0  }
0x7c: {  	[sflag:s20] =	ssyncadd.s32 $0xFFFFC000  }
0x7d: {  	[spmem:s1] =	stream.indirect.scatter.add.f32 [tilespmem:s18], [sflag:$0x3], $0x80, s16, s17, $0xb8;
	[tilespmem:$0x1E400] =	vst v63  }
0x7e: {  	_ =	swait.ge [sflag:s21], $0x4000  }
0x7f: {  	[sflag:s21] =	ssyncset.done $0x0  }
0x80: {  	[sflag:s21] =	ssyncadd.s32 $0xFFFFC000  }
0x81: {  	[tilespmem:s18], [sflag:$0x1] =	stream.indirect.gather [hbm4b:s4+s17], $0x80, s22, s17, $0xb8;
	[tilespmem:$0x1E400] =	vst v63  }
0x82: {  	_ =	swait.ge [sflag:s23], $0x4000  }
0x83: {  	[sflag:s23] =	ssyncset.done $0x0  }
0x84: {  	[sflag:s23] =	ssyncadd.s32 $0xFFFFC000  }
0x85: {  	[spmem:s1] =	stream.indirect.scatter.add.f32 [tilespmem:s19], [sflag:$0x3], $0x80, s24, s17, $0xb8;
	[tilespmem:$0x1E400] =	vst v63  }
0x86: {  	_ =	swait.ge [sflag:s21], $0x4000  }
0x87: {  	[sflag:s21] =	ssyncset.done $0x0  }
0x88: {  	s0 =	simm.s32 $0x180;
	[sflag:s21] =	ssyncadd.s32 $0xFFFFC000  }
0x89: {  	[tilespmem:s19], [sflag:$0x2] =	stream.indirect.gather [hbm4b:s4+s17], $0x80, s0, s17, $0xb8;
	[tilespmem:$0x1E400] =	vst v63  }
0x8a: {  	_ =	swait.ge [sflag:s20], $0x4000  }
0x8b: {  	[sflag:s20] =	ssyncset.done $0x0  }
0x8c: {  	s0 =	simm.s32 $0x1500;
	[sflag:s20] =	ssyncadd.s32 $0xFFFFC000  }
0x8d: {  	[spmem:s1] =	stream.indirect.scatter.add.f32 [tilespmem:s18], [sflag:$0x3], $0x80, s0, s17, $0xb8;
	[tilespmem:$0x1E400] =	vst v63  }
0x8e: {  	_ =	swait.ge [sflag:s21], $0x4000  }
0x8f: {  	[sflag:s21] =	ssyncset.done $0x0  }
0x90: {  	s0 =	simm.s32 $0x200;
	[sflag:s21] =	ssyncadd.s32 $0xFFFFC000  }
0x91: {  	[tilespmem:s18], [sflag:$0x1] =	stream.indirect.gather [hbm4b:s4+s17], $0x80, s0, s17, $0xb8;
	[tilespmem:$0x1E400] =	vst v63  }
0x92: {  	_ =	swait.ge [sflag:s23], $0x4000  }
0x93: {  	[sflag:s23] =	ssyncset.done $0x0  }
0x94: {  	s30 =	simm.s32 $0xFFFFBC00;
	s31 =	simm.s32 $0x1580;
	[sflag:s23] =	ssyncadd.s32 $0xFFFFC000  }
.LBB2_4:
0x95: {  	[spmem:s1] =	stream.indirect.scatter.add.f32 [tilespmem:s19], [sflag:$0x3], $0x80, s31, s17, $0xb8;
	[tilespmem:$0x1E400] =	vst v63  }
0x96: {  	s0 =	smov.u32 s30  }
0x97: {  	p0 =	sne.s32 s30, $0xFFFFFC00;
	s30 =	sadd.s32 $0x400, s30;
	_ =	swait.ge [sflag:s21], $0x4000  }
0x98: {  	s0 =	sshra.s32 s0, $0x2;
	[sflag:s21] =	ssyncset.done $0x0  }
0x99: {  	s31 =	sadd.s32 $0x1380, s0;
	[sflag:s21] =	ssyncadd.s32 $0xFFFFC000  }
0x9a: {  	[tilespmem:s19], [sflag:$0x2] =	stream.indirect.gather [hbm4b:s4+s17], $0x80, s31, s17, $0xb8;
	[tilespmem:$0x1E400] =	vst v63  }
0x9b: {  	_ =	swait.ge [sflag:s20], $0x4000  }
0x9c: {  	[sflag:s20] =	ssyncset.done $0x0  }
0x9d: {  	s31 =	sadd.s32 $0x2700, s0;
	[sflag:s20] =	ssyncadd.s32 $0xFFFFC000  }
0x9e: {  	[spmem:s1] =	stream.indirect.scatter.add.f32 [tilespmem:s18], [sflag:$0x3], $0x80, s31, s17, $0xb8;
	[tilespmem:$0x1E400] =	vst v63  }
0x9f: {  	_ =	swait.ge [sflag:s21], $0x4000  }
0xa0: {  	[sflag:s21] =	ssyncset.done $0x0  }
.Ltmp1:
0xa1: {  	s31 =	sadd.s32 $0x1400, s0;
	[sflag:s21] =	ssyncadd.s32 $0xFFFFC000;
	(pc) =	sbr.rel @p0 .LBB2_4-.Ltmp1, $4  }
0xa2: {  	[tilespmem:s18], [sflag:$0x1] =	stream.indirect.gather [hbm4b:s4+s17], $0x80, s31, s17, $0xb8;
	[tilespmem:$0x1E400] =	vst v63  }
0xa3: {  	_ =	swait.ge [sflag:s23], $0x4000  }
0xa4: {  	[sflag:s23] =	ssyncset.done $0x0  }
0xa5: {  	s31 =	sadd.s32 $0x2780, s0;
	[sflag:s23] =	ssyncadd.s32 $0xFFFFC000  }
0xa6: {  	[spmem:s1] =	stream.indirect.scatter.add.f32 [tilespmem:s19], [sflag:$0x3], $0x80, s31, s17, $0xb8;
	[tilespmem:$0x1E400] =	vst v63  }
0xa7: {  	_ =	swait.ge [sflag:s21], $0x4000  }
0xa8: {  	[sflag:s21] =	ssyncset.done $0x0  }
0xa9: {  	[sflag:s21] =	ssyncadd.s32 $0xFFFFC000  }
0xaa: {  	[tilespmem:s19], [sflag:$0x2] =	stream.indirect.gather [hbm4b:s4+s17], $0x80, s25, s17, $0xb8;
	[tilespmem:$0x1E400] =	vst v63  }
0xab: {  	_ =	swait.ge [sflag:s20], $0x4000  }
0xac: {  	[sflag:s20] =	ssyncset.done $0x0  }
0xad: {  	[sflag:s20] =	ssyncadd.s32 $0xFFFFC000  }
0xae: {  	[spmem:s1] =	stream.indirect.scatter.add.f32 [tilespmem:s18], [sflag:$0x3], $0x80, s26, s17, $0xb8;
	[tilespmem:$0x1E400] =	vst v63  }
0xaf: {  	_ =	swait.ge [sflag:s21], $0x4000  }
0xb0: {  	[sflag:s21] =	ssyncset.done $0x0  }
0xb1: {  	[sflag:s21] =	ssyncadd.s32 $0xFFFFC000  }
0xb2: {  	_ =	swait.ge [sflag:s23], $0x4000  }
0xb3: {  	[sflag:s23] =	ssyncset.done $0x0  }
0xb4: {  	[sflag:s23] =	ssyncadd.s32 $0xFFFFC000  }
0xb5: {  	[spmem:s1] =	stream.indirect.scatter.add.f32 [tilespmem:s19], [sflag:$0x3], $0x80, s28, s17, $0xb8;
	[tilespmem:$0x1E400] =	vst v63  }
0xb6: {  	_ =	swait.ge [sflag:s21], $0x4000  }
0xb7: {  	[sflag:s21] =	ssyncset.done $0x0  }
0xb8: {  	s29 =	sadd.s32 $0x1, s29;
	[sflag:s21] =	ssyncadd.s32 $0xFFFFC000  }
0xb9: {  	p0 =	sne.s32 s29, s13;
	[bflag:$0x0] =	sbarrier.arrive $0xFFFF  }
0xba: {  	[hbm:s12], [sflag:s6] =	dma.local [spmem:s14], $0x2780  }
.Ltmp2:
0xbb: {  	_ =	swait.ge [sflag:s15], $0x2780;
	(pc) =	sbr.rel @p0 .LBB2_1-.Ltmp2, $3  }
0xbc: {  	[sflag:s15] =	ssyncset.done $0x0  }
0xbd: {  	[sflag:s15] =	ssyncadd.s32 $0xFFFFD880  }
0xbe: {  	[bflag:$0x0] =	sbarrier.arrive $0xFFFF;
	_ =	sdelay $0x1  }
0xbf: {  	_ =	sfence.sel $0x180000  }
0xc0: {  	[bflag:$0x0] =	sbarrier.arrive $0xFFFF  }
0xc1: {  	_ =	strace $0x9000004D  }
0xc2: {  	[bflag:$0x2] =	sbarrier.arrive $0xFFFF  }
0xc3: {  	p0 =	sne.s32 s3, $0x0;
	s0 =	rddreg [dreg:$0x2]  }
0xc4: {  	s0 =	sadd.s32 @!p0 $0x100000, s0  }
0xc5: {  	[sflag:s0] =	ssyncadd.tile.s32 @!p0 $0x1;
	_ =	shalt  }
.Lfunc_end2:
_tile_overlayer_lowered:
.L_overlay_start_2:
0xc6: {  	(tag) =	ssettag $0x2  }
0xc7: {  	s0 =	rddreg [dreg:$0x0];
	s2 =	stileid.u32  }
0xc8: {  	s1 =	rddreg [dreg:$0x1];
	p0 =	sne.s32 s2, $0x0  }
0xc9: {  	s3 =	rddreg [dreg:$0x2];
	[bflag:$0x3] =	sbarrier.arrive $0xFFFF;
	s2 =	simm.s32 @!p0 $0x1C04  }
0xca: {  	[timem:s3], [sflag:s2] =	dma.local @!p0 [hbm:s0], s1  }
0xcb: {  	s0 =	simm.s32 @!p0 $0x4  }
0xcc: {  	_ =	swait.ge @!p0 [sflag:s0], s1  }
0xcd: {  	s1 =	ssub.s32 @!p0 $0x0, s1;
	[sflag:s0] =	ssyncset.done @!p0 $0x0  }
0xce: {  	[sflag:s0] =	ssyncadd.s32 @!p0 s1  }
0xcf: {  	[bflag:$0x3] =	sbarrier.arrive $0xFFFF  }
0xd0: {  	_ =	shalt  }

// kernel: kernel.19.cloned.1.call-start
scs
__scs_entry_jumppad:
0x0: {  	(pc) =	sbr.rel $0x88, $3  }
0x1: {  	(tag) =	ssettag $0x0;
	lr =	simm.s32 $0x1  }
0x2: {  	[smem:$0x3F96] =	sst lr;
	_ =	strace $0xD0000000  }
0x3: {  	_ = 	snop  }
0x4: {  	_ = 	snop  }
0x5: {  	_ = 	snop  }
0x6: {  	_ = 	snop  }
0x7: {  	_ = 	snop  }
__scs_overlays_trampoline_lowered:
0x8: {  	[smem:$0x3FA5] =	sst s0  }
0x9: {  	[smem:$0x3FA6] =	sst s1  }
0xa: {  	[smem:$0x3FA7] =	sst s2  }
0xb: {  	[smem:$0x3FA8] =	sst s3  }
0xc: {  	[smem:$0x3FA9] =	sst s4  }
0xd: {  	[smem:$0x3FAA] =	sst s5  }
0xe: {  	[smem:$0x3FAB] =	sst s6  }
0xf: {  	[smem:$0x3FAC] =	sst s7  }
0x10: {  	[smem:$0x3FAD] =	sst s8  }
0x11: {  	[smem:$0x3FAE] =	sst s9;
	s0 =	simm.s32 @!p0 $0x0  }
0x12: {  	s1 =	sld [smem:$0x3F94];
	s0 =	simm.s32 @p0 $0x1  }
0x13: {  	[smem:$0x3FAF] =	sst s0;
	s0 =	simm.s32 @!p1 $0x0  }
0x14: {  	s2 =	sld [smem:$0x3F93];
	s0 =	simm.s32 @p1 $0x1  }
0x15: {  	[smem:$0x3FB0] =	sst s0;
	s0 =	simm.s32 @!p2 $0x0  }
0x16: {  	s3 =	sld [smem:$0x3FDB];
	s0 =	simm.s32 @p2 $0x1  }
0x17: {  	s4 =	simm.s32 $0x1BF5;
	[smem:$0x3FB2] =	sst s0  }
0x18: {  	s0 =	sld [smem:$0x3F95];
	_ =	swait.ge [sflag:s4], $0x0  }
0x19: {  	s7 =	sld [smem:$0x3F96]  }
0x1a: {  	s8 =	sadd.s32 $0xFFFFE003, lr  }
0x1b: {  	s9 =	sadd.s32 $0xFFFFFEF7, lr;
	s5 =	simm.s32 $0xFFFFFFFF;
	p2 =	slt.u32 s8, $0xFFFFF086  }
0x1c: {  	p1 =	slt.u32 s9, $0xF7A;
	s5 =	simm.s32 @!p2 $0x0  }
0x1d: {  	s5 =	simm.s32 @p1 $0x1;
	p0 =	seq.s32 s7, s2  }
0x1e: {  	s7 =	smul.u32 @!p0 $0xF7A, s2;
	p2 =	seq.s32 @!p0 s5, $0x0  }
0x1f: {  	s9 =	smul.u32 $0xF7A, s1;
	s8 =	simm.s32 @!p0 $0x1BF5;
	p2 =	por !p2, p0  }
0x20: {  	[sflag:s8] =	ssyncset.s32 @!p0 $0xFFFFF086;
	s6 =	sadd.s32 @!p0 s3, s7;
	s7 =	simm.s32 @!p0 $0x108  }
0x21: {  	s3 =	sadd.s32 s3, s9;
	s6 =	sadd.s32 @!p0 $0x88, s6;
	s7 =	simm.s32 @p2 $0x1082  }
0x22: {  	[simem:s7], [sflag:s8] =	dma.local @!p0 [hbm:s6], $0xF7A  }
0x23: {  	s9 =	sor.u32 $0xD0000000, s2;
	s6 =	simm.s32 $0x108;
	_ =	swait.ge @!p0 [sflag:s8], $0x0  }
0x24: {  	s3 =	sadd.s32 $0x88, s3;
	s6 =	simm.s32 @!p1 $0x1082;
	[sflag:s4] =	ssyncset.s32 $0xFFFFF086  }
0x25: {  	[simem:s6], [sflag:s4] =	dma.local [hbm:s3], $0xF7A  }
0x26: {  	[smem:$0x3F96] =	sst s1;
	(tag) =	ssettag s2;
	_ =	strace s9  }
0x27: {  	s1 =	sld [smem:$0x3FA6]  }
0x28: {  	s2 =	sld [smem:$0x3FA7]  }
0x29: {  	s4 =	sld [smem:$0x3FA9]  }
0x2a: {  	p0 =	seq.s32 s5, $0x0;
	s5 =	sld [smem:$0x3FAA]  }
0x2b: {  	s6 =	sld [smem:$0x3FAB]  }
0x2c: {  	s7 =	sld [smem:$0x3FAC]  }
0x2d: {  	s3 =	simm.s32 $0x108;
	s8 =	sld [smem:$0x3FAD]  }
0x2e: {  	s3 =	simm.s32 @!p0 $0x1082;
	s9 =	sld [smem:$0x3FAE]  }
0x2f: {  	lr =	sadd.s32 s0, s3;
	s0 =	sld [smem:$0x3FA5]  }
0x30: {  	s3 =	sld [smem:$0x3FA8]  }
0x31: {  	[smem:$0x3FB1] =	sst s10  }
0x32: {  	s10 =	sld [smem:$0x3FAF];
	_ =	sdelay $0x3  }
0x33: {  	p0 =	seq.s32 s10, $0x1;
	s10 =	sld [smem:$0x3FB1];
	_ =	sdelay $0x3  }
0x34: {  	[smem:$0x3FB1] =	sst s10  }
0x35: {  	s10 =	sld [smem:$0x3FB0];
	_ =	sdelay $0x3  }
0x36: {  	p1 =	seq.s32 s10, $0x1;
	s10 =	sld [smem:$0x3FB1];
	_ =	sdelay $0x3  }
0x37: {  	[smem:$0x3FB1] =	sst s10  }
0x38: {  	s10 =	sld [smem:$0x3FB2]  }
0x39: {  	_ = 	snop;
	(pc) =	sbr.ind lr, $3  }
0x3a: {  	_ = 	snop  }
0x3b: {  	_ = 	snop  }
0x3c: {  	p2 =	seq.s32 s10, $0x1;
	s10 =	sld [smem:$0x3FB1]  }
0x3d: {  	_ =	shalt  }
0x3e: {  	_ =	shalt  }
0x3f: {  	_ =	shalt  }
0x40: {  	_ =	shalt  }
0x41: {  	_ =	shalt  }
0x42: {  	_ =	shalt  }
0x43: {  	_ =	shalt  }
0x44: {  	_ =	shalt  }
0x45: {  	_ =	shalt  }
0x46: {  	_ =	shalt  }
0x47: {  	_ =	shalt  }
0x48: {  	_ =	shalt  }
0x49: {  	_ =	shalt  }
0x4a: {  	_ =	shalt  }
0x4b: {  	_ =	shalt  }
0x4c: {  	_ =	shalt  }
0x4d: {  	_ =	shalt  }
0x4e: {  	_ =	shalt  }
0x4f: {  	_ =	shalt  }
0x50: {  	_ =	shalt  }
0x51: {  	_ =	shalt  }
0x52: {  	_ =	shalt  }
0x53: {  	_ =	shalt  }
0x54: {  	_ =	shalt  }
0x55: {  	_ =	shalt  }
0x56: {  	_ =	shalt  }
0x57: {  	_ =	shalt  }
0x58: {  	_ =	shalt  }
0x59: {  	_ =	shalt  }
0x5a: {  	_ =	shalt  }
0x5b: {  	_ =	shalt  }
0x5c: {  	_ =	shalt  }
0x5d: {  	_ =	shalt  }
0x5e: {  	_ =	shalt  }
0x5f: {  	_ =	shalt  }
0x60: {  	_ =	shalt  }
0x61: {  	_ =	shalt  }
0x62: {  	_ =	shalt  }
0x63: {  	_ =	shalt  }
0x64: {  	_ =	shalt  }
0x65: {  	_ =	shalt  }
0x66: {  	_ =	shalt  }
0x67: {  	_ =	shalt  }
0x68: {  	_ =	shalt  }
0x69: {  	_ =	shalt  }
0x6a: {  	_ =	shalt  }
0x6b: {  	_ =	shalt  }
0x6c: {  	_ =	shalt  }
0x6d: {  	_ =	shalt  }
0x6e: {  	_ =	shalt  }
0x6f: {  	_ =	shalt  }
0x70: {  	_ =	shalt  }
0x71: {  	_ =	shalt  }
0x72: {  	_ =	shalt  }
0x73: {  	_ =	shalt  }
0x74: {  	_ =	shalt  }
0x75: {  	_ =	shalt  }
0x76: {  	_ =	shalt  }
0x77: {  	_ =	shalt  }
0x78: {  	_ =	shalt  }
0x79: {  	_ =	shalt  }
0x7a: {  	_ =	shalt  }
0x7b: {  	_ =	shalt  }
0x7c: {  	_ =	shalt  }
0x7d: {  	_ =	shalt  }
0x7e: {  	_ =	shalt  }
0x7f: {  	_ =	shalt  }
0x80: {  	_ =	shalt  }
0x81: {  	_ =	shalt  }
0x82: {  	_ =	shalt  }
0x83: {  	_ =	shalt  }
0x84: {  	_ =	shalt  }
0x85: {  	_ =	shalt  }
0x86: {  	_ =	shalt  }
0x87: {  	_ =	shalt  }
.Lfunc_end0:
.L_simem_size_0:
called_computation.3_lowered:
.L_overlay_start_0:
0x88: {  	s2 =	sld [smem:$0x3FD9]  }
0x89: {  	s3 =	sld [smem:$0x3FFE];
	_ =	sdelay $0x1  }
0x8a: {  	s1 =	srdreg.scid  }
0x8b: {  	s0 =	sand.u32 $0x1, s1  }
0x8c: {  	s17 =	sshll.u32 s0, $0xA;
	s2 =	sadd.s32 s3, s2  }
0x8d: {  	s2 =	sadd.s32 s2, s17  }
0x8e: {  	[smem:$0x3FBD] =	sst s2  }
0x8f: {  	_ = 	snop  }
0x90: {  	s2 =	sld [smem:$0x3FD0];
	(tm) =	ssettm $0x1  }
0x91: {  	s18 =	sld [smem:$0x3FFB];
	_ =	sdelay $0x3  }
0x92: {  	_ =	strace s18  }
0x93: {  	s3 =	sld [smem:$0x3FFC];
	_ =	sdelay $0x3  }
0x94: {  	_ =	strace s3  }
0x95: {  	s3 =	sld [smem:$0x3FFD];
	_ =	sdelay $0x3  }
0x96: {  	_ =	strace s3  }
0x97: {  	_ =	strace $0x8FFFFFFF  }
0x98: {  	s19 =	sld [smem:$0x3FDB];
	_ =	sdelay $0x1  }
0x99: {  	s4 =	simm.s32 $_scs_section_size  }
0x9a: {  	s5 =	simm.s32 $_size__tile_overlayer_lowered;
	s6 =	simm.s32 $_tile_overlayer_lowered  }
0x9b: {  	s22 =	simm.s32 $0x1BFF;
	s21 =	sshll.u32 s6, $0x1;
	s3 =	sadd.s32 s4, s19  }
0x9c: {  	s7 =	simm.s32 $0x0;
	s20 =	sshll.u32 s5, $0x1;
	s5 =	sadd.s32 s21, s3  }
0x9d: {  	[timem:s7], [sflag:s22] =	dma.local [hbm:s5], s20  }
0x9e: {  	_ =	swait.ge [sflag:s22], s20  }
0x9f: {  	s4 =	ssub.s32 $0x0, s20;
	[sflag:s22] =	ssyncset.done $0x0  }
0xa0: {  	[sflag:s22] =	ssyncadd.s32 s4;
	_ =	sdelay $0x1  }
0xa1: {  	s23 =	simm.s32 $0x1B8B  }
0xa2: {  	_ =	swait.ge [sflag:s23], $0x1  }
0xa3: {  	[sflag:s23] =	ssyncset.done $0x0  }
0xa4: {  	s25 =	simm.s32 $0x1B8E;
	s24 =	sld [smem:$0x3FFE];
	[sflag:s23] =	ssyncadd.s32 $0xFFFFFFFF  }
0xa5: {  	s26 =	simm.s32 $execute0_lowered;
	[smem:$0x3FD2] =	sst s25  }
0xa6: {  	s5 =	sshll.u32 s26, $0x1;
	_ =	strace $0x8000004F;
	[dreg:$0x1] =	wrdreg $0xFFFFFFFF  }
0xa7: {  	s28 =	simm.s32 $_size_execute0_lowered;
	s3 =	sadd.s32 s3, s5;
	[dreg:$0x0] =	wrdreg $0x0  }
0xa8: {  	s5 =	sshll.u32 s28, $0x1;
	[dreg:$0x2] =	wrdreg s3  }
0xa9: {  	[dreg:$0x3] =	wrdreg s5  }
0xaa: {  	[dreg:$0x4] =	wrdreg $0xC0  }
0xab: {  	_ =	task [dreg:s7], $0x5FFFF  }
0xac: {  	[dreg:$0x1] =	wrdreg $0xFFFFFFFF  }
0xad: {  	[dreg:$0x0] =	wrdreg $0x60  }
0xae: {  	[dreg:$0x2] =	wrdreg s2  }
0xaf: {  	[dreg:$0x3] =	wrdreg s24  }
0xb0: {  	[dreg:$0x4] =	wrdreg $0xA8000  }
0xb1: {  	[dreg:$0x5] =	wrdreg $0x9  }
0xb2: {  	_ =	task.clear_ibuf [dreg:s7], $0x6FFFF;
	_ =	strace $0x9000004F  }
0xb3: {  	s29 =	simm.s32 $0x9;
	_ =	strace $0x80000051  }
0xb4: {  	_ =	swait.ge [sflag:s29], $0x1  }
0xb5: {  	[sflag:s29] =	ssyncadd.s32 $0xFFFFFFFF  }
0xb6: {  	_ =	strace $0x90000051  }
0xb7: {  	_ =	sfence  }
0xb8: {  	s30 =	sld [smem:$0x0];
	_ =	sdelay $0x2  }
0xb9: {  	s31 =	sshll.u32 s1, $0xD;
	s1 =	sshrl.u32 s1, $0x2  }
0xba: {  	s3 =	sand.u32 $0x4000, s31;
	s1 =	sadd.s32 s1, s30  }
0xbb: {  	s0 =	sor.u32 s3, s0;
	s1 =	sshll.u32 s1, $0x11  }
0xbc: {  	s0 =	sor.u32 s1, s0  }
0xbd: {  	s0 =	sadd.s32 $0x8F2B, s0  }
0xbe: {  	[sflag:s0] =	ssyncadd.remote.s32 $0x1  }
0xbf: {  	_ =	sfence.sel $0xFFFF  }
0xc0: {  	[dreg:$0x0] =	wrdreg $0xFFFFFFFF;
	(pc) =	sbr.abs _section_cstart, $3  }
0xc1: {  	[dreg:$0x1] =	wrdreg $0xFFFFFFFF  }
0xc2: {  	_ =	task.clear_ibuf [dreg:s7], $0x2FFFF;
	_ =	strace $0x9FFFFFFF  }
0xc3: {  	(tm) =	ssettm $0x7FFFFFFF  }
tec
execute0_lowered:
.L_overlay_start_1:
0x0: {  	(tag) =	ssettag $0x1  }
0x1: {  	s9 =	rddreg [dreg:$0x0]  }
0x2: {  	s6 =	rddreg [dreg:$0x1]  }
0x3: {  	s1 =	rddreg [dreg:$0x2]  }
0x4: {  	s0 =	rddreg [dreg:$0x3]  }
0x5: {  	s3 =	simm.s32 $0x0;
	s2 =	srdreg.scid;
	s16 =	simm.s32 $0x80  }
0x6: {  	s17 =	simm.s32 $0x2800;
	s18 =	simm.s32 $0x6800;
	s19 =	simm.s32 $0x1  }
0x7: {  	s20 =	simm.s32 $0x3;
	s21 =	simm.s32 $0x100;
	s22 =	simm.s32 $0x2  }
0x8: {  	s23 =	simm.s32 $0x1480;
	s24 =	simm.s32 $0x1380;
	s7 =	sand.u32 $0x1, s2  }
0x9: {  	s28 =	simm.s32 $0x0;
	s2 =	stileid.u32;
	s8 =	smul.u32 $0x13C000, s7  }
0xa: {  	[smem:$0x7FF] =	sst s3;
	s10 =	sadd.s32 $0x40A00, s6;
	s11 =	smul.u32 $0x13C00, s2  }
0xb: {  	s4 =	sadd.s32 $0x19200, s6;
	s5 =	sadd.s32 $0x16A00, s6;
	s12 =	smul.u32 $0x28000, s7  }
0xc: {  	_ =	strace $0x80000050;
	s7 =	ssub.s32 $0x2, s7;
	s25 =	smul.u32 $0x2800, s2  }
0xd: {  	s14 =	smul.u32 $0x4F000, s2;
	s30 =	sshll.u32 s2, $0x6;
	s13 =	sshrl.u32 s7, $0x1  }
0xe: {  	s8 =	sadd.s32 s11, s8;
	s13 =	ssub.s32 s7, s13;
	s26 =	sadd.s32 s25, s12  }
0xf: {  	s29 =	sshrl.u32 s14, $0x2;
	s25 =	simm.s32 $0x2700;
	s8 =	sshrl.u32 s8, $0x3  }
0x10: {  	s11 =	sshrl.u32 s26, $0x3;
	s14 =	sadd.s32 s29, s1;
	s12 =	smax.u32 s13, $0x1  }
0x11: {  	s26 =	simm.s32 $0x2780;
	s15 =	sadd.s32 s8, s6;
	s6 =	sor.u32 $0x1C04, s30  }
0x12: {  	s31 =	sadd.s32 $0x280, s11;
	s7 =	sadd.s32 s9, s11;
	s8 =	sadd.s32 s10, s11  }
0x13: {  	s13 =	sshrl.u32 s14, $0x3;
	s14 =	simm.s32 $0x4;
	s9 =	sadd.s32 s9, s31  }
0x14: {  	s10 =	sadd.s32 s10, s31;
	s11 =	sadd.s32 $0x4AA00, s15;
	s15 =	simm.s32 $0x1400  }
.LBB2_1:
0x15: {  	[spmem:s13], [sflag:s6] =	dma.local [hbm:s5], $0x2780  }
0x16: {  	_ =	swait.ge [sflag:s14], $0x2780  }
0x17: {  	[sflag:s14] =	ssyncset.done $0x0  }
0x18: {  	[sflag:s14] =	ssyncadd.s32 $0xFFFFD880  }
0x19: {  	[bflag:$0x0] =	sbarrier.arrive $0xFFFF  }
0x1a: {  	[tilespmem:s3], [sflag:$0x4] =	stream.linear.gather [hbm4b:s7+s3], $0x1400, $0x38;
	[tilespmem:$0x1E400] =	vst v63  }
0x1b: {  	_ =	swait.ge [sflag:s14], $0x1400  }
0x1c: {  	[sflag:s14] =	ssyncset.done $0x0  }
0x1d: {  	[sflag:s14] =	ssyncadd.s32 $0xFFFFEC00  }
0x1e: {  	[tilespmem:s15], [sflag:$0x4] =	stream.linear.gather [hbm4b:s8+s3], $0x1400, $0x38;
	[tilespmem:$0x1E400] =	vst v63  }
0x1f: {  	_ =	swait.ge [sflag:s14], $0x1400  }
0x20: {  	[sflag:s14] =	ssyncset.done $0x0  }
0x21: {  	[sflag:s14] =	ssyncadd.s32 $0xFFFFEC00  }
0x22: {  	[tilespmem:s17], [sflag:$0x1] =	stream.indirect.gather [hbm4b:s4+s16], $0x80, s3, s16, $0xb8;
	[tilespmem:$0x1E400] =	vst v63  }
0x23: {  	_ = 	snop  }
0x24: {  	[tilespmem:s18], [sflag:$0x2] =	stream.indirect.gather [hbm4b:s4+s16], $0x80, s16, s16, $0xb8;
	[tilespmem:$0x1E400] =	vst v63  }
0x25: {  	_ =	swait.ge [sflag:s19], $0x4000  }
0x26: {  	[sflag:s19] =	ssyncset.done $0x0  }
0x27: {  	[sflag:s19] =	ssyncadd.s32 $0xFFFFC000  }
0x28: {  	[spmem:s1] =	stream.indirect.scatter.add.f32 [tilespmem:s17], [sflag:$0x3], $0x80, s15, s16, $0xb8;
	[tilespmem:$0x1E400] =	vst v63  }
0x29: {  	_ =	swait.ge [sflag:s20], $0x4000  }
0x2a: {  	[sflag:s20] =	ssyncset.done $0x0  }
0x2b: {  	[sflag:s20] =	ssyncadd.s32 $0xFFFFC000  }
0x2c: {  	[tilespmem:s17], [sflag:$0x1] =	stream.indirect.gather [hbm4b:s4+s16], $0x80, s21, s16, $0xb8;
	[tilespmem:$0x1E400] =	vst v63  }
0x2d: {  	_ =	swait.ge [sflag:s22], $0x4000  }
0x2e: {  	[sflag:s22] =	ssyncset.done $0x0  }
0x2f: {  	[sflag:s22] =	ssyncadd.s32 $0xFFFFC000  }
0x30: {  	[spmem:s1] =	stream.indirect.scatter.add.f32 [tilespmem:s18], [sflag:$0x3], $0x80, s23, s16, $0xb8;
	[tilespmem:$0x1E400] =	vst v63  }
0x31: {  	_ =	swait.ge [sflag:s20], $0x4000  }
0x32: {  	[sflag:s20] =	ssyncset.done $0x0  }
0x33: {  	s29 =	simm.s32 $0x180;
	[sflag:s20] =	ssyncadd.s32 $0xFFFFC000  }
0x34: {  	[tilespmem:s18], [sflag:$0x2] =	stream.indirect.gather [hbm4b:s4+s16], $0x80, s29, s16, $0xb8;
	[tilespmem:$0x1E400] =	vst v63  }
0x35: {  	_ =	swait.ge [sflag:s19], $0x4000  }
0x36: {  	[sflag:s19] =	ssyncset.done $0x0  }
0x37: {  	s29 =	simm.s32 $0x1500;
	[sflag:s19] =	ssyncadd.s32 $0xFFFFC000  }
0x38: {  	[spmem:s1] =	stream.indirect.scatter.add.f32 [tilespmem:s17], [sflag:$0x3], $0x80, s29, s16, $0xb8;
	[tilespmem:$0x1E400] =	vst v63  }
0x39: {  	_ =	swait.ge [sflag:s20], $0x4000  }
0x3a: {  	[sflag:s20] =	ssyncset.done $0x0  }
0x3b: {  	s29 =	simm.s32 $0x200;
	[sflag:s20] =	ssyncadd.s32 $0xFFFFC000  }
0x3c: {  	[tilespmem:s17], [sflag:$0x1] =	stream.indirect.gather [hbm4b:s4+s16], $0x80, s29, s16, $0xb8;
	[tilespmem:$0x1E400] =	vst v63  }
0x3d: {  	_ =	swait.ge [sflag:s22], $0x4000  }
0x3e: {  	[sflag:s22] =	ssyncset.done $0x0  }
0x3f: {  	s30 =	simm.s32 $0x1580;
	s29 =	simm.s32 $0xFFFFBC00;
	[sflag:s22] =	ssyncadd.s32 $0xFFFFC000  }
.LBB2_2:
0x40: {  	[spmem:s1] =	stream.indirect.scatter.add.f32 [tilespmem:s18], [sflag:$0x3], $0x80, s30, s16, $0xb8;
	[tilespmem:$0x1E400] =	vst v63  }
0x41: {  	s30 =	smov.u32 s29  }
0x42: {  	p0 =	sne.s32 s29, $0xFFFFFC00;
	s29 =	sadd.s32 $0x400, s29;
	_ =	swait.ge [sflag:s20], $0x4000  }
0x43: {  	s30 =	sshra.s32 s30, $0x2;
	[sflag:s20] =	ssyncset.done $0x0  }
0x44: {  	s31 =	sadd.s32 $0x1380, s30;
	[sflag:s20] =	ssyncadd.s32 $0xFFFFC000  }
0x45: {  	[tilespmem:s18], [sflag:$0x2] =	stream.indirect.gather [hbm4b:s4+s16], $0x80, s31, s16, $0xb8;
	[tilespmem:$0x1E400] =	vst v63  }
0x46: {  	_ =	swait.ge [sflag:s19], $0x4000  }
0x47: {  	[sflag:s19] =	ssyncset.done $0x0  }
0x48: {  	s31 =	sadd.s32 $0x2700, s30;
	[sflag:s19] =	ssyncadd.s32 $0xFFFFC000  }
0x49: {  	[spmem:s1] =	stream.indirect.scatter.add.f32 [tilespmem:s17], [sflag:$0x3], $0x80, s31, s16, $0xb8;
	[tilespmem:$0x1E400] =	vst v63  }
0x4a: {  	_ =	swait.ge [sflag:s20], $0x4000  }
0x4b: {  	[sflag:s20] =	ssyncset.done $0x0  }
.Ltmp0:
0x4c: {  	s31 =	sadd.s32 $0x1400, s30;
	[sflag:s20] =	ssyncadd.s32 $0xFFFFC000;
	(pc) =	sbr.rel @p0 .LBB2_2-.Ltmp0, $4  }
0x4d: {  	[tilespmem:s17], [sflag:$0x1] =	stream.indirect.gather [hbm4b:s4+s16], $0x80, s31, s16, $0xb8;
	[tilespmem:$0x1E400] =	vst v63  }
0x4e: {  	_ =	swait.ge [sflag:s22], $0x4000  }
0x4f: {  	[sflag:s22] =	ssyncset.done $0x0  }
0x50: {  	s30 =	sadd.s32 $0x2780, s30;
	[sflag:s22] =	ssyncadd.s32 $0xFFFFC000  }
0x51: {  	[spmem:s1] =	stream.indirect.scatter.add.f32 [tilespmem:s18], [sflag:$0x3], $0x80, s30, s16, $0xb8;
	[tilespmem:$0x1E400] =	vst v63  }
0x52: {  	_ =	swait.ge [sflag:s20], $0x4000  }
0x53: {  	[sflag:s20] =	ssyncset.done $0x0  }
0x54: {  	[sflag:s20] =	ssyncadd.s32 $0xFFFFC000  }
0x55: {  	[tilespmem:s18], [sflag:$0x2] =	stream.indirect.gather [hbm4b:s4+s16], $0x80, s24, s16, $0xb8;
	[tilespmem:$0x1E400] =	vst v63  }
0x56: {  	_ =	swait.ge [sflag:s19], $0x4000  }
0x57: {  	[sflag:s19] =	ssyncset.done $0x0  }
0x58: {  	[sflag:s19] =	ssyncadd.s32 $0xFFFFC000  }
0x59: {  	[spmem:s1] =	stream.indirect.scatter.add.f32 [tilespmem:s17], [sflag:$0x3], $0x80, s25, s16, $0xb8;
	[tilespmem:$0x1E400] =	vst v63  }
0x5a: {  	_ =	swait.ge [sflag:s20], $0x4000  }
0x5b: {  	[sflag:s20] =	ssyncset.done $0x0  }
0x5c: {  	[sflag:s20] =	ssyncadd.s32 $0xFFFFC000  }
0x5d: {  	_ =	swait.ge [sflag:s22], $0x4000  }
0x5e: {  	[sflag:s22] =	ssyncset.done $0x0  }
0x5f: {  	[sflag:s22] =	ssyncadd.s32 $0xFFFFC000  }
0x60: {  	[spmem:s1] =	stream.indirect.scatter.add.f32 [tilespmem:s18], [sflag:$0x3], $0x80, s26, s16, $0xb8;
	[tilespmem:$0x1E400] =	vst v63  }
0x61: {  	_ =	swait.ge [sflag:s20], $0x4000  }
0x62: {  	[sflag:s20] =	ssyncset.done $0x0  }
0x63: {  	[sflag:s20] =	ssyncadd.s32 $0xFFFFC000  }
0x64: {  	[tilespmem:s3], [sflag:$0x4] =	stream.linear.gather [hbm4b:s9+s3], $0x1400, $0x38;
	[tilespmem:$0x1E400] =	vst v63  }
0x65: {  	_ =	swait.ge [sflag:s14], $0x1400  }
0x66: {  	[sflag:s14] =	ssyncset.done $0x0  }
0x67: {  	[sflag:s14] =	ssyncadd.s32 $0xFFFFEC00  }
0x68: {  	[tilespmem:s15], [sflag:$0x4] =	stream.linear.gather [hbm4b:s10+s3], $0x1400, $0x38;
	[tilespmem:$0x1E400] =	vst v63  }
0x69: {  	_ =	swait.ge [sflag:s14], $0x1400  }
0x6a: {  	[sflag:s14] =	ssyncset.done $0x0  }
0x6b: {  	[sflag:s14] =	ssyncadd.s32 $0xFFFFEC00  }
0x6c: {  	[tilespmem:s17], [sflag:$0x1] =	stream.indirect.gather [hbm4b:s4+s16], $0x80, s3, s16, $0xb8;
	[tilespmem:$0x1E400] =	vst v63  }
0x6d: {  	_ = 	snop  }
0x6e: {  	[tilespmem:s18], [sflag:$0x2] =	stream.indirect.gather [hbm4b:s4+s16], $0x80, s16, s16, $0xb8;
	[tilespmem:$0x1E400] =	vst v63  }
0x6f: {  	_ =	swait.ge [sflag:s19], $0x4000  }
0x70: {  	[sflag:s19] =	ssyncset.done $0x0  }
0x71: {  	[sflag:s19] =	ssyncadd.s32 $0xFFFFC000  }
0x72: {  	[spmem:s1] =	stream.indirect.scatter.add.f32 [tilespmem:s17], [sflag:$0x3], $0x80, s15, s16, $0xb8;
	[tilespmem:$0x1E400] =	vst v63  }
0x73: {  	_ =	swait.ge [sflag:s20], $0x4000  }
0x74: {  	[sflag:s20] =	ssyncset.done $0x0  }
0x75: {  	[sflag:s20] =	ssyncadd.s32 $0xFFFFC000  }
0x76: {  	[tilespmem:s17], [sflag:$0x1] =	stream.indirect.gather [hbm4b:s4+s16], $0x80, s21, s16, $0xb8;
	[tilespmem:$0x1E400] =	vst v63  }
0x77: {  	_ =	swait.ge [sflag:s22], $0x4000  }
0x78: {  	[sflag:s22] =	ssyncset.done $0x0  }
0x79: {  	[sflag:s22] =	ssyncadd.s32 $0xFFFFC000  }
0x7a: {  	[spmem:s1] =	stream.indirect.scatter.add.f32 [tilespmem:s18], [sflag:$0x3], $0x80, s23, s16, $0xb8;
	[tilespmem:$0x1E400] =	vst v63  }
0x7b: {  	_ =	swait.ge [sflag:s20], $0x4000  }
0x7c: {  	[sflag:s20] =	ssyncset.done $0x0  }
0x7d: {  	s29 =	simm.s32 $0x180;
	[sflag:s20] =	ssyncadd.s32 $0xFFFFC000  }
0x7e: {  	[tilespmem:s18], [sflag:$0x2] =	stream.indirect.gather [hbm4b:s4+s16], $0x80, s29, s16, $0xb8;
	[tilespmem:$0x1E400] =	vst v63  }
0x7f: {  	_ =	swait.ge [sflag:s19], $0x4000  }
0x80: {  	[sflag:s19] =	ssyncset.done $0x0  }
0x81: {  	s29 =	simm.s32 $0x1500;
	[sflag:s19] =	ssyncadd.s32 $0xFFFFC000  }
0x82: {  	[spmem:s1] =	stream.indirect.scatter.add.f32 [tilespmem:s17], [sflag:$0x3], $0x80, s29, s16, $0xb8;
	[tilespmem:$0x1E400] =	vst v63  }
0x83: {  	_ =	swait.ge [sflag:s20], $0x4000  }
0x84: {  	[sflag:s20] =	ssyncset.done $0x0  }
0x85: {  	s29 =	simm.s32 $0x200;
	[sflag:s20] =	ssyncadd.s32 $0xFFFFC000  }
0x86: {  	[tilespmem:s17], [sflag:$0x1] =	stream.indirect.gather [hbm4b:s4+s16], $0x80, s29, s16, $0xb8;
	[tilespmem:$0x1E400] =	vst v63  }
0x87: {  	_ =	swait.ge [sflag:s22], $0x4000  }
0x88: {  	[sflag:s22] =	ssyncset.done $0x0  }
0x89: {  	s30 =	simm.s32 $0x1580;
	s29 =	simm.s32 $0xFFFFBC00;
	[sflag:s22] =	ssyncadd.s32 $0xFFFFC000  }
.LBB2_4:
0x8a: {  	[spmem:s1] =	stream.indirect.scatter.add.f32 [tilespmem:s18], [sflag:$0x3], $0x80, s30, s16, $0xb8;
	[tilespmem:$0x1E400] =	vst v63  }
0x8b: {  	s30 =	smov.u32 s29  }
0x8c: {  	p0 =	sne.s32 s29, $0xFFFFFC00;
	s29 =	sadd.s32 $0x400, s29;
	_ =	swait.ge [sflag:s20], $0x4000  }
0x8d: {  	s30 =	sshra.s32 s30, $0x2;
	[sflag:s20] =	ssyncset.done $0x0  }
0x8e: {  	s31 =	sadd.s32 $0x1380, s30;
	[sflag:s20] =	ssyncadd.s32 $0xFFFFC000  }
0x8f: {  	[tilespmem:s18], [sflag:$0x2] =	stream.indirect.gather [hbm4b:s4+s16], $0x80, s31, s16, $0xb8;
	[tilespmem:$0x1E400] =	vst v63  }
0x90: {  	_ =	swait.ge [sflag:s19], $0x4000  }
0x91: {  	[sflag:s19] =	ssyncset.done $0x0  }
0x92: {  	s31 =	sadd.s32 $0x2700, s30;
	[sflag:s19] =	ssyncadd.s32 $0xFFFFC000  }
0x93: {  	[spmem:s1] =	stream.indirect.scatter.add.f32 [tilespmem:s17], [sflag:$0x3], $0x80, s31, s16, $0xb8;
	[tilespmem:$0x1E400] =	vst v63  }
0x94: {  	_ =	swait.ge [sflag:s20], $0x4000  }
0x95: {  	[sflag:s20] =	ssyncset.done $0x0  }
.Ltmp1:
0x96: {  	s31 =	sadd.s32 $0x1400, s30;
	[sflag:s20] =	ssyncadd.s32 $0xFFFFC000;
	(pc) =	sbr.rel @p0 .LBB2_4-.Ltmp1, $4  }
0x97: {  	[tilespmem:s17], [sflag:$0x1] =	stream.indirect.gather [hbm4b:s4+s16], $0x80, s31, s16, $0xb8;
	[tilespmem:$0x1E400] =	vst v63  }
0x98: {  	_ =	swait.ge [sflag:s22], $0x4000  }
0x99: {  	[sflag:s22] =	ssyncset.done $0x0  }
0x9a: {  	s30 =	sadd.s32 $0x2780, s30;
	[sflag:s22] =	ssyncadd.s32 $0xFFFFC000  }
0x9b: {  	[spmem:s1] =	stream.indirect.scatter.add.f32 [tilespmem:s18], [sflag:$0x3], $0x80, s30, s16, $0xb8;
	[tilespmem:$0x1E400] =	vst v63  }
0x9c: {  	_ =	swait.ge [sflag:s20], $0x4000  }
0x9d: {  	[sflag:s20] =	ssyncset.done $0x0  }
0x9e: {  	[sflag:s20] =	ssyncadd.s32 $0xFFFFC000  }
0x9f: {  	[tilespmem:s18], [sflag:$0x2] =	stream.indirect.gather [hbm4b:s4+s16], $0x80, s24, s16, $0xb8;
	[tilespmem:$0x1E400] =	vst v63  }
0xa0: {  	_ =	swait.ge [sflag:s19], $0x4000  }
0xa1: {  	[sflag:s19] =	ssyncset.done $0x0  }
0xa2: {  	[sflag:s19] =	ssyncadd.s32 $0xFFFFC000  }
0xa3: {  	[spmem:s1] =	stream.indirect.scatter.add.f32 [tilespmem:s17], [sflag:$0x3], $0x80, s25, s16, $0xb8;
	[tilespmem:$0x1E400] =	vst v63  }
0xa4: {  	_ =	swait.ge [sflag:s20], $0x4000  }
0xa5: {  	[sflag:s20] =	ssyncset.done $0x0  }
0xa6: {  	[sflag:s20] =	ssyncadd.s32 $0xFFFFC000  }
0xa7: {  	_ =	swait.ge [sflag:s22], $0x4000  }
0xa8: {  	[sflag:s22] =	ssyncset.done $0x0  }
0xa9: {  	[sflag:s22] =	ssyncadd.s32 $0xFFFFC000  }
0xaa: {  	[spmem:s1] =	stream.indirect.scatter.add.f32 [tilespmem:s18], [sflag:$0x3], $0x80, s26, s16, $0xb8;
	[tilespmem:$0x1E400] =	vst v63  }
0xab: {  	_ =	swait.ge [sflag:s20], $0x4000  }
0xac: {  	[sflag:s20] =	ssyncset.done $0x0  }
0xad: {  	s28 =	sadd.s32 $0x1, s28;
	[sflag:s20] =	ssyncadd.s32 $0xFFFFC000  }
0xae: {  	p0 =	sne.s32 s28, s12;
	[bflag:$0x0] =	sbarrier.arrive $0xFFFF  }
0xaf: {  	[hbm:s11], [sflag:s6] =	dma.local [spmem:s13], $0x2780  }
.Ltmp2:
0xb0: {  	_ =	swait.ge [sflag:s14], $0x2780;
	(pc) =	sbr.rel @p0 .LBB2_1-.Ltmp2, $3  }
0xb1: {  	[sflag:s14] =	ssyncset.done $0x0  }
0xb2: {  	[sflag:s14] =	ssyncadd.s32 $0xFFFFD880  }
0xb3: {  	[bflag:$0x0] =	sbarrier.arrive $0xFFFF;
	_ =	sdelay $0x1  }
0xb4: {  	_ =	sfence.sel $0x180000  }
0xb5: {  	[bflag:$0x0] =	sbarrier.arrive $0xFFFF  }
0xb6: {  	p0 =	sne.s32 s2, $0x0;
	_ =	strace $0x90000050  }
0xb7: {  	s0 =	sadd.s32 @!p0 $0x100000, s0;
	[bflag:$0x2] =	sbarrier.arrive $0xFFFF  }
0xb8: {  	[sflag:s0] =	ssyncadd.tile.s32 @!p0 $0x1;
	_ =	shalt  }
.Lfunc_end2:
_tile_overlayer_lowered:
.L_overlay_start_2:
0xb9: {  	(tag) =	ssettag $0x2  }
0xba: {  	s0 =	rddreg [dreg:$0x0];
	s2 =	stileid.u32  }
0xbb: {  	s1 =	rddreg [dreg:$0x1];
	p0 =	sne.s32 s2, $0x0  }
0xbc: {  	s3 =	rddreg [dreg:$0x2];
	[bflag:$0x3] =	sbarrier.arrive $0xFFFF;
	s2 =	simm.s32 @!p0 $0x1C04  }
0xbd: {  	[timem:s3], [sflag:s2] =	dma.local @!p0 [hbm:s0], s1  }
0xbe: {  	s0 =	simm.s32 @!p0 $0x4  }
0xbf: {  	_ =	swait.ge @!p0 [sflag:s0], s1  }
0xc0: {  	s1 =	ssub.s32 @!p0 $0x0, s1;
	[sflag:s0] =	ssyncset.done @!p0 $0x0  }
0xc1: {  	[sflag:s0] =	ssyncadd.s32 @!p0 s1  }
0xc2: {  	[bflag:$0x3] =	sbarrier.arrive $0xFFFF  }
0xc3: {  	_ =	shalt  }

</sc_bundles>
